<compile_context>
chip_gen: v7x
topology: tpu7x:2x2x1
jax: 0.10.2.dev20260603
libtpu: 0.0.44.dev20260713+nightly
codegen_flags: <defaults>
</compile_context>

<pallas_src>
import functools

import jax
import jax.numpy as jnp
from jax import lax
from jax.experimental import pallas as pl
from jax.experimental.pallas import tpu as pltpu
from jax.experimental.pallas import tpu_sc as plsc

E = 160000
D = 256
L = 16
NC = 2
NS = 16
NW = NC * NS
B = 64
E_PAD = -(-E // (NW * B)) * (NW * B)
EPW = E_PAD // NW
NCHUNK = EPW // B


def _dot_kernel(hu_hbm, ht_hbm, src_hbm, dst_hbm, out_hbm,
                idxu0, idxt0, urows0, trows0, semu0, semt0,
                idxu1, idxt1, urows1, trows1, semu1, semt1,
                out_v):
    wid = lax.axis_index("s") * NC + lax.axis_index("c")
    base = wid * EPW
    lanes = lax.iota(jnp.int32, L)
    idxu = (idxu0, idxu1)
    idxt = (idxt0, idxt1)
    urows = (urows0, urows1)
    trows = (trows0, trows1)
    semu = (semu0, semu1)
    semt = (semt0, semt1)

    def gather_start(b, c):
        start = base + c * B
        pltpu.sync_copy(src_hbm.at[pl.ds(start, B)], idxu[b])
        pltpu.sync_copy(dst_hbm.at[pl.ds(start, B)], idxt[b])
        pltpu.async_copy(hu_hbm.at[idxu[b]], urows[b], semu[b])
        pltpu.async_copy(ht_hbm.at[idxt[b]], trows[b], semt[b])

    def compute(b, c):
        uv, tv = urows[b], trows[b]

        def group_body(g, carry):
            res = jnp.zeros((L,), jnp.float32)
            for e16 in range(L):
                e = g * L + e16
                acc = uv[e, pl.ds(0, L)] * tv[e, pl.ds(0, L)]
                for k in range(1, D // L):
                    acc = acc + uv[e, pl.ds(k * L, L)] * tv[e, pl.ds(k * L, L)]
                res = jnp.where(lanes == e16, jnp.sum(acc), res)
            out_v[pl.ds(c * B + g * L, L)] = res
            return carry

        lax.fori_loop(0, B // L, group_body, 0, unroll=False)

    def outer(c, carry):
        compute(0, c)
        return carry

    lax.fori_loop(0, NCHUNK, outer, 0, unroll=False)
    pltpu.sync_copy(out_v, out_hbm.at[pl.ds(base, EPW)])


@jax.jit
def _run(h_user, h_track, src, dst):
    mesh = plsc.VectorSubcoreMesh(core_axis_name="c", subcore_axis_name="s")
    buf = [
        pltpu.VMEM((B,), jnp.int32),
        pltpu.VMEM((B,), jnp.int32),
        pltpu.VMEM((B, D), jnp.float32),
        pltpu.VMEM((B, D), jnp.float32),
        pltpu.SemaphoreType.DMA,
        pltpu.SemaphoreType.DMA,
    ]
    kern = functools.partial(
        pl.kernel,
        mesh=mesh,
        compiler_params=pltpu.CompilerParams(needs_layout_passes=False),
        out_type=jax.ShapeDtypeStruct((E_PAD,), jnp.float32),
        scratch_types=buf + buf + [pltpu.VMEM((EPW,), jnp.float32)],
    )(_dot_kernel)
    return kern(h_user, h_track, src, dst)


def kernel(h_user, h_track, edge_index):
    src = edge_index[0].astype(jnp.int32)
    dst = edge_index[1].astype(jnp.int32)
    pad = E_PAD - E
    src = jnp.concatenate([src, jnp.zeros((pad,), jnp.int32)])
    dst = jnp.concatenate([dst, jnp.zeros((pad,), jnp.int32)])
    return _run(h_user, h_track, src, dst)[:E]

# --- scband reference (transcript-rebuilt; emitter-appended) ---
"""Pipeline reference for scband-dot-predictor-31215822307967 (READ-ONLY COPY).

The authoritative reference and input builder live on the scoring server;
editing this copy changes nothing except your own understanding.
"""

import jax, jax.numpy as jnp
import numpy as np


def setup_inputs(seed: int = 0) -> dict:
    key = jax.random.key(seed)
    k1, k2, k3, k4 = jax.random.split(key, 4)
    h_user = jax.random.normal(k1, (10000, 256), dtype=jnp.float32)
    h_track = jax.random.normal(k2, (10000, 256), dtype=jnp.float32)
    src = jax.random.randint(k3, (160000,), 0, 10000, dtype=jnp.int64 if jax.config.jax_enable_x64 else jnp.int32)
    dst = jax.random.randint(k4, (160000,), 0, 10000, dtype=jnp.int64 if jax.config.jax_enable_x64 else jnp.int32)
    edge_index = jnp.stack([src, dst], axis=0)
    return {"h_user": h_user, "h_track": h_track, "edge_index": edge_index}


def reference(h_user, h_track, edge_index):
    # gather per-edge endpoint embeddings and compute dot product along feature dim
    u = jnp.take(h_user, edge_index[0], axis=0)   # [E, d]
    t = jnp.take(h_track, edge_index[1], axis=0)  # [E, d]
    return jnp.sum(u * t, axis=1)                 # [E]

if __name__ == "__main__":
    import jax
    _d = setup_inputs()
    print(jax.jit(kernel)(*tuple(_d.values())))

</pallas_src>

<mosaic_0001>
#map = affine_map<(d0, d1) -> (0, 0)>
#map1 = affine_map<(d0, d1) -> (0)>
module attributes {stable_mosaic.version = 14 : i64} {
  func.func @_dot_kernel(%arg0: i32, %arg1: i32, %arg2: memref<10000x256xf32, #tpu.memory_space<hbm>>, %arg3: memref<10000x256xf32, #tpu.memory_space<hbm>>, %arg4: memref<161792xi32, #tpu.memory_space<hbm>>, %arg5: memref<161792xi32, #tpu.memory_space<hbm>>, %arg6: memref<161792xf32, #tpu.memory_space<hbm>>, %arg7: memref<64xi32, #tpu.memory_space<vmem>>, %arg8: memref<64xi32, #tpu.memory_space<vmem>>, %arg9: memref<64x256xf32, #tpu.memory_space<vmem>>, %arg10: memref<64x256xf32, #tpu.memory_space<vmem>>, %arg11: memref<!tpu.dma_semaphore, #tpu.memory_space<semaphore_mem>>, %arg12: memref<!tpu.dma_semaphore, #tpu.memory_space<semaphore_mem>>, %arg13: memref<64xi32, #tpu.memory_space<vmem>>, %arg14: memref<64xi32, #tpu.memory_space<vmem>>, %arg15: memref<64x256xf32, #tpu.memory_space<vmem>>, %arg16: memref<64x256xf32, #tpu.memory_space<vmem>>, %arg17: memref<!tpu.dma_semaphore, #tpu.memory_space<semaphore_mem>>, %arg18: memref<!tpu.dma_semaphore, #tpu.memory_space<semaphore_mem>>, %arg19: memref<5056xf32, #tpu.memory_space<vmem>>) attributes {dimension_semantics = [#tpu.dimension_semantics<core_parallel>, #tpu.dimension_semantics<subcore_parallel>], iteration_bounds = array<i64: 2, 16>, scalar_prefetch = 0 : i64, scratch_operands = 13 : i64, tpu.core_type = #tpu.core_type<sc_vector_subcore>, window_params = [{transform_indices = #map}, {transform_indices = #map}, {transform_indices = #map1}, {transform_indices = #map1}, {transform_indices = #map1}]} {
    %mul3A = arith.constant 2 : i32
    %mul3A_0 = arith.muli %arg1, %mul3A : i32
    %add3A = arith.addi %mul3A_0, %arg0 : i32
    %mul3A_1 = arith.constant 5056 : i32
    %mul3A_2 = arith.muli %add3A, %mul3A_1 : i32
    %iota3A = tpu.iota {dimensions = array<i32: 0>} : vector<16xi32>
    %scan3A = arith.constant 0 : i32
    %scan3A_3 = arith.constant 0 : i32
    %scan3A_4 = arith.constant 79 : i32
    %scan3A_5 = arith.addi %scan3A_3, %scan3A_4 : i32
    %scan3A_6 = arith.constant 1 : i32
    scf.for %scan3A_8 = %scan3A_3 to %scan3A_5 step %scan3A_6  : i32 {
      %scan3A_9 = arith.constant 0 : i32
      %scan3A_10 = arith.constant 0 : i32
      %scan3A_11 = arith.constant 4 : i32
      %scan3A_12 = arith.addi %scan3A_10, %scan3A_11 : i32
      %scan3A_13 = arith.constant 1 : i32
      scf.for %scan3A_15 = %scan3A_10 to %scan3A_12 step %scan3A_13  : i32 {
        %broadcast_in_dim3A = arith.constant 0.000000e+00 : f32
        %broadcast_in_dim3A_16 = vector.broadcast %broadcast_in_dim3A : f32 to vector<16xf32>
        %mul3A_17 = arith.constant 16 : i32
        %mul3A_18 = arith.muli %scan3A_15, %mul3A_17 : i32
        %add3A_19 = arith.constant 0 : i32
        %add3A_20 = arith.addi %mul3A_18, %add3A_19 : i32
        %get3A = arith.index_cast %add3A_20 : i32 to index
        %get3A_21 = arith.constant 0 : index
        %get3A_22 = tpu.vector_load %arg9[%get3A, %get3A_21] {strides = array<i32>} : memref<64x256xf32, #tpu.memory_space<vmem>>, vector<16xf32>,
        %get3A_23 = arith.index_cast %add3A_20 : i32 to index
        %get3A_24 = arith.constant 0 : index
        %get3A_25 = tpu.vector_load %arg10[%get3A_23, %get3A_24] {strides = array<i32>} : memref<64x256xf32, #tpu.memory_space<vmem>>, vector<16xf32>,
        %mul3A_26 = arith.mulf %get3A_22, %get3A_25 : vector<16xf32>
        %get3A_27 = arith.index_cast %add3A_20 : i32 to index
        %get3A_28 = arith.constant 16 : index
        %get3A_29 = tpu.vector_load %arg9[%get3A_27, %get3A_28] {strides = array<i32>} : memref<64x256xf32, #tpu.memory_space<vmem>>, vector<16xf32>,
        %get3A_30 = arith.index_cast %add3A_20 : i32 to index
        %get3A_31 = arith.constant 16 : index
        %get3A_32 = tpu.vector_load %arg10[%get3A_30, %get3A_31] {strides = array<i32>} : memref<64x256xf32, #tpu.memory_space<vmem>>, vector<16xf32>,
        %mul3A_33 = arith.mulf %get3A_29, %get3A_32 : vector<16xf32>
        %add3A_34 = arith.addf %mul3A_26, %mul3A_33 : vector<16xf32>
        %get3A_35 = arith.index_cast %add3A_20 : i32 to index
        %get3A_36 = arith.constant 32 : index
        %get3A_37 = tpu.vector_load %arg9[%get3A_35, %get3A_36] {strides = array<i32>} : memref<64x256xf32, #tpu.memory_space<vmem>>, vector<16xf32>,
        %get3A_38 = arith.index_cast %add3A_20 : i32 to index
        %get3A_39 = arith.constant 32 : index
        %get3A_40 = tpu.vector_load %arg10[%get3A_38, %get3A_39] {strides = array<i32>} : memref<64x256xf32, #tpu.memory_space<vmem>>, vector<16xf32>,
        %mul3A_41 = arith.mulf %get3A_37, %get3A_40 : vector<16xf32>
        %add3A_42 = arith.addf %add3A_34, %mul3A_41 : vector<16xf32>
        %get3A_43 = arith.index_cast %add3A_20 : i32 to index
        %get3A_44 = arith.constant 48 : index
        %get3A_45 = tpu.vector_load %arg9[%get3A_43, %get3A_44] {strides = array<i32>} : memref<64x256xf32, #tpu.memory_space<vmem>>, vector<16xf32>,
        %get3A_46 = arith.index_cast %add3A_20 : i32 to index
        %get3A_47 = arith.constant 48 : index
        %get3A_48 = tpu.vector_load %arg10[%get3A_46, %get3A_47] {strides = array<i32>} : memref<64x256xf32, #tpu.memory_space<vmem>>, vector<16xf32>,
        %mul3A_49 = arith.mulf %get3A_45, %get3A_48 : vector<16xf32>
        %add3A_50 = arith.addf %add3A_42, %mul3A_49 : vector<16xf32>
        %get3A_51 = arith.index_cast %add3A_20 : i32 to index
        %get3A_52 = arith.constant 64 : index
        %get3A_53 = tpu.vector_load %arg9[%get3A_51, %get3A_52] {strides = array<i32>} : memref<64x256xf32, #tpu.memory_space<vmem>>, vector<16xf32>,
        %get3A_54 = arith.index_cast %add3A_20 : i32 to index
        %get3A_55 = arith.constant 64 : index
        %get3A_56 = tpu.vector_load %arg10[%get3A_54, %get3A_55] {strides = array<i32>} : memref<64x256xf32, #tpu.memory_space<vmem>>, vector<16xf32>,
        %mul3A_57 = arith.mulf %get3A_53, %get3A_56 : vector<16xf32>
        %add3A_58 = arith.addf %add3A_50, %mul3A_57 : vector<16xf32>
        %get3A_59 = arith.index_cast %add3A_20 : i32 to index
        %get3A_60 = arith.constant 80 : index
        %get3A_61 = tpu.vector_load %arg9[%get3A_59, %get3A_60] {strides = array<i32>} : memref<64x256xf32, #tpu.memory_space<vmem>>, vector<16xf32>,
        %get3A_62 = arith.index_cast %add3A_20 : i32 to index
        %get3A_63 = arith.constant 80 : index
        %get3A_64 = tpu.vector_load %arg10[%get3A_62, %get3A_63] {strides = array<i32>} : memref<64x256xf32, #tpu.memory_space<vmem>>, vector<16xf32>,
        %mul3A_65 = arith.mulf %get3A_61, %get3A_64 : vector<16xf32>
        %add3A_66 = arith.addf %add3A_58, %mul3A_65 : vector<16xf32>
        %get3A_67 = arith.index_cast %add3A_20 : i32 to index
        %get3A_68 = arith.constant 96 : index
        %get3A_69 = tpu.vector_load %arg9[%get3A_67, %get3A_68] {strides = array<i32>} : memref<64x256xf32, #tpu.memory_space<vmem>>, vector<16xf32>,
        %get3A_70 = arith.index_cast %add3A_20 : i32 to index
        %get3A_71 = arith.constant 96 : index
        %get3A_72 = tpu.vector_load %arg10[%get3A_70, %get3A_71] {strides = array<i32>} : memref<64x256xf32, #tpu.memory_space<vmem>>, vector<16xf32>,
        %mul3A_73 = arith.mulf %get3A_69, %get3A_72 : vector<16xf32>
        %add3A_74 = arith.addf %add3A_66, %mul3A_73 : vector<16xf32>
        %get3A_75 = arith.index_cast %add3A_20 : i32 to index
        %get3A_76 = arith.constant 112 : index
        %get3A_77 = tpu.vector_load %arg9[%get3A_75, %get3A_76] {strides = array<i32>} : memref<64x256xf32, #tpu.memory_space<vmem>>, vector<16xf32>,
        %get3A_78 = arith.index_cast %add3A_20 : i32 to index
        %get3A_79 = arith.constant 112 : index
        %get3A_80 = tpu.vector_load %arg10[%get3A_78, %get3A_79] {strides = array<i32>} : memref<64x256xf32, #tpu.memory_space<vmem>>, vector<16xf32>,
        %mul3A_81 = arith.mulf %get3A_77, %get3A_80 : vector<16xf32>
        %add3A_82 = arith.addf %add3A_74, %mul3A_81 : vector<16xf32>
        %get3A_83 = arith.index_cast %add3A_20 : i32 to index
        %get3A_84 = arith.constant 128 : index
        %get3A_85 = tpu.vector_load %arg9[%get3A_83, %get3A_84] {strides = array<i32>} : memref<64x256xf32, #tpu.memory_space<vmem>>, vector<16xf32>,
        %get3A_86 = arith.index_cast %add3A_20 : i32 to index
        %get3A_87 = arith.constant 128 : index
        %get3A_88 = tpu.vector_load %arg10[%get3A_86, %get3A_87] {strides = array<i32>} : memref<64x256xf32, #tpu.memory_space<vmem>>, vector<16xf32>,
        %mul3A_89 = arith.mulf %get3A_85, %get3A_88 : vector<16xf32>
        %add3A_90 = arith.addf %add3A_82, %mul3A_89 : vector<16xf32>
        %get3A_91 = arith.index_cast %add3A_20 : i32 to index
        %get3A_92 = arith.constant 144 : index
        %get3A_93 = tpu.vector_load %arg9[%get3A_91, %get3A_92] {strides = array<i32>} : memref<64x256xf32, #tpu.memory_space<vmem>>, vector<16xf32>,
        %get3A_94 = arith.index_cast %add3A_20 : i32 to index
        %get3A_95 = arith.constant 144 : index
        %get3A_96 = tpu.vector_load %arg10[%get3A_94, %get3A_95] {strides = array<i32>} : memref<64x256xf32, #tpu.memory_space<vmem>>, vector<16xf32>,
        %mul3A_97 = arith.mulf %get3A_93, %get3A_96 : vector<16xf32>
        %add3A_98 = arith.addf %add3A_90, %mul3A_97 : vector<16xf32>
        %get3A_99 = arith.index_cast %add3A_20 : i32 to index
        %get3A_100 = arith.constant 160 : index
        %get3A_101 = tpu.vector_load %arg9[%get3A_99, %get3A_100] {strides = array<i32>} : memref<64x256xf32, #tpu.memory_space<vmem>>, vector<16xf32>,
        %get3A_102 = arith.index_cast %add3A_20 : i32 to index
        %get3A_103 = arith.constant 160 : index
        %get3A_104 = tpu.vector_load %arg10[%get3A_102, %get3A_103] {strides = array<i32>} : memref<64x256xf32, #tpu.memory_space<vmem>>, vector<16xf32>,
        %mul3A_105 = arith.mulf %get3A_101, %get3A_104 : vector<16xf32>
        %add3A_106 = arith.addf %add3A_98, %mul3A_105 : vector<16xf32>
        %get3A_107 = arith.index_cast %add3A_20 : i32 to index
        %get3A_108 = arith.constant 176 : index
        %get3A_109 = tpu.vector_load %arg9[%get3A_107, %get3A_108] {strides = array<i32>} : memref<64x256xf32, #tpu.memory_space<vmem>>, vector<16xf32>,
        %get3A_110 = arith.index_cast %add3A_20 : i32 to index
        %get3A_111 = arith.constant 176 : index
        %get3A_112 = tpu.vector_load %arg10[%get3A_110, %get3A_111] {strides = array<i32>} : memref<64x256xf32, #tpu.memory_space<vmem>>, vector<16xf32>,
        %mul3A_113 = arith.mulf %get3A_109, %get3A_112 : vector<16xf32>
        %add3A_114 = arith.addf %add3A_106, %mul3A_113 : vector<16xf32>
        %get3A_115 = arith.index_cast %add3A_20 : i32 to index
        %get3A_116 = arith.constant 192 : index
        %get3A_117 = tpu.vector_load %arg9[%get3A_115, %get3A_116] {strides = array<i32>} : memref<64x256xf32, #tpu.memory_space<vmem>>, vector<16xf32>,
        %get3A_118 = arith.index_cast %add3A_20 : i32 to index
        %get3A_119 = arith.constant 192 : index
        %get3A_120 = tpu.vector_load %arg10[%get3A_118, %get3A_119] {strides = array<i32>} : memref<64x256xf32, #tpu.memory_space<vmem>>, vector<16xf32>,
        %mul3A_121 = arith.mulf %get3A_117, %get3A_120 : vector<16xf32>
        %add3A_122 = arith.addf %add3A_114, %mul3A_121 : vector<16xf32>
        %get3A_123 = arith.index_cast %add3A_20 : i32 to index
        %get3A_124 = arith.constant 208 : index
        %get3A_125 = tpu.vector_load %arg9[%get3A_123, %get3A_124] {strides = array<i32>} : memref<64x256xf32, #tpu.memory_space<vmem>>, vector<16xf32>,
        %get3A_126 = arith.index_cast %add3A_20 : i32 to index
        %get3A_127 = arith.constant 208 : index
        %get3A_128 = tpu.vector_load %arg10[%get3A_126, %get3A_127] {strides = array<i32>} : memref<64x256xf32, #tpu.memory_space<vmem>>, vector<16xf32>,
        %mul3A_129 = arith.mulf %get3A_125, %get3A_128 : vector<16xf32>
        %add3A_130 = arith.addf %add3A_122, %mul3A_129 : vector<16xf32>
        %get3A_131 = arith.index_cast %add3A_20 : i32 to index
        %get3A_132 = arith.constant 224 : index
        %get3A_133 = tpu.vector_load %arg9[%get3A_131, %get3A_132] {strides = array<i32>} : memref<64x256xf32, #tpu.memory_space<vmem>>, vector<16xf32>,
        %get3A_134 = arith.index_cast %add3A_20 : i32 to index
        %get3A_135 = arith.constant 224 : index
        %get3A_136 = tpu.vector_load %arg10[%get3A_134, %get3A_135] {strides = array<i32>} : memref<64x256xf32, #tpu.memory_space<vmem>>, vector<16xf32>,
        %mul3A_137 = arith.mulf %get3A_133, %get3A_136 : vector<16xf32>
        %add3A_138 = arith.addf %add3A_130, %mul3A_137 : vector<16xf32>
        %get3A_139 = arith.index_cast %add3A_20 : i32 to index
        %get3A_140 = arith.constant 240 : index
        %get3A_141 = tpu.vector_load %arg9[%get3A_139, %get3A_140] {strides = array<i32>} : memref<64x256xf32, #tpu.memory_space<vmem>>, vector<16xf32>,
        %get3A_142 = arith.index_cast %add3A_20 : i32 to index
        %get3A_143 = arith.constant 240 : index
        %get3A_144 = tpu.vector_load %arg10[%get3A_142, %get3A_143] {strides = array<i32>} : memref<64x256xf32, #tpu.memory_space<vmem>>, vector<16xf32>,
        %mul3A_145 = arith.mulf %get3A_141, %get3A_144 : vector<16xf32>
        %add3A_146 = arith.addf %add3A_138, %mul3A_145 : vector<16xf32>
        %eq3A = arith.constant 0 : i32
        %eq3A_147 = vector.broadcast %eq3A : i32 to vector<16xi32>
        %eq3A_148 = arith.cmpi eq, %iota3A, %eq3A_147 : vector<16xi32>
        %reduce_sum3A = arith.constant true
        %reduce_sum3A_149 = vector.broadcast %reduce_sum3A : i1 to vector<16xi1>
        %reduce_sum3A_150 = tpu.scan <sum>, %add3A_146 masked %reduce_sum3A_149 : vector<16xf32>, vector<16xi1> -> vector<16xf32>
        %reduce_sum3A_151 = vector.extract %reduce_sum3A_150[15] : f32 from vector<16xf32>
        %broadcast_in_dim3A_152 = vector.broadcast %reduce_sum3A_151 : f32 to vector<16xf32>
        %select_n3A = arith.select %eq3A_148, %broadcast_in_dim3A_152, %broadcast_in_dim3A_16 : vector<16xi1>, vector<16xf32>
        %mul3A_153 = arith.constant 16 : i32
        %mul3A_154 = arith.muli %scan3A_15, %mul3A_153 : i32
        %add3A_155 = arith.constant 1 : i32
        %add3A_156 = arith.addi %mul3A_154, %add3A_155 : i32
        %get3A_157 = arith.index_cast %add3A_156 : i32 to index
        %get3A_158 = arith.constant 0 : index
        %get3A_159 = tpu.vector_load %arg9[%get3A_157, %get3A_158] {strides = array<i32>} : memref<64x256xf32, #tpu.memory_space<vmem>>, vector<16xf32>,
        %get3A_160 = arith.index_cast %add3A_156 : i32 to index
        %get3A_161 = arith.constant 0 : index
        %get3A_162 = tpu.vector_load %arg10[%get3A_160, %get3A_161] {strides = array<i32>} : memref<64x256xf32, #tpu.memory_space<vmem>>, vector<16xf32>,
        %mul3A_163 = arith.mulf %get3A_159, %get3A_162 : vector<16xf32>
        %get3A_164 = arith.index_cast %add3A_156 : i32 to index
        %get3A_165 = arith.constant 16 : index
        %get3A_166 = tpu.vector_load %arg9[%get3A_164, %get3A_165] {strides = array<i32>} : memref<64x256xf32, #tpu.memory_space<vmem>>, vector<16xf32>,
        %get3A_167 = arith.index_cast %add3A_156 : i32 to index
        %get3A_168 = arith.constant 16 : index
        %get3A_169 = tpu.vector_load %arg10[%get3A_167, %get3A_168] {strides = array<i32>} : memref<64x256xf32, #tpu.memory_space<vmem>>, vector<16xf32>,
        %mul3A_170 = arith.mulf %get3A_166, %get3A_169 : vector<16xf32>
        %add3A_171 = arith.addf %mul3A_163, %mul3A_170 : vector<16xf32>
        %get3A_172 = arith.index_cast %add3A_156 : i32 to index
        %get3A_173 = arith.constant 32 : index
        %get3A_174 = tpu.vector_load %arg9[%get3A_172, %get3A_173] {strides = array<i32>} : memref<64x256xf32, #tpu.memory_space<vmem>>, vector<16xf32>,
        %get3A_175 = arith.index_cast %add3A_156 : i32 to index
        %get3A_176 = arith.constant 32 : index
        %get3A_177 = tpu.vector_load %arg10[%get3A_175, %get3A_176] {strides = array<i32>} : memref<64x256xf32, #tpu.memory_space<vmem>>, vector<16xf32>,
        %mul3A_178 = arith.mulf %get3A_174, %get3A_177 : vector<16xf32>
        %add3A_179 = arith.addf %add3A_171, %mul3A_178 : vector<16xf32>
        %get3A_180 = arith.index_cast %add3A_156 : i32 to index
        %get3A_181 = arith.constant 48 : index
        %get3A_182 = tpu.vector_load %arg9[%get3A_180, %get3A_181] {strides = array<i32>} : memref<64x256xf32, #tpu.memory_space<vmem>>, vector<16xf32>,
        %get3A_183 = arith.index_cast %add3A_156 : i32 to index
        %get3A_184 = arith.constant 48 : index
        %get3A_185 = tpu.vector_load %arg10[%get3A_183, %get3A_184] {strides = array<i32>} : memref<64x256xf32, #tpu.memory_space<vmem>>, vector<16xf32>,
        %mul3A_186 = arith.mulf %get3A_182, %get3A_185 : vector<16xf32>
        %add3A_187 = arith.addf %add3A_179, %mul3A_186 : vector<16xf32>
        %get3A_188 = arith.index_cast %add3A_156 : i32 to index
        %get3A_189 = arith.constant 64 : index
        %get3A_190 = tpu.vector_load %arg9[%get3A_188, %get3A_189] {strides = array<i32>} : memref<64x256xf32, #tpu.memory_space<vmem>>, vector<16xf32>,
        %get3A_191 = arith.index_cast %add3A_156 : i32 to index
        %get3A_192 = arith.constant 64 : index
        %get3A_193 = tpu.vector_load %arg10[%get3A_191, %get3A_192] {strides = array<i32>} : memref<64x256xf32, #tpu.memory_space<vmem>>, vector<16xf32>,
        %mul3A_194 = arith.mulf %get3A_190, %get3A_193 : vector<16xf32>
        %add3A_195 = arith.addf %add3A_187, %mul3A_194 : vector<16xf32>
        %get3A_196 = arith.index_cast %add3A_156 : i32 to index
        %get3A_197 = arith.constant 80 : index
        %get3A_198 = tpu.vector_load %arg9[%get3A_196, %get3A_197] {strides = array<i32>} : memref<64x256xf32, #tpu.memory_space<vmem>>, vector<16xf32>,
        %get3A_199 = arith.index_cast %add3A_156 : i32 to index
        %get3A_200 = arith.constant 80 : index
        %get3A_201 = tpu.vector_load %arg10[%get3A_199, %get3A_200] {strides = array<i32>} : memref<64x256xf32, #tpu.memory_space<vmem>>, vector<16xf32>,
        %mul3A_202 = arith.mulf %get3A_198, %get3A_201 : vector<16xf32>
        %add3A_203 = arith.addf %add3A_195, %mul3A_202 : vector<16xf32>
        %get3A_204 = arith.index_cast %add3A_156 : i32 to index
        %get3A_205 = arith.constant 96 : index
        %get3A_206 = tpu.vector_load %arg9[%get3A_204, %get3A_205] {strides = array<i32>} : memref<64x256xf32, #tpu.memory_space<vmem>>, vector<16xf32>,
        %get3A_207 = arith.index_cast %add3A_156 : i32 to index
        %get3A_208 = arith.constant 96 : index
        %get3A_209 = tpu.vector_load %arg10[%get3A_207, %get3A_208] {strides = array<i32>} : memref<64x256xf32, #tpu.memory_space<vmem>>, vector<16xf32>,
        %mul3A_210 = arith.mulf %get3A_206, %get3A_209 : vector<16xf32>
        %add3A_211 = arith.addf %add3A_203, %mul3A_210 : vector<16xf32>
        %get3A_212 = arith.index_cast %add3A_156 : i32 to index
        %get3A_213 = arith.constant 112 : index
        %get3A_214 = tpu.vector_load %arg9[%get3A_212, %get3A_213] {strides = array<i32>} : memref<64x256xf32, #tpu.memory_space<vmem>>, vector<16xf32>,
        %get3A_215 = arith.index_cast %add3A_156 : i32 to index
        %get3A_216 = arith.constant 112 : index
        %get3A_217 = tpu.vector_load %arg10[%get3A_215, %get3A_216] {strides = array<i32>} : memref<64x256xf32, #tpu.memory_space<vmem>>, vector<16xf32>,
        %mul3A_218 = arith.mulf %get3A_214, %get3A_217 : vector<16xf32>
        %add3A_219 = arith.addf %add3A_211, %mul3A_218 : vector<16xf32>
        %get3A_220 = arith.index_cast %add3A_156 : i32 to index
        %get3A_221 = arith.constant 128 : index
        %get3A_222 = tpu.vector_load %arg9[%get3A_220, %get3A_221] {strides = array<i32>} : memref<64x256xf32, #tpu.memory_space<vmem>>, vector<16xf32>,
        %get3A_223 = arith.index_cast %add3A_156 : i32 to index
        %get3A_224 = arith.constant 128 : index
        %get3A_225 = tpu.vector_load %arg10[%get3A_223, %get3A_224] {strides = array<i32>} : memref<64x256xf32, #tpu.memory_space<vmem>>, vector<16xf32>,
        %mul3A_226 = arith.mulf %get3A_222, %get3A_225 : vector<16xf32>
        %add3A_227 = arith.addf %add3A_219, %mul3A_226 : vector<16xf32>
        %get3A_228 = arith.index_cast %add3A_156 : i32 to index
        %get3A_229 = arith.constant 144 : index
        %get3A_230 = tpu.vector_load %arg9[%get3A_228, %get3A_229] {strides = array<i32>} : memref<64x256xf32, #tpu.memory_space<vmem>>, vector<16xf32>,
        %get3A_231 = arith.index_cast %add3A_156 : i32 to index
        %get3A_232 = arith.constant 144 : index
        %get3A_233 = tpu.vector_load %arg10[%get3A_231, %get3A_232] {strides = array<i32>} : memref<64x256xf32, #tpu.memory_space<vmem>>, vector<16xf32>,
        %mul3A_234 = arith.mulf %get3A_230, %get3A_233 : vector<16xf32>
        %add3A_235 = arith.addf %add3A_227, %mul3A_234 : vector<16xf32>
        %get3A_236 = arith.index_cast %add3A_156 : i32 to index
        %get3A_237 = arith.constant 160 : index
        %get3A_238 = tpu.vector_load %arg9[%get3A_236, %get3A_237] {strides = array<i32>} : memref<64x256xf32, #tpu.memory_space<vmem>>, vector<16xf32>,
        %get3A_239 = arith.index_cast %add3A_156 : i32 to index
        %get3A_240 = arith.constant 160 : index
        %get3A_241 = tpu.vector_load %arg10[%get3A_239, %get3A_240] {strides = array<i32>} : memref<64x256xf32, #tpu.memory_space<vmem>>, vector<16xf32>,
        %mul3A_242 = arith.mulf %get3A_238, %get3A_241 : vector<16xf32>
        %add3A_243 = arith.addf %add3A_235, %mul3A_242 : vector<16xf32>
        %get3A_244 = arith.index_cast %add3A_156 : i32 to index
        %get3A_245 = arith.constant 176 : index
        %get3A_246 = tpu.vector_load %arg9[%get3A_244, %get3A_245] {strides = array<i32>} : memref<64x256xf32, #tpu.memory_space<vmem>>, vector<16xf32>,
        %get3A_247 = arith.index_cast %add3A_156 : i32 to index
        %get3A_248 = arith.constant 176 : index
        %get3A_249 = tpu.vector_load %arg10[%get3A_247, %get3A_248] {strides = array<i32>} : memref<64x256xf32, #tpu.memory_space<vmem>>, vector<16xf32>,
        %mul3A_250 = arith.mulf %get3A_246, %get3A_249 : vector<16xf32>
        %add3A_251 = arith.addf %add3A_243, %mul3A_250 : vector<16xf32>
        %get3A_252 = arith.index_cast %add3A_156 : i32 to index
        %get3A_253 = arith.constant 192 : index
        %get3A_254 = tpu.vector_load %arg9[%get3A_252, %get3A_253] {strides = array<i32>} : memref<64x256xf32, #tpu.memory_space<vmem>>, vector<16xf32>,
        %get3A_255 = arith.index_cast %add3A_156 : i32 to index
        %get3A_256 = arith.constant 192 : index
        %get3A_257 = tpu.vector_load %arg10[%get3A_255, %get3A_256] {strides = array<i32>} : memref<64x256xf32, #tpu.memory_space<vmem>>, vector<16xf32>,
        %mul3A_258 = arith.mulf %get3A_254, %get3A_257 : vector<16xf32>
        %add3A_259 = arith.addf %add3A_251, %mul3A_258 : vector<16xf32>
        %get3A_260 = arith.index_cast %add3A_156 : i32 to index
        %get3A_261 = arith.constant 208 : index
        %get3A_262 = tpu.vector_load %arg9[%get3A_260, %get3A_261] {strides = array<i32>} : memref<64x256xf32, #tpu.memory_space<vmem>>, vector<16xf32>,
        %get3A_263 = arith.index_cast %add3A_156 : i32 to index
        %get3A_264 = arith.constant 208 : index
        %get3A_265 = tpu.vector_load %arg10[%get3A_263, %get3A_264] {strides = array<i32>} : memref<64x256xf32, #tpu.memory_space<vmem>>, vector<16xf32>,
        %mul3A_266 = arith.mulf %get3A_262, %get3A_265 : vector<16xf32>
        %add3A_267 = arith.addf %add3A_259, %mul3A_266 : vector<16xf32>
        %get3A_268 = arith.index_cast %add3A_156 : i32 to index
        %get3A_269 = arith.constant 224 : index
        %get3A_270 = tpu.vector_load %arg9[%get3A_268, %get3A_269] {strides = array<i32>} : memref<64x256xf32, #tpu.memory_space<vmem>>, vector<16xf32>,
        %get3A_271 = arith.index_cast %add3A_156 : i32 to index
        %get3A_272 = arith.constant 224 : index
        %get3A_273 = tpu.vector_load %arg10[%get3A_271, %get3A_272] {strides = array<i32>} : memref<64x256xf32, #tpu.memory_space<vmem>>, vector<16xf32>,
        %mul3A_274 = arith.mulf %get3A_270, %get3A_273 : vector<16xf32>
        %add3A_275 = arith.addf %add3A_267, %mul3A_274 : vector<16xf32>
        %get3A_276 = arith.index_cast %add3A_156 : i32 to index
        %get3A_277 = arith.constant 240 : index
        %get3A_278 = tpu.vector_load %arg9[%get3A_276, %get3A_277] {strides = array<i32>} : memref<64x256xf32, #tpu.memory_space<vmem>>, vector<16xf32>,
        %get3A_279 = arith.index_cast %add3A_156 : i32 to index
        %get3A_280 = arith.constant 240 : index
        %get3A_281 = tpu.vector_load %arg10[%get3A_279, %get3A_280] {strides = array<i32>} : memref<64x256xf32, #tpu.memory_space<vmem>>, vector<16xf32>,
        %mul3A_282 = arith.mulf %get3A_278, %get3A_281 : vector<16xf32>
        %add3A_283 = arith.addf %add3A_275, %mul3A_282 : vector<16xf32>
        %eq3A_284 = arith.constant 1 : i32
        %eq3A_285 = vector.broadcast %eq3A_284 : i32 to vector<16xi32>
        %eq3A_286 = arith.cmpi eq, %iota3A, %eq3A_285 : vector<16xi32>
        %reduce_sum3A_287 = arith.constant true
        %reduce_sum3A_288 = vector.broadcast %reduce_sum3A_287 : i1 to vector<16xi1>
        %reduce_sum3A_289 = tpu.scan <sum>, %add3A_283 masked %reduce_sum3A_288 : vector<16xf32>, vector<16xi1> -> vector<16xf32>
        %reduce_sum3A_290 = vector.extract %reduce_sum3A_289[15] : f32 from vector<16xf32>
        %broadcast_in_dim3A_291 = vector.broadcast %reduce_sum3A_290 : f32 to vector<16xf32>
        %select_n3A_292 = arith.select %eq3A_286, %broadcast_in_dim3A_291, %select_n3A : vector<16xi1>, vector<16xf32>
        %mul3A_293 = arith.constant 16 : i32
        %mul3A_294 = arith.muli %scan3A_15, %mul3A_293 : i32
        %add3A_295 = arith.constant 2 : i32
        %add3A_296 = arith.addi %mul3A_294, %add3A_295 : i32
        %get3A_297 = arith.index_cast %add3A_296 : i32 to index
        %get3A_298 = arith.constant 0 : index
        %get3A_299 = tpu.vector_load %arg9[%get3A_297, %get3A_298] {strides = array<i32>} : memref<64x256xf32, #tpu.memory_space<vmem>>, vector<16xf32>,
        %get3A_300 = arith.index_cast %add3A_296 : i32 to index
        %get3A_301 = arith.constant 0 : index
        %get3A_302 = tpu.vector_load %arg10[%get3A_300, %get3A_301] {strides = array<i32>} : memref<64x256xf32, #tpu.memory_space<vmem>>, vector<16xf32>,
        %mul3A_303 = arith.mulf %get3A_299, %get3A_302 : vector<16xf32>
        %get3A_304 = arith.index_cast %add3A_296 : i32 to index
        %get3A_305 = arith.constant 16 : index
        %get3A_306 = tpu.vector_load %arg9[%get3A_304, %get3A_305] {strides = array<i32>} : memref<64x256xf32, #tpu.memory_space<vmem>>, vector<16xf32>,
        %get3A_307 = arith.index_cast %add3A_296 : i32 to index
        %get3A_308 = arith.constant 16 : index
        %get3A_309 = tpu.vector_load %arg10[%get3A_307, %get3A_308] {strides = array<i32>} : memref<64x256xf32, #tpu.memory_space<vmem>>, vector<16xf32>,
        %mul3A_310 = arith.mulf %get3A_306, %get3A_309 : vector<16xf32>
        %add3A_311 = arith.addf %mul3A_303, %mul3A_310 : vector<16xf32>
        %get3A_312 = arith.index_cast %add3A_296 : i32 to index
        %get3A_313 = arith.constant 32 : index
        %get3A_314 = tpu.vector_load %arg9[%get3A_312, %get3A_313] {strides = array<i32>} : memref<64x256xf32, #tpu.memory_space<vmem>>, vector<16xf32>,
        %get3A_315 = arith.index_cast %add3A_296 : i32 to index
        %get3A_316 = arith.constant 32 : index
        %get3A_317 = tpu.vector_load %arg10[%get3A_315, %get3A_316] {strides = array<i32>} : memref<64x256xf32, #tpu.memory_space<vmem>>, vector<16xf32>,
        %mul3A_318 = arith.mulf %get3A_314, %get3A_317 : vector<16xf32>
        %add3A_319 = arith.addf %add3A_311, %mul3A_318 : vector<16xf32>
        %get3A_320 = arith.index_cast %add3A_296 : i32 to index
        %get3A_321 = arith.constant 48 : index
        %get3A_322 = tpu.vector_load %arg9[%get3A_320, %get3A_321] {strides = array<i32>} : memref<64x256xf32, #tpu.memory_space<vmem>>, vector<16xf32>,
        %get3A_323 = arith.index_cast %add3A_296 : i32 to index
        %get3A_324 = arith.constant 48 : index
        %get3A_325 = tpu.vector_load %arg10[%get3A_323, %get3A_324] {strides = array<i32>} : memref<64x256xf32, #tpu.memory_space<vmem>>, vector<16xf32>,
        %mul3A_326 = arith.mulf %get3A_322, %get3A_325 : vector<16xf32>
        %add3A_327 = arith.addf %add3A_319, %mul3A_326 : vector<16xf32>
        %get3A_328 = arith.index_cast %add3A_296 : i32 to index
        %get3A_329 = arith.constant 64 : index
        %get3A_330 = tpu.vector_load %arg9[%get3A_328, %get3A_329] {strides = array<i32>} : memref<64x256xf32, #tpu.memory_space<vmem>>, vector<16xf32>,
        %get3A_331 = arith.index_cast %add3A_296 : i32 to index
        %get3A_332 = arith.constant 64 : index
        %get3A_333 = tpu.vector_load %arg10[%get3A_331, %get3A_332] {strides = array<i32>} : memref<64x256xf32, #tpu.memory_space<vmem>>, vector<16xf32>,
        %mul3A_334 = arith.mulf %get3A_330, %get3A_333 : vector<16xf32>
        %add3A_335 = arith.addf %add3A_327, %mul3A_334 : vector<16xf32>
        %get3A_336 = arith.index_cast %add3A_296 : i32 to index
        %get3A_337 = arith.constant 80 : index
        %get3A_338 = tpu.vector_load %arg9[%get3A_336, %get3A_337] {strides = array<i32>} : memref<64x256xf32, #tpu.memory_space<vmem>>, vector<16xf32>,
        %get3A_339 = arith.index_cast %add3A_296 : i32 to index
        %get3A_340 = arith.constant 80 : index
        %get3A_341 = tpu.vector_load %arg10[%get3A_339, %get3A_340] {strides = array<i32>} : memref<64x256xf32, #tpu.memory_space<vmem>>, vector<16xf32>,
        %mul3A_342 = arith.mulf %get3A_338, %get3A_341 : vector<16xf32>
        %add3A_343 = arith.addf %add3A_335, %mul3A_342 : vector<16xf32>
        %get3A_344 = arith.index_cast %add3A_296 : i32 to index
        %get3A_345 = arith.constant 96 : index
        %get3A_346 = tpu.vector_load %arg9[%get3A_344, %get3A_345] {strides = array<i32>} : memref<64x256xf32, #tpu.memory_space<vmem>>, vector<16xf32>,
        %get3A_347 = arith.index_cast %add3A_296 : i32 to index
        %get3A_348 = arith.constant 96 : index
        %get3A_349 = tpu.vector_load %arg10[%get3A_347, %get3A_348] {strides = array<i32>} : memref<64x256xf32, #tpu.memory_space<vmem>>, vector<16xf32>,
        %mul3A_350 = arith.mulf %get3A_346, %get3A_349 : vector<16xf32>
        %add3A_351 = arith.addf %add3A_343, %mul3A_350 : vector<16xf32>
        %get3A_352 = arith.index_cast %add3A_296 : i32 to index
        %get3A_353 = arith.constant 112 : index
        %get3A_354 = tpu.vector_load %arg9[%get3A_352, %get3A_353] {strides = array<i32>} : memref<64x256xf32, #tpu.memory_space<vmem>>, vector<16xf32>,
        %get3A_355 = arith.index_cast %add3A_296 : i32 to index
        %get3A_356 = arith.constant 112 : index
        %get3A_357 = tpu.vector_load %arg10[%get3A_355, %get3A_356] {strides = array<i32>} : memref<64x256xf32, #tpu.memory_space<vmem>>, vector<16xf32>,
        %mul3A_358 = arith.mulf %get3A_354, %get3A_357 : vector<16xf32>
        %add3A_359 = arith.addf %add3A_351, %mul3A_358 : vector<16xf32>
        %get3A_360 = arith.index_cast %add3A_296 : i32 to index
        %get3A_361 = arith.constant 128 : index
        %get3A_362 = tpu.vector_load %arg9[%get3A_360, %get3A_361] {strides = array<i32>} : memref<64x256xf32, #tpu.memory_space<vmem>>, vector<16xf32>,
        %get3A_363 = arith.index_cast %add3A_296 : i32 to index
        %get3A_364 = arith.constant 128 : index
        %get3A_365 = tpu.vector_load %arg10[%get3A_363, %get3A_364] {strides = array<i32>} : memref<64x256xf32, #tpu.memory_space<vmem>>, vector<16xf32>,
        %mul3A_366 = arith.mulf %get3A_362, %get3A_365 : vector<16xf32>
        %add3A_367 = arith.addf %add3A_359, %mul3A_366 : vector<16xf32>
        %get3A_368 = arith.index_cast %add3A_296 : i32 to index
        %get3A_369 = arith.constant 144 : index
        %get3A_370 = tpu.vector_load %arg9[%get3A_368, %get3A_369] {strides = array<i32>} : memref<64x256xf32, #tpu.memory_space<vmem>>, vector<16xf32>,
        %get3A_371 = arith.index_cast %add3A_296 : i32 to index
        %get3A_372 = arith.constant 144 : index
        %get3A_373 = tpu.vector_load %arg10[%get3A_371, %get3A_372] {strides = array<i32>} : memref<64x256xf32, #tpu.memory_space<vmem>>, vector<16xf32>,
        %mul3A_374 = arith.mulf %get3A_370, %get3A_373 : vector<16xf32>
        %add3A_375 = arith.addf %add3A_367, %mul3A_374 : vector<16xf32>
        %get3A_376 = arith.index_cast %add3A_296 : i32 to index
        %get3A_377 = arith.constant 160 : index
        %get3A_378 = tpu.vector_load %arg9[%get3A_376, %get3A_377] {strides = array<i32>} : memref<64x256xf32, #tpu.memory_space<vmem>>, vector<16xf32>,
        %get3A_379 = arith.index_cast %add3A_296 : i32 to index
        %get3A_380 = arith.constant 160 : index
        %get3A_381 = tpu.vector_load %arg10[%get3A_379, %get3A_380] {strides = array<i32>} : memref<64x256xf32, #tpu.memory_space<vmem>>, vector<16xf32>,
        %mul3A_382 = arith.mulf %get3A_378, %get3A_381 : vector<16xf32>
        %add3A_383 = arith.addf %add3A_375, %mul3A_382 : vector<16xf32>
        %get3A_384 = arith.index_cast %add3A_296 : i32 to index
        %get3A_385 = arith.constant 176 : index
        %get3A_386 = tpu.vector_load %arg9[%get3A_384, %get3A_385] {strides = array<i32>} : memref<64x256xf32, #tpu.memory_space<vmem>>, vector<16xf32>,
        %get3A_387 = arith.index_cast %add3A_296 : i32 to index
        %get3A_388 = arith.constant 176 : index
        %get3A_389 = tpu.vector_load %arg10[%get3A_387, %get3A_388] {strides = array<i32>} : memref<64x256xf32, #tpu.memory_space<vmem>>, vector<16xf32>,
        %mul3A_390 = arith.mulf %get3A_386, %get3A_389 : vector<16xf32>
        %add3A_391 = arith.addf %add3A_383, %mul3A_390 : vector<16xf32>
        %get3A_392 = arith.index_cast %add3A_296 : i32 to index
        %get3A_393 = arith.constant 192 : index
        %get3A_394 = tpu.vector_load %arg9[%get3A_392, %get3A_393] {strides = array<i32>} : memref<64x256xf32, #tpu.memory_space<vmem>>, vector<16xf32>,
        %get3A_395 = arith.index_cast %add3A_296 : i32 to index
        %get3A_396 = arith.constant 192 : index
        %get3A_397 = tpu.vector_load %arg10[%get3A_395, %get3A_396] {strides = array<i32>} : memref<64x256xf32, #tpu.memory_space<vmem>>, vector<16xf32>,
        %mul3A_398 = arith.mulf %get3A_394, %get3A_397 : vector<16xf32>
        %add3A_399 = arith.addf %add3A_391, %mul3A_398 : vector<16xf32>
        %get3A_400 = arith.index_cast %add3A_296 : i32 to index
        %get3A_401 = arith.constant 208 : index
        %get3A_402 = tpu.vector_load %arg9[%get3A_400, %get3A_401] {strides = array<i32>} : memref<64x256xf32, #tpu.memory_space<vmem>>, vector<16xf32>,
        %get3A_403 = arith.index_cast %add3A_296 : i32 to index
        %get3A_404 = arith.constant 208 : index
        %get3A_405 = tpu.vector_load %arg10[%get3A_403, %get3A_404] {strides = array<i32>} : memref<64x256xf32, #tpu.memory_space<vmem>>, vector<16xf32>,
        %mul3A_406 = arith.mulf %get3A_402, %get3A_405 : vector<16xf32>
        %add3A_407 = arith.addf %add3A_399, %mul3A_406 : vector<16xf32>
        %get3A_408 = arith.index_cast %add3A_296 : i32 to index
        %get3A_409 = arith.constant 224 : index
        %get3A_410 = tpu.vector_load %arg9[%get3A_408, %get3A_409] {strides = array<i32>} : memref<64x256xf32, #tpu.memory_space<vmem>>, vector<16xf32>,
        %get3A_411 = arith.index_cast %add3A_296 : i32 to index
        %get3A_412 = arith.constant 224 : index
        %get3A_413 = tpu.vector_load %arg10[%get3A_411, %get3A_412] {strides = array<i32>} : memref<64x256xf32, #tpu.memory_space<vmem>>, vector<16xf32>,
        %mul3A_414 = arith.mulf %get3A_410, %get3A_413 : vector<16xf32>
        %add3A_415 = arith.addf %add3A_407, %mul3A_414 : vector<16xf32>
        %get3A_416 = arith.index_cast %add3A_296 : i32 to index
        %get3A_417 = arith.constant 240 : index
        %get3A_418 = tpu.vector_load %arg9[%get3A_416, %get3A_417] {strides = array<i32>} : memref<64x256xf32, #tpu.memory_space<vmem>>, vector<16xf32>,
        %get3A_419 = arith.index_cast %add3A_296 : i32 to index
        %get3A_420 = arith.constant 240 : index
        %get3A_421 = tpu.vector_load %arg10[%get3A_419, %get3A_420] {strides = array<i32>} : memref<64x256xf32, #tpu.memory_space<vmem>>, vector<16xf32>,
        %mul3A_422 = arith.mulf %get3A_418, %get3A_421 : vector<16xf32>
        %add3A_423 = arith.addf %add3A_415, %mul3A_422 : vector<16xf32>
        %eq3A_424 = arith.constant 2 : i32
        %eq3A_425 = vector.broadcast %eq3A_424 : i32 to vector<16xi32>
        %eq3A_426 = arith.cmpi eq, %iota3A, %eq3A_425 : vector<16xi32>
        %reduce_sum3A_427 = arith.constant true
        %reduce_sum3A_428 = vector.broadcast %reduce_sum3A_427 : i1 to vector<16xi1>
        %reduce_sum3A_429 = tpu.scan <sum>, %add3A_423 masked %reduce_sum3A_428 : vector<16xf32>, vector<16xi1> -> vector<16xf32>
        %reduce_sum3A_430 = vector.extract %reduce_sum3A_429[15] : f32 from vector<16xf32>
        %broadcast_in_dim3A_431 = vector.broadcast %reduce_sum3A_430 : f32 to vector<16xf32>
        %select_n3A_432 = arith.select %eq3A_426, %broadcast_in_dim3A_431, %select_n3A_292 : vector<16xi1>, vector<16xf32>
        %mul3A_433 = arith.constant 16 : i32
        %mul3A_434 = arith.muli %scan3A_15, %mul3A_433 : i32
        %add3A_435 = arith.constant 3 : i32
        %add3A_436 = arith.addi %mul3A_434, %add3A_435 : i32
        %get3A_437 = arith.index_cast %add3A_436 : i32 to index
        %get3A_438 = arith.constant 0 : index
        %get3A_439 = tpu.vector_load %arg9[%get3A_437, %get3A_438] {strides = array<i32>} : memref<64x256xf32, #tpu.memory_space<vmem>>, vector<16xf32>,
        %get3A_440 = arith.index_cast %add3A_436 : i32 to index
        %get3A_441 = arith.constant 0 : index
        %get3A_442 = tpu.vector_load %arg10[%get3A_440, %get3A_441] {strides = array<i32>} : memref<64x256xf32, #tpu.memory_space<vmem>>, vector<16xf32>,
        %mul3A_443 = arith.mulf %get3A_439, %get3A_442 : vector<16xf32>
        %get3A_444 = arith.index_cast %add3A_436 : i32 to index
        %get3A_445 = arith.constant 16 : index
        %get3A_446 = tpu.vector_load %arg9[%get3A_444, %get3A_445] {strides = array<i32>} : memref<64x256xf32, #tpu.memory_space<vmem>>, vector<16xf32>,
        %get3A_447 = arith.index_cast %add3A_436 : i32 to index
        %get3A_448 = arith.constant 16 : index
        %get3A_449 = tpu.vector_load %arg10[%get3A_447, %get3A_448] {strides = array<i32>} : memref<64x256xf32, #tpu.memory_space<vmem>>, vector<16xf32>,
        %mul3A_450 = arith.mulf %get3A_446, %get3A_449 : vector<16xf32>
        %add3A_451 = arith.addf %mul3A_443, %mul3A_450 : vector<16xf32>
        %get3A_452 = arith.index_cast %add3A_436 : i32 to index
        %get3A_453 = arith.constant 32 : index
        %get3A_454 = tpu.vector_load %arg9[%get3A_452, %get3A_453] {strides = array<i32>} : memref<64x256xf32, #tpu.memory_space<vmem>>, vector<16xf32>,
        %get3A_455 = arith.index_cast %add3A_436 : i32 to index
        %get3A_456 = arith.constant 32 : index
        %get3A_457 = tpu.vector_load %arg10[%get3A_455, %get3A_456] {strides = array<i32>} : memref<64x256xf32, #tpu.memory_space<vmem>>, vector<16xf32>,
        %mul3A_458 = arith.mulf %get3A_454, %get3A_457 : vector<16xf32>
        %add3A_459 = arith.addf %add3A_451, %mul3A_458 : vector<16xf32>
        %get3A_460 = arith.index_cast %add3A_436 : i32 to index
        %get3A_461 = arith.constant 48 : index
        %get3A_462 = tpu.vector_load %arg9[%get3A_460, %get3A_461] {strides = array<i32>} : memref<64x256xf32, #tpu.memory_space<vmem>>, vector<16xf32>,
        %get3A_463 = arith.index_cast %add3A_436 : i32 to index
        %get3A_464 = arith.constant 48 : index
        %get3A_465 = tpu.vector_load %arg10[%get3A_463, %get3A_464] {strides = array<i32>} : memref<64x256xf32, #tpu.memory_space<vmem>>, vector<16xf32>,
        %mul3A_466 = arith.mulf %get3A_462, %get3A_465 : vector<16xf32>
        %add3A_467 = arith.addf %add3A_459, %mul3A_466 : vector<16xf32>
        %get3A_468 = arith.index_cast %add3A_436 : i32 to index
        %get3A_469 = arith.constant 64 : index
        %get3A_470 = tpu.vector_load %arg9[%get3A_468, %get3A_469] {strides = array<i32>} : memref<64x256xf32, #tpu.memory_space<vmem>>, vector<16xf32>,
        %get3A_471 = arith.index_cast %add3A_436 : i32 to index
        %get3A_472 = arith.constant 64 : index
        %get3A_473 = tpu.vector_load %arg10[%get3A_471, %get3A_472] {strides = array<i32>} : memref<64x256xf32, #tpu.memory_space<vmem>>, vector<16xf32>,
        %mul3A_474 = arith.mulf %get3A_470, %get3A_473 : vector<16xf32>
        %add3A_475 = arith.addf %add3A_467, %mul3A_474 : vector<16xf32>
        %get3A_476 = arith.index_cast %add3A_436 : i32 to index
        %get3A_477 = arith.constant 80 : index
        %get3A_478 = tpu.vector_load %arg9[%get3A_476, %get3A_477] {strides = array<i32>} : memref<64x256xf32, #tpu.memory_space<vmem>>, vector<16xf32>,
        %get3A_479 = arith.index_cast %add3A_436 : i32 to index
        %get3A_480 = arith.constant 80 : index
        %get3A_481 = tpu.vector_load %arg10[%get3A_479, %get3A_480] {strides = array<i32>} : memref<64x256xf32, #tpu.memory_space<vmem>>, vector<16xf32>,
        %mul3A_482 = arith.mulf %get3A_478, %get3A_481 : vector<16xf32>
        %add3A_483 = arith.addf %add3A_475, %mul3A_482 : vector<16xf32>
        %get3A_484 = arith.index_cast %add3A_436 : i32 to index
        %get3A_485 = arith.constant 96 : index
        %get3A_486 = tpu.vector_load %arg9[%get3A_484, %get3A_485] {strides = array<i32>} : memref<64x256xf32, #tpu.memory_space<vmem>>, vector<16xf32>,
        %get3A_487 = arith.index_cast %add3A_436 : i32 to index
        %get3A_488 = arith.constant 96 : index
        %get3A_489 = tpu.vector_load %arg10[%get3A_487, %get3A_488] {strides = array<i32>} : memref<64x256xf32, #tpu.memory_space<vmem>>, vector<16xf32>,
        %mul3A_490 = arith.mulf %get3A_486, %get3A_489 : vector<16xf32>
        %add3A_491 = arith.addf %add3A_483, %mul3A_490 : vector<16xf32>
        %get3A_492 = arith.index_cast %add3A_436 : i32 to index
        %get3A_493 = arith.constant 112 : index
        %get3A_494 = tpu.vector_load %arg9[%get3A_492, %get3A_493] {strides = array<i32>} : memref<64x256xf32, #tpu.memory_space<vmem>>, vector<16xf32>,
        %get3A_495 = arith.index_cast %add3A_436 : i32 to index
        %get3A_496 = arith.constant 112 : index
        %get3A_497 = tpu.vector_load %arg10[%get3A_495, %get3A_496] {strides = array<i32>} : memref<64x256xf32, #tpu.memory_space<vmem>>, vector<16xf32>,
        %mul3A_498 = arith.mulf %get3A_494, %get3A_497 : vector<16xf32>
        %add3A_499 = arith.addf %add3A_491, %mul3A_498 : vector<16xf32>
        %get3A_500 = arith.index_cast %add3A_436 : i32 to index
        %get3A_501 = arith.constant 128 : index
        %get3A_502 = tpu.vector_load %arg9[%get3A_500, %get3A_501] {strides = array<i32>} : memref<64x256xf32, #tpu.memory_space<vmem>>, vector<16xf32>,
        %get3A_503 = arith.index_cast %add3A_436 : i32 to index
        %get3A_504 = arith.constant 128 : index
        %get3A_505 = tpu.vector_load %arg10[%get3A_503, %get3A_504] {strides = array<i32>} : memref<64x256xf32, #tpu.memory_space<vmem>>, vector<16xf32>,
        %mul3A_506 = arith.mulf %get3A_502, %get3A_505 : vector<16xf32>
        %add3A_507 = arith.addf %add3A_499, %mul3A_506 : vector<16xf32>
        %get3A_508 = arith.index_cast %add3A_436 : i32 to index
        %get3A_509 = arith.constant 144 : index
        %get3A_510 = tpu.vector_load %arg9[%get3A_508, %get3A_509] {strides = array<i32>} : memref<64x256xf32, #tpu.memory_space<vmem>>, vector<16xf32>,
        %get3A_511 = arith.index_cast %add3A_436 : i32 to index
        %get3A_512 = arith.constant 144 : index
        %get3A_513 = tpu.vector_load %arg10[%get3A_511, %get3A_512] {strides = array<i32>} : memref<64x256xf32, #tpu.memory_space<vmem>>, vector<16xf32>,
        %mul3A_514 = arith.mulf %get3A_510, %get3A_513 : vector<16xf32>
        %add3A_515 = arith.addf %add3A_507, %mul3A_514 : vector<16xf32>
        %get3A_516 = arith.index_cast %add3A_436 : i32 to index
        %get3A_517 = arith.constant 160 : index
        %get3A_518 = tpu.vector_load %arg9[%get3A_516, %get3A_517] {strides = array<i32>} : memref<64x256xf32, #tpu.memory_space<vmem>>, vector<16xf32>,
        %get3A_519 = arith.index_cast %add3A_436 : i32 to index
        %get3A_520 = arith.constant 160 : index
        %get3A_521 = tpu.vector_load %arg10[%get3A_519, %get3A_520] {strides = array<i32>} : memref<64x256xf32, #tpu.memory_space<vmem>>, vector<16xf32>,
        %mul3A_522 = arith.mulf %get3A_518, %get3A_521 : vector<16xf32>
        %add3A_523 = arith.addf %add3A_515, %mul3A_522 : vector<16xf32>
        %get3A_524 = arith.index_cast %add3A_436 : i32 to index
        %get3A_525 = arith.constant 176 : index
        %get3A_526 = tpu.vector_load %arg9[%get3A_524, %get3A_525] {strides = array<i32>} : memref<64x256xf32, #tpu.memory_space<vmem>>, vector<16xf32>,
        %get3A_527 = arith.index_cast %add3A_436 : i32 to index
        %get3A_528 = arith.constant 176 : index
        %get3A_529 = tpu.vector_load %arg10[%get3A_527, %get3A_528] {strides = array<i32>} : memref<64x256xf32, #tpu.memory_space<vmem>>, vector<16xf32>,
        %mul3A_530 = arith.mulf %get3A_526, %get3A_529 : vector<16xf32>
        %add3A_531 = arith.addf %add3A_523, %mul3A_530 : vector<16xf32>
        %get3A_532 = arith.index_cast %add3A_436 : i32 to index
        %get3A_533 = arith.constant 192 : index
        %get3A_534 = tpu.vector_load %arg9[%get3A_532, %get3A_533] {strides = array<i32>} : memref<64x256xf32, #tpu.memory_space<vmem>>, vector<16xf32>,
        %get3A_535 = arith.index_cast %add3A_436 : i32 to index
        %get3A_536 = arith.constant 192 : index
        %get3A_537 = tpu.vector_load %arg10[%get3A_535, %get3A_536] {strides = array<i32>} : memref<64x256xf32, #tpu.memory_space<vmem>>, vector<16xf32>,
        %mul3A_538 = arith.mulf %get3A_534, %get3A_537 : vector<16xf32>
        %add3A_539 = arith.addf %add3A_531, %mul3A_538 : vector<16xf32>
        %get3A_540 = arith.index_cast %add3A_436 : i32 to index
        %get3A_541 = arith.constant 208 : index
        %get3A_542 = tpu.vector_load %arg9[%get3A_540, %get3A_541] {strides = array<i32>} : memref<64x256xf32, #tpu.memory_space<vmem>>, vector<16xf32>,
        %get3A_543 = arith.index_cast %add3A_436 : i32 to index
        %get3A_544 = arith.constant 208 : index
        %get3A_545 = tpu.vector_load %arg10[%get3A_543, %get3A_544] {strides = array<i32>} : memref<64x256xf32, #tpu.memory_space<vmem>>, vector<16xf32>,
        %mul3A_546 = arith.mulf %get3A_542, %get3A_545 : vector<16xf32>
        %add3A_547 = arith.addf %add3A_539, %mul3A_546 : vector<16xf32>
        %get3A_548 = arith.index_cast %add3A_436 : i32 to index
        %get3A_549 = arith.constant 224 : index
        %get3A_550 = tpu.vector_load %arg9[%get3A_548, %get3A_549] {strides = array<i32>} : memref<64x256xf32, #tpu.memory_space<vmem>>, vector<16xf32>,
        %get3A_551 = arith.index_cast %add3A_436 : i32 to index
        %get3A_552 = arith.constant 224 : index
        %get3A_553 = tpu.vector_load %arg10[%get3A_551, %get3A_552] {strides = array<i32>} : memref<64x256xf32, #tpu.memory_space<vmem>>, vector<16xf32>,
        %mul3A_554 = arith.mulf %get3A_550, %get3A_553 : vector<16xf32>
        %add3A_555 = arith.addf %add3A_547, %mul3A_554 : vector<16xf32>
        %get3A_556 = arith.index_cast %add3A_436 : i32 to index
        %get3A_557 = arith.constant 240 : index
        %get3A_558 = tpu.vector_load %arg9[%get3A_556, %get3A_557] {strides = array<i32>} : memref<64x256xf32, #tpu.memory_space<vmem>>, vector<16xf32>,
        %get3A_559 = arith.index_cast %add3A_436 : i32 to index
        %get3A_560 = arith.constant 240 : index
        %get3A_561 = tpu.vector_load %arg10[%get3A_559, %get3A_560] {strides = array<i32>} : memref<64x256xf32, #tpu.memory_space<vmem>>, vector<16xf32>,
        %mul3A_562 = arith.mulf %get3A_558, %get3A_561 : vector<16xf32>
        %add3A_563 = arith.addf %add3A_555, %mul3A_562 : vector<16xf32>
        %eq3A_564 = arith.constant 3 : i32
        %eq3A_565 = vector.broadcast %eq3A_564 : i32 to vector<16xi32>
        %eq3A_566 = arith.cmpi eq, %iota3A, %eq3A_565 : vector<16xi32>
        %reduce_sum3A_567 = arith.constant true
        %reduce_sum3A_568 = vector.broadcast %reduce_sum3A_567 : i1 to vector<16xi1>
        %reduce_sum3A_569 = tpu.scan <sum>, %add3A_563 masked %reduce_sum3A_568 : vector<16xf32>, vector<16xi1> -> vector<16xf32>
        %reduce_sum3A_570 = vector.extract %reduce_sum3A_569[15] : f32 from vector<16xf32>
        %broadcast_in_dim3A_571 = vector.broadcast %reduce_sum3A_570 : f32 to vector<16xf32>
        %select_n3A_572 = arith.select %eq3A_566, %broadcast_in_dim3A_571, %select_n3A_432 : vector<16xi1>, vector<16xf32>
        %mul3A_573 = arith.constant 16 : i32
        %mul3A_574 = arith.muli %scan3A_15, %mul3A_573 : i32
        %add3A_575 = arith.constant 4 : i32
        %add3A_576 = arith.addi %mul3A_574, %add3A_575 : i32
        %get3A_577 = arith.index_cast %add3A_576 : i32 to index
        %get3A_578 = arith.constant 0 : index
        %get3A_579 = tpu.vector_load %arg9[%get3A_577, %get3A_578] {strides = array<i32>} : memref<64x256xf32, #tpu.memory_space<vmem>>, vector<16xf32>,
        %get3A_580 = arith.index_cast %add3A_576 : i32 to index
        %get3A_581 = arith.constant 0 : index
        %get3A_582 = tpu.vector_load %arg10[%get3A_580, %get3A_581] {strides = array<i32>} : memref<64x256xf32, #tpu.memory_space<vmem>>, vector<16xf32>,
        %mul3A_583 = arith.mulf %get3A_579, %get3A_582 : vector<16xf32>
        %get3A_584 = arith.index_cast %add3A_576 : i32 to index
        %get3A_585 = arith.constant 16 : index
        %get3A_586 = tpu.vector_load %arg9[%get3A_584, %get3A_585] {strides = array<i32>} : memref<64x256xf32, #tpu.memory_space<vmem>>, vector<16xf32>,
        %get3A_587 = arith.index_cast %add3A_576 : i32 to index
        %get3A_588 = arith.constant 16 : index
        %get3A_589 = tpu.vector_load %arg10[%get3A_587, %get3A_588] {strides = array<i32>} : memref<64x256xf32, #tpu.memory_space<vmem>>, vector<16xf32>,
        %mul3A_590 = arith.mulf %get3A_586, %get3A_589 : vector<16xf32>
        %add3A_591 = arith.addf %mul3A_583, %mul3A_590 : vector<16xf32>
        %get3A_592 = arith.index_cast %add3A_576 : i32 to index
        %get3A_593 = arith.constant 32 : index
        %get3A_594 = tpu.vector_load %arg9[%get3A_592, %get3A_593] {strides = array<i32>} : memref<64x256xf32, #tpu.memory_space<vmem>>, vector<16xf32>,
        %get3A_595 = arith.index_cast %add3A_576 : i32 to index
        %get3A_596 = arith.constant 32 : index
        %get3A_597 = tpu.vector_load %arg10[%get3A_595, %get3A_596] {strides = array<i32>} : memref<64x256xf32, #tpu.memory_space<vmem>>, vector<16xf32>,
        %mul3A_598 = arith.mulf %get3A_594, %get3A_597 : vector<16xf32>
        %add3A_599 = arith.addf %add3A_591, %mul3A_598 : vector<16xf32>
        %get3A_600 = arith.index_cast %add3A_576 : i32 to index
        %get3A_601 = arith.constant 48 : index
        %get3A_602 = tpu.vector_load %arg9[%get3A_600, %get3A_601] {strides = array<i32>} : memref<64x256xf32, #tpu.memory_space<vmem>>, vector<16xf32>,
        %get3A_603 = arith.index_cast %add3A_576 : i32 to index
        %get3A_604 = arith.constant 48 : index
        %get3A_605 = tpu.vector_load %arg10[%get3A_603, %get3A_604] {strides = array<i32>} : memref<64x256xf32, #tpu.memory_space<vmem>>, vector<16xf32>,
        %mul3A_606 = arith.mulf %get3A_602, %get3A_605 : vector<16xf32>
        %add3A_607 = arith.addf %add3A_599, %mul3A_606 : vector<16xf32>
        %get3A_608 = arith.index_cast %add3A_576 : i32 to index
        %get3A_609 = arith.constant 64 : index
        %get3A_610 = tpu.vector_load %arg9[%get3A_608, %get3A_609] {strides = array<i32>} : memref<64x256xf32, #tpu.memory_space<vmem>>, vector<16xf32>,
        %get3A_611 = arith.index_cast %add3A_576 : i32 to index
        %get3A_612 = arith.constant 64 : index
        %get3A_613 = tpu.vector_load %arg10[%get3A_611, %get3A_612] {strides = array<i32>} : memref<64x256xf32, #tpu.memory_space<vmem>>, vector<16xf32>,
        %mul3A_614 = arith.mulf %get3A_610, %get3A_613 : vector<16xf32>
        %add3A_615 = arith.addf %add3A_607, %mul3A_614 : vector<16xf32>
        %get3A_616 = arith.index_cast %add3A_576 : i32 to index
        %get3A_617 = arith.constant 80 : index
        %get3A_618 = tpu.vector_load %arg9[%get3A_616, %get3A_617] {strides = array<i32>} : memref<64x256xf32, #tpu.memory_space<vmem>>, vector<16xf32>,
        %get3A_619 = arith.index_cast %add3A_576 : i32 to index
        %get3A_620 = arith.constant 80 : index
        %get3A_621 = tpu.vector_load %arg10[%get3A_619, %get3A_620] {strides = array<i32>} : memref<64x256xf32, #tpu.memory_space<vmem>>, vector<16xf32>,
        %mul3A_622 = arith.mulf %get3A_618, %get3A_621 : vector<16xf32>
        %add3A_623 = arith.addf %add3A_615, %mul3A_622 : vector<16xf32>
        %get3A_624 = arith.index_cast %add3A_576 : i32 to index
        %get3A_625 = arith.constant 96 : index
        %get3A_626 = tpu.vector_load %arg9[%get3A_624, %get3A_625] {strides = array<i32>} : memref<64x256xf32, #tpu.memory_space<vmem>>, vector<16xf32>,
        %get3A_627 = arith.index_cast %add3A_576 : i32 to index
        %get3A_628 = arith.constant 96 : index
        %get3A_629 = tpu.vector_load %arg10[%get3A_627, %get3A_628] {strides = array<i32>} : memref<64x256xf32, #tpu.memory_space<vmem>>, vector<16xf32>,
        %mul3A_630 = arith.mulf %get3A_626, %get3A_629 : vector<16xf32>
        %add3A_631 = arith.addf %add3A_623, %mul3A_630 : vector<16xf32>
        %get3A_632 = arith.index_cast %add3A_576 : i32 to index
        %get3A_633 = arith.constant 112 : index
        %get3A_634 = tpu.vector_load %arg9[%get3A_632, %get3A_633] {strides = array<i32>} : memref<64x256xf32, #tpu.memory_space<vmem>>, vector<16xf32>,
        %get3A_635 = arith.index_cast %add3A_576 : i32 to index
        %get3A_636 = arith.constant 112 : index
        %get3A_637 = tpu.vector_load %arg10[%get3A_635, %get3A_636] {strides = array<i32>} : memref<64x256xf32, #tpu.memory_space<vmem>>, vector<16xf32>,
        %mul3A_638 = arith.mulf %get3A_634, %get3A_637 : vector<16xf32>
        %add3A_639 = arith.addf %add3A_631, %mul3A_638 : vector<16xf32>
        %get3A_640 = arith.index_cast %add3A_576 : i32 to index
        %get3A_641 = arith.constant 128 : index
        %get3A_642 = tpu.vector_load %arg9[%get3A_640, %get3A_641] {strides = array<i32>} : memref<64x256xf32, #tpu.memory_space<vmem>>, vector<16xf32>,
        %get3A_643 = arith.index_cast %add3A_576 : i32 to index
        %get3A_644 = arith.constant 128 : index
        %get3A_645 = tpu.vector_load %arg10[%get3A_643, %get3A_644] {strides = array<i32>} : memref<64x256xf32, #tpu.memory_space<vmem>>, vector<16xf32>,
        %mul3A_646 = arith.mulf %get3A_642, %get3A_645 : vector<16xf32>
        %add3A_647 = arith.addf %add3A_639, %mul3A_646 : vector<16xf32>
        %get3A_648 = arith.index_cast %add3A_576 : i32 to index
        %get3A_649 = arith.constant 144 : index
        %get3A_650 = tpu.vector_load %arg9[%get3A_648, %get3A_649] {strides = array<i32>} : memref<64x256xf32, #tpu.memory_space<vmem>>, vector<16xf32>,
        %get3A_651 = arith.index_cast %add3A_576 : i32 to index
        %get3A_652 = arith.constant 144 : index
        %get3A_653 = tpu.vector_load %arg10[%get3A_651, %get3A_652] {strides = array<i32>} : memref<64x256xf32, #tpu.memory_space<vmem>>, vector<16xf32>,
        %mul3A_654 = arith.mulf %get3A_650, %get3A_653 : vector<16xf32>
        %add3A_655 = arith.addf %add3A_647, %mul3A_654 : vector<16xf32>
        %get3A_656 = arith.index_cast %add3A_576 : i32 to index
        %get3A_657 = arith.constant 160 : index
        %get3A_658 = tpu.vector_load %arg9[%get3A_656, %get3A_657] {strides = array<i32>} : memref<64x256xf32, #tpu.memory_space<vmem>>, vector<16xf32>,
        %get3A_659 = arith.index_cast %add3A_576 : i32 to index
        %get3A_660 = arith.constant 160 : index
        %get3A_661 = tpu.vector_load %arg10[%get3A_659, %get3A_660] {strides = array<i32>} : memref<64x256xf32, #tpu.memory_space<vmem>>, vector<16xf32>,
        %mul3A_662 = arith.mulf %get3A_658, %get3A_661 : vector<16xf32>
        %add3A_663 = arith.addf %add3A_655, %mul3A_662 : vector<16xf32>
        %get3A_664 = arith.index_cast %add3A_576 : i32 to index
        %get3A_665 = arith.constant 176 : index
        %get3A_666 = tpu.vector_load %arg9[%get3A_664, %get3A_665] {strides = array<i32>} : memref<64x256xf32, #tpu.memory_space<vmem>>, vector<16xf32>,
        %get3A_667 = arith.index_cast %add3A_576 : i32 to index
        %get3A_668 = arith.constant 176 : index
        %get3A_669 = tpu.vector_load %arg10[%get3A_667, %get3A_668] {strides = array<i32>} : memref<64x256xf32, #tpu.memory_space<vmem>>, vector<16xf32>,
        %mul3A_670 = arith.mulf %get3A_666, %get3A_669 : vector<16xf32>
        %add3A_671 = arith.addf %add3A_663, %mul3A_670 : vector<16xf32>
        %get3A_672 = arith.index_cast %add3A_576 : i32 to index
        %get3A_673 = arith.constant 192 : index
        %get3A_674 = tpu.vector_load %arg9[%get3A_672, %get3A_673] {strides = array<i32>} : memref<64x256xf32, #tpu.memory_space<vmem>>, vector<16xf32>,
        %get3A_675 = arith.index_cast %add3A_576 : i32 to index
        %get3A_676 = arith.constant 192 : index
        %get3A_677 = tpu.vector_load %arg10[%get3A_675, %get3A_676] {strides = array<i32>} : memref<64x256xf32, #tpu.memory_space<vmem>>, vector<16xf32>,
        %mul3A_678 = arith.mulf %get3A_674, %get3A_677 : vector<16xf32>
        %add3A_679 = arith.addf %add3A_671, %mul3A_678 : vector<16xf32>
        %get3A_680 = arith.index_cast %add3A_576 : i32 to index
        %get3A_681 = arith.constant 208 : index
        %get3A_682 = tpu.vector_load %arg9[%get3A_680, %get3A_681] {strides = array<i32>} : memref<64x256xf32, #tpu.memory_space<vmem>>, vector<16xf32>,
        %get3A_683 = arith.index_cast %add3A_576 : i32 to index
        %get3A_684 = arith.constant 208 : index
        %get3A_685 = tpu.vector_load %arg10[%get3A_683, %get3A_684] {strides = array<i32>} : memref<64x256xf32, #tpu.memory_space<vmem>>, vector<16xf32>,
        %mul3A_686 = arith.mulf %get3A_682, %get3A_685 : vector<16xf32>
        %add3A_687 = arith.addf %add3A_679, %mul3A_686 : vector<16xf32>
        %get3A_688 = arith.index_cast %add3A_576 : i32 to index
        %get3A_689 = arith.constant 224 : index
        %get3A_690 = tpu.vector_load %arg9[%get3A_688, %get3A_689] {strides = array<i32>} : memref<64x256xf32, #tpu.memory_space<vmem>>, vector<16xf32>,
        %get3A_691 = arith.index_cast %add3A_576 : i32 to index
        %get3A_692 = arith.constant 224 : index
        %get3A_693 = tpu.vector_load %arg10[%get3A_691, %get3A_692] {strides = array<i32>} : memref<64x256xf32, #tpu.memory_space<vmem>>, vector<16xf32>,
        %mul3A_694 = arith.mulf %get3A_690, %get3A_693 : vector<16xf32>
        %add3A_695 = arith.addf %add3A_687, %mul3A_694 : vector<16xf32>
        %get3A_696 = arith.index_cast %add3A_576 : i32 to index
        %get3A_697 = arith.constant 240 : index
        %get3A_698 = tpu.vector_load %arg9[%get3A_696, %get3A_697] {strides = array<i32>} : memref<64x256xf32, #tpu.memory_space<vmem>>, vector<16xf32>,
        %get3A_699 = arith.index_cast %add3A_576 : i32 to index
        %get3A_700 = arith.constant 240 : index
        %get3A_701 = tpu.vector_load %arg10[%get3A_699, %get3A_700] {strides = array<i32>} : memref<64x256xf32, #tpu.memory_space<vmem>>, vector<16xf32>,
        %mul3A_702 = arith.mulf %get3A_698, %get3A_701 : vector<16xf32>
        %add3A_703 = arith.addf %add3A_695, %mul3A_702 : vector<16xf32>
        %eq3A_704 = arith.constant 4 : i32
        %eq3A_705 = vector.broadcast %eq3A_704 : i32 to vector<16xi32>
        %eq3A_706 = arith.cmpi eq, %iota3A, %eq3A_705 : vector<16xi32>
        %reduce_sum3A_707 = arith.constant true
        %reduce_sum3A_708 = vector.broadcast %reduce_sum3A_707 : i1 to vector<16xi1>
        %reduce_sum3A_709 = tpu.scan <sum>, %add3A_703 masked %reduce_sum3A_708 : vector<16xf32>, vector<16xi1> -> vector<16xf32>
        %reduce_sum3A_710 = vector.extract %reduce_sum3A_709[15] : f32 from vector<16xf32>
        %broadcast_in_dim3A_711 = vector.broadcast %reduce_sum3A_710 : f32 to vector<16xf32>
        %select_n3A_712 = arith.select %eq3A_706, %broadcast_in_dim3A_711, %select_n3A_572 : vector<16xi1>, vector<16xf32>
        %mul3A_713 = arith.constant 16 : i32
        %mul3A_714 = arith.muli %scan3A_15, %mul3A_713 : i32
        %add3A_715 = arith.constant 5 : i32
        %add3A_716 = arith.addi %mul3A_714, %add3A_715 : i32
        %get3A_717 = arith.index_cast %add3A_716 : i32 to index
        %get3A_718 = arith.constant 0 : index
        %get3A_719 = tpu.vector_load %arg9[%get3A_717, %get3A_718] {strides = array<i32>} : memref<64x256xf32, #tpu.memory_space<vmem>>, vector<16xf32>,
        %get3A_720 = arith.index_cast %add3A_716 : i32 to index
        %get3A_721 = arith.constant 0 : index
        %get3A_722 = tpu.vector_load %arg10[%get3A_720, %get3A_721] {strides = array<i32>} : memref<64x256xf32, #tpu.memory_space<vmem>>, vector<16xf32>,
        %mul3A_723 = arith.mulf %get3A_719, %get3A_722 : vector<16xf32>
        %get3A_724 = arith.index_cast %add3A_716 : i32 to index
        %get3A_725 = arith.constant 16 : index
        %get3A_726 = tpu.vector_load %arg9[%get3A_724, %get3A_725] {strides = array<i32>} : memref<64x256xf32, #tpu.memory_space<vmem>>, vector<16xf32>,
        %get3A_727 = arith.index_cast %add3A_716 : i32 to index
        %get3A_728 = arith.constant 16 : index
        %get3A_729 = tpu.vector_load %arg10[%get3A_727, %get3A_728] {strides = array<i32>} : memref<64x256xf32, #tpu.memory_space<vmem>>, vector<16xf32>,
        %mul3A_730 = arith.mulf %get3A_726, %get3A_729 : vector<16xf32>
        %add3A_731 = arith.addf %mul3A_723, %mul3A_730 : vector<16xf32>
        %get3A_732 = arith.index_cast %add3A_716 : i32 to index
        %get3A_733 = arith.constant 32 : index
        %get3A_734 = tpu.vector_load %arg9[%get3A_732, %get3A_733] {strides = array<i32>} : memref<64x256xf32, #tpu.memory_space<vmem>>, vector<16xf32>,
        %get3A_735 = arith.index_cast %add3A_716 : i32 to index
        %get3A_736 = arith.constant 32 : index
        %get3A_737 = tpu.vector_load %arg10[%get3A_735, %get3A_736] {strides = array<i32>} : memref<64x256xf32, #tpu.memory_space<vmem>>, vector<16xf32>,
        %mul3A_738 = arith.mulf %get3A_734, %get3A_737 : vector<16xf32>
        %add3A_739 = arith.addf %add3A_731, %mul3A_738 : vector<16xf32>
        %get3A_740 = arith.index_cast %add3A_716 : i32 to index
        %get3A_741 = arith.constant 48 : index
        %get3A_742 = tpu.vector_load %arg9[%get3A_740, %get3A_741] {strides = array<i32>} : memref<64x256xf32, #tpu.memory_space<vmem>>, vector<16xf32>,
        %get3A_743 = arith.index_cast %add3A_716 : i32 to index
        %get3A_744 = arith.constant 48 : index
        %get3A_745 = tpu.vector_load %arg10[%get3A_743, %get3A_744] {strides = array<i32>} : memref<64x256xf32, #tpu.memory_space<vmem>>, vector<16xf32>,
        %mul3A_746 = arith.mulf %get3A_742, %get3A_745 : vector<16xf32>
        %add3A_747 = arith.addf %add3A_739, %mul3A_746 : vector<16xf32>
        %get3A_748 = arith.index_cast %add3A_716 : i32 to index
        %get3A_749 = arith.constant 64 : index
        %get3A_750 = tpu.vector_load %arg9[%get3A_748, %get3A_749] {strides = array<i32>} : memref<64x256xf32, #tpu.memory_space<vmem>>, vector<16xf32>,
        %get3A_751 = arith.index_cast %add3A_716 : i32 to index
        %get3A_752 = arith.constant 64 : index
        %get3A_753 = tpu.vector_load %arg10[%get3A_751, %get3A_752] {strides = array<i32>} : memref<64x256xf32, #tpu.memory_space<vmem>>, vector<16xf32>,
        %mul3A_754 = arith.mulf %get3A_750, %get3A_753 : vector<16xf32>
        %add3A_755 = arith.addf %add3A_747, %mul3A_754 : vector<16xf32>
        %get3A_756 = arith.index_cast %add3A_716 : i32 to index
        %get3A_757 = arith.constant 80 : index
        %get3A_758 = tpu.vector_load %arg9[%get3A_756, %get3A_757] {strides = array<i32>} : memref<64x256xf32, #tpu.memory_space<vmem>>, vector<16xf32>,
        %get3A_759 = arith.index_cast %add3A_716 : i32 to index
        %get3A_760 = arith.constant 80 : index
        %get3A_761 = tpu.vector_load %arg10[%get3A_759, %get3A_760] {strides = array<i32>} : memref<64x256xf32, #tpu.memory_space<vmem>>, vector<16xf32>,
        %mul3A_762 = arith.mulf %get3A_758, %get3A_761 : vector<16xf32>
        %add3A_763 = arith.addf %add3A_755, %mul3A_762 : vector<16xf32>
        %get3A_764 = arith.index_cast %add3A_716 : i32 to index
        %get3A_765 = arith.constant 96 : index
        %get3A_766 = tpu.vector_load %arg9[%get3A_764, %get3A_765] {strides = array<i32>} : memref<64x256xf32, #tpu.memory_space<vmem>>, vector<16xf32>,
        %get3A_767 = arith.index_cast %add3A_716 : i32 to index
        %get3A_768 = arith.constant 96 : index
        %get3A_769 = tpu.vector_load %arg10[%get3A_767, %get3A_768] {strides = array<i32>} : memref<64x256xf32, #tpu.memory_space<vmem>>, vector<16xf32>,
        %mul3A_770 = arith.mulf %get3A_766, %get3A_769 : vector<16xf32>
        %add3A_771 = arith.addf %add3A_763, %mul3A_770 : vector<16xf32>
        %get3A_772 = arith.index_cast %add3A_716 : i32 to index
        %get3A_773 = arith.constant 112 : index
        %get3A_774 = tpu.vector_load %arg9[%get3A_772, %get3A_773] {strides = array<i32>} : memref<64x256xf32, #tpu.memory_space<vmem>>, vector<16xf32>,
        %get3A_775 = arith.index_cast %add3A_716 : i32 to index
        %get3A_776 = arith.constant 112 : index
        %get3A_777 = tpu.vector_load %arg10[%get3A_775, %get3A_776] {strides = array<i32>} : memref<64x256xf32, #tpu.memory_space<vmem>>, vector<16xf32>,
        %mul3A_778 = arith.mulf %get3A_774, %get3A_777 : vector<16xf32>
        %add3A_779 = arith.addf %add3A_771, %mul3A_778 : vector<16xf32>
        %get3A_780 = arith.index_cast %add3A_716 : i32 to index
        %get3A_781 = arith.constant 128 : index
        %get3A_782 = tpu.vector_load %arg9[%get3A_780, %get3A_781] {strides = array<i32>} : memref<64x256xf32, #tpu.memory_space<vmem>>, vector<16xf32>,
        %get3A_783 = arith.index_cast %add3A_716 : i32 to index
        %get3A_784 = arith.constant 128 : index
        %get3A_785 = tpu.vector_load %arg10[%get3A_783, %get3A_784] {strides = array<i32>} : memref<64x256xf32, #tpu.memory_space<vmem>>, vector<16xf32>,
        %mul3A_786 = arith.mulf %get3A_782, %get3A_785 : vector<16xf32>
        %add3A_787 = arith.addf %add3A_779, %mul3A_786 : vector<16xf32>
        %get3A_788 = arith.index_cast %add3A_716 : i32 to index
        %get3A_789 = arith.constant 144 : index
        %get3A_790 = tpu.vector_load %arg9[%get3A_788, %get3A_789] {strides = array<i32>} : memref<64x256xf32, #tpu.memory_space<vmem>>, vector<16xf32>,
        %get3A_791 = arith.index_cast %add3A_716 : i32 to index
        %get3A_792 = arith.constant 144 : index
        %get3A_793 = tpu.vector_load %arg10[%get3A_791, %get3A_792] {strides = array<i32>} : memref<64x256xf32, #tpu.memory_space<vmem>>, vector<16xf32>,
        %mul3A_794 = arith.mulf %get3A_790, %get3A_793 : vector<16xf32>
        %add3A_795 = arith.addf %add3A_787, %mul3A_794 : vector<16xf32>
        %get3A_796 = arith.index_cast %add3A_716 : i32 to index
        %get3A_797 = arith.constant 160 : index
        %get3A_798 = tpu.vector_load %arg9[%get3A_796, %get3A_797] {strides = array<i32>} : memref<64x256xf32, #tpu.memory_space<vmem>>, vector<16xf32>,
        %get3A_799 = arith.index_cast %add3A_716 : i32 to index
        %get3A_800 = arith.constant 160 : index
        %get3A_801 = tpu.vector_load %arg10[%get3A_799, %get3A_800] {strides = array<i32>} : memref<64x256xf32, #tpu.memory_space<vmem>>, vector<16xf32>,
        %mul3A_802 = arith.mulf %get3A_798, %get3A_801 : vector<16xf32>
        %add3A_803 = arith.addf %add3A_795, %mul3A_802 : vector<16xf32>
        %get3A_804 = arith.index_cast %add3A_716 : i32 to index
        %get3A_805 = arith.constant 176 : index
        %get3A_806 = tpu.vector_load %arg9[%get3A_804, %get3A_805] {strides = array<i32>} : memref<64x256xf32, #tpu.memory_space<vmem>>, vector<16xf32>,
        %get3A_807 = arith.index_cast %add3A_716 : i32 to index
        %get3A_808 = arith.constant 176 : index
        %get3A_809 = tpu.vector_load %arg10[%get3A_807, %get3A_808] {strides = array<i32>} : memref<64x256xf32, #tpu.memory_space<vmem>>, vector<16xf32>,
        %mul3A_810 = arith.mulf %get3A_806, %get3A_809 : vector<16xf32>
        %add3A_811 = arith.addf %add3A_803, %mul3A_810 : vector<16xf32>
        %get3A_812 = arith.index_cast %add3A_716 : i32 to index
        %get3A_813 = arith.constant 192 : index
        %get3A_814 = tpu.vector_load %arg9[%get3A_812, %get3A_813] {strides = array<i32>} : memref<64x256xf32, #tpu.memory_space<vmem>>, vector<16xf32>,
        %get3A_815 = arith.index_cast %add3A_716 : i32 to index
        %get3A_816 = arith.constant 192 : index
        %get3A_817 = tpu.vector_load %arg10[%get3A_815, %get3A_816] {strides = array<i32>} : memref<64x256xf32, #tpu.memory_space<vmem>>, vector<16xf32>,
        %mul3A_818 = arith.mulf %get3A_814, %get3A_817 : vector<16xf32>
        %add3A_819 = arith.addf %add3A_811, %mul3A_818 : vector<16xf32>
        %get3A_820 = arith.index_cast %add3A_716 : i32 to index
        %get3A_821 = arith.constant 208 : index
        %get3A_822 = tpu.vector_load %arg9[%get3A_820, %get3A_821] {strides = array<i32>} : memref<64x256xf32, #tpu.memory_space<vmem>>, vector<16xf32>,
        %get3A_823 = arith.index_cast %add3A_716 : i32 to index
        %get3A_824 = arith.constant 208 : index
        %get3A_825 = tpu.vector_load %arg10[%get3A_823, %get3A_824] {strides = array<i32>} : memref<64x256xf32, #tpu.memory_space<vmem>>, vector<16xf32>,
        %mul3A_826 = arith.mulf %get3A_822, %get3A_825 : vector<16xf32>
        %add3A_827 = arith.addf %add3A_819, %mul3A_826 : vector<16xf32>
        %get3A_828 = arith.index_cast %add3A_716 : i32 to index
        %get3A_829 = arith.constant 224 : index
        %get3A_830 = tpu.vector_load %arg9[%get3A_828, %get3A_829] {strides = array<i32>} : memref<64x256xf32, #tpu.memory_space<vmem>>, vector<16xf32>,
        %get3A_831 = arith.index_cast %add3A_716 : i32 to index
        %get3A_832 = arith.constant 224 : index
        %get3A_833 = tpu.vector_load %arg10[%get3A_831, %get3A_832] {strides = array<i32>} : memref<64x256xf32, #tpu.memory_space<vmem>>, vector<16xf32>,
        %mul3A_834 = arith.mulf %get3A_830, %get3A_833 : vector<16xf32>
        %add3A_835 = arith.addf %add3A_827, %mul3A_834 : vector<16xf32>
        %get3A_836 = arith.index_cast %add3A_716 : i32 to index
        %get3A_837 = arith.constant 240 : index
        %get3A_838 = tpu.vector_load %arg9[%get3A_836, %get3A_837] {strides = array<i32>} : memref<64x256xf32, #tpu.memory_space<vmem>>, vector<16xf32>,
        %get3A_839 = arith.index_cast %add3A_716 : i32 to index
        %get3A_840 = arith.constant 240 : index
        %get3A_841 = tpu.vector_load %arg10[%get3A_839, %get3A_840] {strides = array<i32>} : memref<64x256xf32, #tpu.memory_space<vmem>>, vector<16xf32>,
        %mul3A_842 = arith.mulf %get3A_838, %get3A_841 : vector<16xf32>
        %add3A_843 = arith.addf %add3A_835, %mul3A_842 : vector<16xf32>
        %eq3A_844 = arith.constant 5 : i32
        %eq3A_845 = vector.broadcast %eq3A_844 : i32 to vector<16xi32>
        %eq3A_846 = arith.cmpi eq, %iota3A, %eq3A_845 : vector<16xi32>
        %reduce_sum3A_847 = arith.constant true
        %reduce_sum3A_848 = vector.broadcast %reduce_sum3A_847 : i1 to vector<16xi1>
        %reduce_sum3A_849 = tpu.scan <sum>, %add3A_843 masked %reduce_sum3A_848 : vector<16xf32>, vector<16xi1> -> vector<16xf32>
        %reduce_sum3A_850 = vector.extract %reduce_sum3A_849[15] : f32 from vector<16xf32>
        %broadcast_in_dim3A_851 = vector.broadcast %reduce_sum3A_850 : f32 to vector<16xf32>
        %select_n3A_852 = arith.select %eq3A_846, %broadcast_in_dim3A_851, %select_n3A_712 : vector<16xi1>, vector<16xf32>
        %mul3A_853 = arith.constant 16 : i32
        %mul3A_854 = arith.muli %scan3A_15, %mul3A_853 : i32
        %add3A_855 = arith.constant 6 : i32
        %add3A_856 = arith.addi %mul3A_854, %add3A_855 : i32
        %get3A_857 = arith.index_cast %add3A_856 : i32 to index
        %get3A_858 = arith.constant 0 : index
        %get3A_859 = tpu.vector_load %arg9[%get3A_857, %get3A_858] {strides = array<i32>} : memref<64x256xf32, #tpu.memory_space<vmem>>, vector<16xf32>,
        %get3A_860 = arith.index_cast %add3A_856 : i32 to index
        %get3A_861 = arith.constant 0 : index
        %get3A_862 = tpu.vector_load %arg10[%get3A_860, %get3A_861] {strides = array<i32>} : memref<64x256xf32, #tpu.memory_space<vmem>>, vector<16xf32>,
        %mul3A_863 = arith.mulf %get3A_859, %get3A_862 : vector<16xf32>
        %get3A_864 = arith.index_cast %add3A_856 : i32 to index
        %get3A_865 = arith.constant 16 : index
        %get3A_866 = tpu.vector_load %arg9[%get3A_864, %get3A_865] {strides = array<i32>} : memref<64x256xf32, #tpu.memory_space<vmem>>, vector<16xf32>,
        %get3A_867 = arith.index_cast %add3A_856 : i32 to index
        %get3A_868 = arith.constant 16 : index
        %get3A_869 = tpu.vector_load %arg10[%get3A_867, %get3A_868] {strides = array<i32>} : memref<64x256xf32, #tpu.memory_space<vmem>>, vector<16xf32>,
        %mul3A_870 = arith.mulf %get3A_866, %get3A_869 : vector<16xf32>
        %add3A_871 = arith.addf %mul3A_863, %mul3A_870 : vector<16xf32>
        %get3A_872 = arith.index_cast %add3A_856 : i32 to index
        %get3A_873 = arith.constant 32 : index
        %get3A_874 = tpu.vector_load %arg9[%get3A_872, %get3A_873] {strides = array<i32>} : memref<64x256xf32, #tpu.memory_space<vmem>>, vector<16xf32>,
        %get3A_875 = arith.index_cast %add3A_856 : i32 to index
        %get3A_876 = arith.constant 32 : index
        %get3A_877 = tpu.vector_load %arg10[%get3A_875, %get3A_876] {strides = array<i32>} : memref<64x256xf32, #tpu.memory_space<vmem>>, vector<16xf32>,
        %mul3A_878 = arith.mulf %get3A_874, %get3A_877 : vector<16xf32>
        %add3A_879 = arith.addf %add3A_871, %mul3A_878 : vector<16xf32>
        %get3A_880 = arith.index_cast %add3A_856 : i32 to index
        %get3A_881 = arith.constant 48 : index
        %get3A_882 = tpu.vector_load %arg9[%get3A_880, %get3A_881] {strides = array<i32>} : memref<64x256xf32, #tpu.memory_space<vmem>>, vector<16xf32>,
        %get3A_883 = arith.index_cast %add3A_856 : i32 to index
        %get3A_884 = arith.constant 48 : index
        %get3A_885 = tpu.vector_load %arg10[%get3A_883, %get3A_884] {strides = array<i32>} : memref<64x256xf32, #tpu.memory_space<vmem>>, vector<16xf32>,
        %mul3A_886 = arith.mulf %get3A_882, %get3A_885 : vector<16xf32>
        %add3A_887 = arith.addf %add3A_879, %mul3A_886 : vector<16xf32>
        %get3A_888 = arith.index_cast %add3A_856 : i32 to index
        %get3A_889 = arith.constant 64 : index
        %get3A_890 = tpu.vector_load %arg9[%get3A_888, %get3A_889] {strides = array<i32>} : memref<64x256xf32, #tpu.memory_space<vmem>>, vector<16xf32>,
        %get3A_891 = arith.index_cast %add3A_856 : i32 to index
        %get3A_892 = arith.constant 64 : index
        %get3A_893 = tpu.vector_load %arg10[%get3A_891, %get3A_892] {strides = array<i32>} : memref<64x256xf32, #tpu.memory_space<vmem>>, vector<16xf32>,
        %mul3A_894 = arith.mulf %get3A_890, %get3A_893 : vector<16xf32>
        %add3A_895 = arith.addf %add3A_887, %mul3A_894 : vector<16xf32>
        %get3A_896 = arith.index_cast %add3A_856 : i32 to index
        %get3A_897 = arith.constant 80 : index
        %get3A_898 = tpu.vector_load %arg9[%get3A_896, %get3A_897] {strides = array<i32>} : memref<64x256xf32, #tpu.memory_space<vmem>>, vector<16xf32>,
        %get3A_899 = arith.index_cast %add3A_856 : i32 to index
        %get3A_900 = arith.constant 80 : index
        %get3A_901 = tpu.vector_load %arg10[%get3A_899, %get3A_900] {strides = array<i32>} : memref<64x256xf32, #tpu.memory_space<vmem>>, vector<16xf32>,
        %mul3A_902 = arith.mulf %get3A_898, %get3A_901 : vector<16xf32>
        %add3A_903 = arith.addf %add3A_895, %mul3A_902 : vector<16xf32>
        %get3A_904 = arith.index_cast %add3A_856 : i32 to index
        %get3A_905 = arith.constant 96 : index
        %get3A_906 = tpu.vector_load %arg9[%get3A_904, %get3A_905] {strides = array<i32>} : memref<64x256xf32, #tpu.memory_space<vmem>>, vector<16xf32>,
        %get3A_907 = arith.index_cast %add3A_856 : i32 to index
        %get3A_908 = arith.constant 96 : index
        %get3A_909 = tpu.vector_load %arg10[%get3A_907, %get3A_908] {strides = array<i32>} : memref<64x256xf32, #tpu.memory_space<vmem>>, vector<16xf32>,
        %mul3A_910 = arith.mulf %get3A_906, %get3A_909 : vector<16xf32>
        %add3A_911 = arith.addf %add3A_903, %mul3A_910 : vector<16xf32>
        %get3A_912 = arith.index_cast %add3A_856 : i32 to index
        %get3A_913 = arith.constant 112 : index
        %get3A_914 = tpu.vector_load %arg9[%get3A_912, %get3A_913] {strides = array<i32>} : memref<64x256xf32, #tpu.memory_space<vmem>>, vector<16xf32>,
        %get3A_915 = arith.index_cast %add3A_856 : i32 to index
        %get3A_916 = arith.constant 112 : index
        %get3A_917 = tpu.vector_load %arg10[%get3A_915, %get3A_916] {strides = array<i32>} : memref<64x256xf32, #tpu.memory_space<vmem>>, vector<16xf32>,
        %mul3A_918 = arith.mulf %get3A_914, %get3A_917 : vector<16xf32>
        %add3A_919 = arith.addf %add3A_911, %mul3A_918 : vector<16xf32>
        %get3A_920 = arith.index_cast %add3A_856 : i32 to index
        %get3A_921 = arith.constant 128 : index
        %get3A_922 = tpu.vector_load %arg9[%get3A_920, %get3A_921] {strides = array<i32>} : memref<64x256xf32, #tpu.memory_space<vmem>>, vector<16xf32>,
        %get3A_923 = arith.index_cast %add3A_856 : i32 to index
        %get3A_924 = arith.constant 128 : index
        %get3A_925 = tpu.vector_load %arg10[%get3A_923, %get3A_924] {strides = array<i32>} : memref<64x256xf32, #tpu.memory_space<vmem>>, vector<16xf32>,
        %mul3A_926 = arith.mulf %get3A_922, %get3A_925 : vector<16xf32>
        %add3A_927 = arith.addf %add3A_919, %mul3A_926 : vector<16xf32>
        %get3A_928 = arith.index_cast %add3A_856 : i32 to index
        %get3A_929 = arith.constant 144 : index
        %get3A_930 = tpu.vector_load %arg9[%get3A_928, %get3A_929] {strides = array<i32>} : memref<64x256xf32, #tpu.memory_space<vmem>>, vector<16xf32>,
        %get3A_931 = arith.index_cast %add3A_856 : i32 to index
        %get3A_932 = arith.constant 144 : index
        %get3A_933 = tpu.vector_load %arg10[%get3A_931, %get3A_932] {strides = array<i32>} : memref<64x256xf32, #tpu.memory_space<vmem>>, vector<16xf32>,
        %mul3A_934 = arith.mulf %get3A_930, %get3A_933 : vector<16xf32>
        %add3A_935 = arith.addf %add3A_927, %mul3A_934 : vector<16xf32>
        %get3A_936 = arith.index_cast %add3A_856 : i32 to index
        %get3A_937 = arith.constant 160 : index
        %get3A_938 = tpu.vector_load %arg9[%get3A_936, %get3A_937] {strides = array<i32>} : memref<64x256xf32, #tpu.memory_space<vmem>>, vector<16xf32>,
        %get3A_939 = arith.index_cast %add3A_856 : i32 to index
        %get3A_940 = arith.constant 160 : index
        %get3A_941 = tpu.vector_load %arg10[%get3A_939, %get3A_940] {strides = array<i32>} : memref<64x256xf32, #tpu.memory_space<vmem>>, vector<16xf32>,
        %mul3A_942 = arith.mulf %get3A_938, %get3A_941 : vector<16xf32>
        %add3A_943 = arith.addf %add3A_935, %mul3A_942 : vector<16xf32>
        %get3A_944 = arith.index_cast %add3A_856 : i32 to index
        %get3A_945 = arith.constant 176 : index
        %get3A_946 = tpu.vector_load %arg9[%get3A_944, %get3A_945] {strides = array<i32>} : memref<64x256xf32, #tpu.memory_space<vmem>>, vector<16xf32>,
        %get3A_947 = arith.index_cast %add3A_856 : i32 to index
        %get3A_948 = arith.constant 176 : index
        %get3A_949 = tpu.vector_load %arg10[%get3A_947, %get3A_948] {strides = array<i32>} : memref<64x256xf32, #tpu.memory_space<vmem>>, vector<16xf32>,
        %mul3A_950 = arith.mulf %get3A_946, %get3A_949 : vector<16xf32>
        %add3A_951 = arith.addf %add3A_943, %mul3A_950 : vector<16xf32>
        %get3A_952 = arith.index_cast %add3A_856 : i32 to index
        %get3A_953 = arith.constant 192 : index
        %get3A_954 = tpu.vector_load %arg9[%get3A_952, %get3A_953] {strides = array<i32>} : memref<64x256xf32, #tpu.memory_space<vmem>>, vector<16xf32>,
        %get3A_955 = arith.index_cast %add3A_856 : i32 to index
        %get3A_956 = arith.constant 192 : index
        %get3A_957 = tpu.vector_load %arg10[%get3A_955, %get3A_956] {strides = array<i32>} : memref<64x256xf32, #tpu.memory_space<vmem>>, vector<16xf32>,
        %mul3A_958 = arith.mulf %get3A_954, %get3A_957 : vector<16xf32>
        %add3A_959 = arith.addf %add3A_951, %mul3A_958 : vector<16xf32>
        %get3A_960 = arith.index_cast %add3A_856 : i32 to index
        %get3A_961 = arith.constant 208 : index
        %get3A_962 = tpu.vector_load %arg9[%get3A_960, %get3A_961] {strides = array<i32>} : memref<64x256xf32, #tpu.memory_space<vmem>>, vector<16xf32>,
        %get3A_963 = arith.index_cast %add3A_856 : i32 to index
        %get3A_964 = arith.constant 208 : index
        %get3A_965 = tpu.vector_load %arg10[%get3A_963, %get3A_964] {strides = array<i32>} : memref<64x256xf32, #tpu.memory_space<vmem>>, vector<16xf32>,
        %mul3A_966 = arith.mulf %get3A_962, %get3A_965 : vector<16xf32>
        %add3A_967 = arith.addf %add3A_959, %mul3A_966 : vector<16xf32>
        %get3A_968 = arith.index_cast %add3A_856 : i32 to index
        %get3A_969 = arith.constant 224 : index
        %get3A_970 = tpu.vector_load %arg9[%get3A_968, %get3A_969] {strides = array<i32>} : memref<64x256xf32, #tpu.memory_space<vmem>>, vector<16xf32>,
        %get3A_971 = arith.index_cast %add3A_856 : i32 to index
        %get3A_972 = arith.constant 224 : index
        %get3A_973 = tpu.vector_load %arg10[%get3A_971, %get3A_972] {strides = array<i32>} : memref<64x256xf32, #tpu.memory_space<vmem>>, vector<16xf32>,
        %mul3A_974 = arith.mulf %get3A_970, %get3A_973 : vector<16xf32>
        %add3A_975 = arith.addf %add3A_967, %mul3A_974 : vector<16xf32>
        %get3A_976 = arith.index_cast %add3A_856 : i32 to index
        %get3A_977 = arith.constant 240 : index
        %get3A_978 = tpu.vector_load %arg9[%get3A_976, %get3A_977] {strides = array<i32>} : memref<64x256xf32, #tpu.memory_space<vmem>>, vector<16xf32>,
        %get3A_979 = arith.index_cast %add3A_856 : i32 to index
        %get3A_980 = arith.constant 240 : index
        %get3A_981 = tpu.vector_load %arg10[%get3A_979, %get3A_980] {strides = array<i32>} : memref<64x256xf32, #tpu.memory_space<vmem>>, vector<16xf32>,
        %mul3A_982 = arith.mulf %get3A_978, %get3A_981 : vector<16xf32>
        %add3A_983 = arith.addf %add3A_975, %mul3A_982 : vector<16xf32>
        %eq3A_984 = arith.constant 6 : i32
        %eq3A_985 = vector.broadcast %eq3A_984 : i32 to vector<16xi32>
        %eq3A_986 = arith.cmpi eq, %iota3A, %eq3A_985 : vector<16xi32>
        %reduce_sum3A_987 = arith.constant true
        %reduce_sum3A_988 = vector.broadcast %reduce_sum3A_987 : i1 to vector<16xi1>
        %reduce_sum3A_989 = tpu.scan <sum>, %add3A_983 masked %reduce_sum3A_988 : vector<16xf32>, vector<16xi1> -> vector<16xf32>
        %reduce_sum3A_990 = vector.extract %reduce_sum3A_989[15] : f32 from vector<16xf32>
        %broadcast_in_dim3A_991 = vector.broadcast %reduce_sum3A_990 : f32 to vector<16xf32>
        %select_n3A_992 = arith.select %eq3A_986, %broadcast_in_dim3A_991, %select_n3A_852 : vector<16xi1>, vector<16xf32>
        %mul3A_993 = arith.constant 16 : i32
        %mul3A_994 = arith.muli %scan3A_15, %mul3A_993 : i32
        %add3A_995 = arith.constant 7 : i32
        %add3A_996 = arith.addi %mul3A_994, %add3A_995 : i32
        %get3A_997 = arith.index_cast %add3A_996 : i32 to index
        %get3A_998 = arith.constant 0 : index
        %get3A_999 = tpu.vector_load %arg9[%get3A_997, %get3A_998] {strides = array<i32>} : memref<64x256xf32, #tpu.memory_space<vmem>>, vector<16xf32>,
        %get3A_1000 = arith.index_cast %add3A_996 : i32 to index
        %get3A_1001 = arith.constant 0 : index
        %get3A_1002 = tpu.vector_load %arg10[%get3A_1000, %get3A_1001] {strides = array<i32>} : memref<64x256xf32, #tpu.memory_space<vmem>>, vector<16xf32>,
        %mul3A_1003 = arith.mulf %get3A_999, %get3A_1002 : vector<16xf32>
        %get3A_1004 = arith.index_cast %add3A_996 : i32 to index
        %get3A_1005 = arith.constant 16 : index
        %get3A_1006 = tpu.vector_load %arg9[%get3A_1004, %get3A_1005] {strides = array<i32>} : memref<64x256xf32, #tpu.memory_space<vmem>>, vector<16xf32>,
        %get3A_1007 = arith.index_cast %add3A_996 : i32 to index
        %get3A_1008 = arith.constant 16 : index
        %get3A_1009 = tpu.vector_load %arg10[%get3A_1007, %get3A_1008] {strides = array<i32>} : memref<64x256xf32, #tpu.memory_space<vmem>>, vector<16xf32>,
        %mul3A_1010 = arith.mulf %get3A_1006, %get3A_1009 : vector<16xf32>
        %add3A_1011 = arith.addf %mul3A_1003, %mul3A_1010 : vector<16xf32>
        %get3A_1012 = arith.index_cast %add3A_996 : i32 to index
        %get3A_1013 = arith.constant 32 : index
        %get3A_1014 = tpu.vector_load %arg9[%get3A_1012, %get3A_1013] {strides = array<i32>} : memref<64x256xf32, #tpu.memory_space<vmem>>, vector<16xf32>,
        %get3A_1015 = arith.index_cast %add3A_996 : i32 to index
        %get3A_1016 = arith.constant 32 : index
        %get3A_1017 = tpu.vector_load %arg10[%get3A_1015, %get3A_1016] {strides = array<i32>} : memref<64x256xf32, #tpu.memory_space<vmem>>, vector<16xf32>,
        %mul3A_1018 = arith.mulf %get3A_1014, %get3A_1017 : vector<16xf32>
        %add3A_1019 = arith.addf %add3A_1011, %mul3A_1018 : vector<16xf32>
        %get3A_1020 = arith.index_cast %add3A_996 : i32 to index
        %get3A_1021 = arith.constant 48 : index
        %get3A_1022 = tpu.vector_load %arg9[%get3A_1020, %get3A_1021] {strides = array<i32>} : memref<64x256xf32, #tpu.memory_space<vmem>>, vector<16xf32>,
        %get3A_1023 = arith.index_cast %add3A_996 : i32 to index
        %get3A_1024 = arith.constant 48 : index
        %get3A_1025 = tpu.vector_load %arg10[%get3A_1023, %get3A_1024] {strides = array<i32>} : memref<64x256xf32, #tpu.memory_space<vmem>>, vector<16xf32>,
        %mul3A_1026 = arith.mulf %get3A_1022, %get3A_1025 : vector<16xf32>
        %add3A_1027 = arith.addf %add3A_1019, %mul3A_1026 : vector<16xf32>
        %get3A_1028 = arith.index_cast %add3A_996 : i32 to index
        %get3A_1029 = arith.constant 64 : index
        %get3A_1030 = tpu.vector_load %arg9[%get3A_1028, %get3A_1029] {strides = array<i32>} : memref<64x256xf32, #tpu.memory_space<vmem>>, vector<16xf32>,
        %get3A_1031 = arith.index_cast %add3A_996 : i32 to index
        %get3A_1032 = arith.constant 64 : index
        %get3A_1033 = tpu.vector_load %arg10[%get3A_1031, %get3A_1032] {strides = array<i32>} : memref<64x256xf32, #tpu.memory_space<vmem>>, vector<16xf32>,
        %mul3A_1034 = arith.mulf %get3A_1030, %get3A_1033 : vector<16xf32>
        %add3A_1035 = arith.addf %add3A_1027, %mul3A_1034 : vector<16xf32>
        %get3A_1036 = arith.index_cast %add3A_996 : i32 to index
        %get3A_1037 = arith.constant 80 : index
        %get3A_1038 = tpu.vector_load %arg9[%get3A_1036, %get3A_1037] {strides = array<i32>} : memref<64x256xf32, #tpu.memory_space<vmem>>, vector<16xf32>,
        %get3A_1039 = arith.index_cast %add3A_996 : i32 to index
        %get3A_1040 = arith.constant 80 : index
        %get3A_1041 = tpu.vector_load %arg10[%get3A_1039, %get3A_1040] {strides = array<i32>} : memref<64x256xf32, #tpu.memory_space<vmem>>, vector<16xf32>,
        %mul3A_1042 = arith.mulf %get3A_1038, %get3A_1041 : vector<16xf32>
        %add3A_1043 = arith.addf %add3A_1035, %mul3A_1042 : vector<16xf32>
        %get3A_1044 = arith.index_cast %add3A_996 : i32 to index
        %get3A_1045 = arith.constant 96 : index
        %get3A_1046 = tpu.vector_load %arg9[%get3A_1044, %get3A_1045] {strides = array<i32>} : memref<64x256xf32, #tpu.memory_space<vmem>>, vector<16xf32>,
        %get3A_1047 = arith.index_cast %add3A_996 : i32 to index
        %get3A_1048 = arith.constant 96 : index
        %get3A_1049 = tpu.vector_load %arg10[%get3A_1047, %get3A_1048] {strides = array<i32>} : memref<64x256xf32, #tpu.memory_space<vmem>>, vector<16xf32>,
        %mul3A_1050 = arith.mulf %get3A_1046, %get3A_1049 : vector<16xf32>
        %add3A_1051 = arith.addf %add3A_1043, %mul3A_1050 : vector<16xf32>
        %get3A_1052 = arith.index_cast %add3A_996 : i32 to index
        %get3A_1053 = arith.constant 112 : index
        %get3A_1054 = tpu.vector_load %arg9[%get3A_1052, %get3A_1053] {strides = array<i32>} : memref<64x256xf32, #tpu.memory_space<vmem>>, vector<16xf32>,
        %get3A_1055 = arith.index_cast %add3A_996 : i32 to index
        %get3A_1056 = arith.constant 112 : index
        %get3A_1057 = tpu.vector_load %arg10[%get3A_1055, %get3A_1056] {strides = array<i32>} : memref<64x256xf32, #tpu.memory_space<vmem>>, vector<16xf32>,
        %mul3A_1058 = arith.mulf %get3A_1054, %get3A_1057 : vector<16xf32>
        %add3A_1059 = arith.addf %add3A_1051, %mul3A_1058 : vector<16xf32>
        %get3A_1060 = arith.index_cast %add3A_996 : i32 to index
        %get3A_1061 = arith.constant 128 : index
        %get3A_1062 = tpu.vector_load %arg9[%get3A_1060, %get3A_1061] {strides = array<i32>} : memref<64x256xf32, #tpu.memory_space<vmem>>, vector<16xf32>,
        %get3A_1063 = arith.index_cast %add3A_996 : i32 to index
        %get3A_1064 = arith.constant 128 : index
        %get3A_1065 = tpu.vector_load %arg10[%get3A_1063, %get3A_1064] {strides = array<i32>} : memref<64x256xf32, #tpu.memory_space<vmem>>, vector<16xf32>,
        %mul3A_1066 = arith.mulf %get3A_1062, %get3A_1065 : vector<16xf32>
        %add3A_1067 = arith.addf %add3A_1059, %mul3A_1066 : vector<16xf32>
        %get3A_1068 = arith.index_cast %add3A_996 : i32 to index
        %get3A_1069 = arith.constant 144 : index
        %get3A_1070 = tpu.vector_load %arg9[%get3A_1068, %get3A_1069] {strides = array<i32>} : memref<64x256xf32, #tpu.memory_space<vmem>>, vector<16xf32>,
        %get3A_1071 = arith.index_cast %add3A_996 : i32 to index
        %get3A_1072 = arith.constant 144 : index
        %get3A_1073 = tpu.vector_load %arg10[%get3A_1071, %get3A_1072] {strides = array<i32>} : memref<64x256xf32, #tpu.memory_space<vmem>>, vector<16xf32>,
        %mul3A_1074 = arith.mulf %get3A_1070, %get3A_1073 : vector<16xf32>
        %add3A_1075 = arith.addf %add3A_1067, %mul3A_1074 : vector<16xf32>
        %get3A_1076 = arith.index_cast %add3A_996 : i32 to index
        %get3A_1077 = arith.constant 160 : index
        %get3A_1078 = tpu.vector_load %arg9[%get3A_1076, %get3A_1077] {strides = array<i32>} : memref<64x256xf32, #tpu.memory_space<vmem>>, vector<16xf32>,
        %get3A_1079 = arith.index_cast %add3A_996 : i32 to index
        %get3A_1080 = arith.constant 160 : index
        %get3A_1081 = tpu.vector_load %arg10[%get3A_1079, %get3A_1080] {strides = array<i32>} : memref<64x256xf32, #tpu.memory_space<vmem>>, vector<16xf32>,
        %mul3A_1082 = arith.mulf %get3A_1078, %get3A_1081 : vector<16xf32>
        %add3A_1083 = arith.addf %add3A_1075, %mul3A_1082 : vector<16xf32>
        %get3A_1084 = arith.index_cast %add3A_996 : i32 to index
        %get3A_1085 = arith.constant 176 : index
        %get3A_1086 = tpu.vector_load %arg9[%get3A_1084, %get3A_1085] {strides = array<i32>} : memref<64x256xf32, #tpu.memory_space<vmem>>, vector<16xf32>,
        %get3A_1087 = arith.index_cast %add3A_996 : i32 to index
        %get3A_1088 = arith.constant 176 : index
        %get3A_1089 = tpu.vector_load %arg10[%get3A_1087, %get3A_1088] {strides = array<i32>} : memref<64x256xf32, #tpu.memory_space<vmem>>, vector<16xf32>,
        %mul3A_1090 = arith.mulf %get3A_1086, %get3A_1089 : vector<16xf32>
        %add3A_1091 = arith.addf %add3A_1083, %mul3A_1090 : vector<16xf32>
        %get3A_1092 = arith.index_cast %add3A_996 : i32 to index
        %get3A_1093 = arith.constant 192 : index
        %get3A_1094 = tpu.vector_load %arg9[%get3A_1092, %get3A_1093] {strides = array<i32>} : memref<64x256xf32, #tpu.memory_space<vmem>>, vector<16xf32>,
        %get3A_1095 = arith.index_cast %add3A_996 : i32 to index
        %get3A_1096 = arith.constant 192 : index
        %get3A_1097 = tpu.vector_load %arg10[%get3A_1095, %get3A_1096] {strides = array<i32>} : memref<64x256xf32, #tpu.memory_space<vmem>>, vector<16xf32>,
        %mul3A_1098 = arith.mulf %get3A_1094, %get3A_1097 : vector<16xf32>
        %add3A_1099 = arith.addf %add3A_1091, %mul3A_1098 : vector<16xf32>
        %get3A_1100 = arith.index_cast %add3A_996 : i32 to index
        %get3A_1101 = arith.constant 208 : index
        %get3A_1102 = tpu.vector_load %arg9[%get3A_1100, %get3A_1101] {strides = array<i32>} : memref<64x256xf32, #tpu.memory_space<vmem>>, vector<16xf32>,
        %get3A_1103 = arith.index_cast %add3A_996 : i32 to index
        %get3A_1104 = arith.constant 208 : index
        %get3A_1105 = tpu.vector_load %arg10[%get3A_1103, %get3A_1104] {strides = array<i32>} : memref<64x256xf32, #tpu.memory_space<vmem>>, vector<16xf32>,
        %mul3A_1106 = arith.mulf %get3A_1102, %get3A_1105 : vector<16xf32>
        %add3A_1107 = arith.addf %add3A_1099, %mul3A_1106 : vector<16xf32>
        %get3A_1108 = arith.index_cast %add3A_996 : i32 to index
        %get3A_1109 = arith.constant 224 : index
        %get3A_1110 = tpu.vector_load %arg9[%get3A_1108, %get3A_1109] {strides = array<i32>} : memref<64x256xf32, #tpu.memory_space<vmem>>, vector<16xf32>,
        %get3A_1111 = arith.index_cast %add3A_996 : i32 to index
        %get3A_1112 = arith.constant 224 : index
        %get3A_1113 = tpu.vector_load %arg10[%get3A_1111, %get3A_1112] {strides = array<i32>} : memref<64x256xf32, #tpu.memory_space<vmem>>, vector<16xf32>,
        %mul3A_1114 = arith.mulf %get3A_1110, %get3A_1113 : vector<16xf32>
        %add3A_1115 = arith.addf %add3A_1107, %mul3A_1114 : vector<16xf32>
        %get3A_1116 = arith.index_cast %add3A_996 : i32 to index
        %get3A_1117 = arith.constant 240 : index
        %get3A_1118 = tpu.vector_load %arg9[%get3A_1116, %get3A_1117] {strides = array<i32>} : memref<64x256xf32, #tpu.memory_space<vmem>>, vector<16xf32>,
        %get3A_1119 = arith.index_cast %add3A_996 : i32 to index
        %get3A_1120 = arith.constant 240 : index
        %get3A_1121 = tpu.vector_load %arg10[%get3A_1119, %get3A_1120] {strides = array<i32>} : memref<64x256xf32, #tpu.memory_space<vmem>>, vector<16xf32>,
        %mul3A_1122 = arith.mulf %get3A_1118, %get3A_1121 : vector<16xf32>
        %add3A_1123 = arith.addf %add3A_1115, %mul3A_1122 : vector<16xf32>
        %eq3A_1124 = arith.constant 7 : i32
        %eq3A_1125 = vector.broadcast %eq3A_1124 : i32 to vector<16xi32>
        %eq3A_1126 = arith.cmpi eq, %iota3A, %eq3A_1125 : vector<16xi32>
        %reduce_sum3A_1127 = arith.constant true
        %reduce_sum3A_1128 = vector.broadcast %reduce_sum3A_1127 : i1 to vector<16xi1>
        %reduce_sum3A_1129 = tpu.scan <sum>, %add3A_1123 masked %reduce_sum3A_1128 : vector<16xf32>, vector<16xi1> -> vector<16xf32>
        %reduce_sum3A_1130 = vector.extract %reduce_sum3A_1129[15] : f32 from vector<16xf32>
        %broadcast_in_dim3A_1131 = vector.broadcast %reduce_sum3A_1130 : f32 to vector<16xf32>
        %select_n3A_1132 = arith.select %eq3A_1126, %broadcast_in_dim3A_1131, %select_n3A_992 : vector<16xi1>, vector<16xf32>
        %mul3A_1133 = arith.constant 16 : i32
        %mul3A_1134 = arith.muli %scan3A_15, %mul3A_1133 : i32
        %add3A_1135 = arith.constant 8 : i32
        %add3A_1136 = arith.addi %mul3A_1134, %add3A_1135 : i32
        %get3A_1137 = arith.index_cast %add3A_1136 : i32 to index
        %get3A_1138 = arith.constant 0 : index
        %get3A_1139 = tpu.vector_load %arg9[%get3A_1137, %get3A_1138] {strides = array<i32>} : memref<64x256xf32, #tpu.memory_space<vmem>>, vector<16xf32>,
        %get3A_1140 = arith.index_cast %add3A_1136 : i32 to index
        %get3A_1141 = arith.constant 0 : index
        %get3A_1142 = tpu.vector_load %arg10[%get3A_1140, %get3A_1141] {strides = array<i32>} : memref<64x256xf32, #tpu.memory_space<vmem>>, vector<16xf32>,
        %mul3A_1143 = arith.mulf %get3A_1139, %get3A_1142 : vector<16xf32>
        %get3A_1144 = arith.index_cast %add3A_1136 : i32 to index
        %get3A_1145 = arith.constant 16 : index
        %get3A_1146 = tpu.vector_load %arg9[%get3A_1144, %get3A_1145] {strides = array<i32>} : memref<64x256xf32, #tpu.memory_space<vmem>>, vector<16xf32>,
        %get3A_1147 = arith.index_cast %add3A_1136 : i32 to index
        %get3A_1148 = arith.constant 16 : index
        %get3A_1149 = tpu.vector_load %arg10[%get3A_1147, %get3A_1148] {strides = array<i32>} : memref<64x256xf32, #tpu.memory_space<vmem>>, vector<16xf32>,
        %mul3A_1150 = arith.mulf %get3A_1146, %get3A_1149 : vector<16xf32>
        %add3A_1151 = arith.addf %mul3A_1143, %mul3A_1150 : vector<16xf32>
        %get3A_1152 = arith.index_cast %add3A_1136 : i32 to index
        %get3A_1153 = arith.constant 32 : index
        %get3A_1154 = tpu.vector_load %arg9[%get3A_1152, %get3A_1153] {strides = array<i32>} : memref<64x256xf32, #tpu.memory_space<vmem>>, vector<16xf32>,
        %get3A_1155 = arith.index_cast %add3A_1136 : i32 to index
        %get3A_1156 = arith.constant 32 : index
        %get3A_1157 = tpu.vector_load %arg10[%get3A_1155, %get3A_1156] {strides = array<i32>} : memref<64x256xf32, #tpu.memory_space<vmem>>, vector<16xf32>,
        %mul3A_1158 = arith.mulf %get3A_1154, %get3A_1157 : vector<16xf32>
        %add3A_1159 = arith.addf %add3A_1151, %mul3A_1158 : vector<16xf32>
        %get3A_1160 = arith.index_cast %add3A_1136 : i32 to index
        %get3A_1161 = arith.constant 48 : index
        %get3A_1162 = tpu.vector_load %arg9[%get3A_1160, %get3A_1161] {strides = array<i32>} : memref<64x256xf32, #tpu.memory_space<vmem>>, vector<16xf32>,
        %get3A_1163 = arith.index_cast %add3A_1136 : i32 to index
        %get3A_1164 = arith.constant 48 : index
        %get3A_1165 = tpu.vector_load %arg10[%get3A_1163, %get3A_1164] {strides = array<i32>} : memref<64x256xf32, #tpu.memory_space<vmem>>, vector<16xf32>,
        %mul3A_1166 = arith.mulf %get3A_1162, %get3A_1165 : vector<16xf32>
        %add3A_1167 = arith.addf %add3A_1159, %mul3A_1166 : vector<16xf32>
        %get3A_1168 = arith.index_cast %add3A_1136 : i32 to index
        %get3A_1169 = arith.constant 64 : index
        %get3A_1170 = tpu.vector_load %arg9[%get3A_1168, %get3A_1169] {strides = array<i32>} : memref<64x256xf32, #tpu.memory_space<vmem>>, vector<16xf32>,
        %get3A_1171 = arith.index_cast %add3A_1136 : i32 to index
        %get3A_1172 = arith.constant 64 : index
        %get3A_1173 = tpu.vector_load %arg10[%get3A_1171, %get3A_1172] {strides = array<i32>} : memref<64x256xf32, #tpu.memory_space<vmem>>, vector<16xf32>,
        %mul3A_1174 = arith.mulf %get3A_1170, %get3A_1173 : vector<16xf32>
        %add3A_1175 = arith.addf %add3A_1167, %mul3A_1174 : vector<16xf32>
        %get3A_1176 = arith.index_cast %add3A_1136 : i32 to index
        %get3A_1177 = arith.constant 80 : index
        %get3A_1178 = tpu.vector_load %arg9[%get3A_1176, %get3A_1177] {strides = array<i32>} : memref<64x256xf32, #tpu.memory_space<vmem>>, vector<16xf32>,
        %get3A_1179 = arith.index_cast %add3A_1136 : i32 to index
        %get3A_1180 = arith.constant 80 : index
        %get3A_1181 = tpu.vector_load %arg10[%get3A_1179, %get3A_1180] {strides = array<i32>} : memref<64x256xf32, #tpu.memory_space<vmem>>, vector<16xf32>,
        %mul3A_1182 = arith.mulf %get3A_1178, %get3A_1181 : vector<16xf32>
        %add3A_1183 = arith.addf %add3A_1175, %mul3A_1182 : vector<16xf32>
        %get3A_1184 = arith.index_cast %add3A_1136 : i32 to index
        %get3A_1185 = arith.constant 96 : index
        %get3A_1186 = tpu.vector_load %arg9[%get3A_1184, %get3A_1185] {strides = array<i32>} : memref<64x256xf32, #tpu.memory_space<vmem>>, vector<16xf32>,
        %get3A_1187 = arith.index_cast %add3A_1136 : i32 to index
        %get3A_1188 = arith.constant 96 : index
        %get3A_1189 = tpu.vector_load %arg10[%get3A_1187, %get3A_1188] {strides = array<i32>} : memref<64x256xf32, #tpu.memory_space<vmem>>, vector<16xf32>,
        %mul3A_1190 = arith.mulf %get3A_1186, %get3A_1189 : vector<16xf32>
        %add3A_1191 = arith.addf %add3A_1183, %mul3A_1190 : vector<16xf32>
        %get3A_1192 = arith.index_cast %add3A_1136 : i32 to index
        %get3A_1193 = arith.constant 112 : index
        %get3A_1194 = tpu.vector_load %arg9[%get3A_1192, %get3A_1193] {strides = array<i32>} : memref<64x256xf32, #tpu.memory_space<vmem>>, vector<16xf32>,
        %get3A_1195 = arith.index_cast %add3A_1136 : i32 to index
        %get3A_1196 = arith.constant 112 : index
        %get3A_1197 = tpu.vector_load %arg10[%get3A_1195, %get3A_1196] {strides = array<i32>} : memref<64x256xf32, #tpu.memory_space<vmem>>, vector<16xf32>,
        %mul3A_1198 = arith.mulf %get3A_1194, %get3A_1197 : vector<16xf32>
        %add3A_1199 = arith.addf %add3A_1191, %mul3A_1198 : vector<16xf32>
        %get3A_1200 = arith.index_cast %add3A_1136 : i32 to index
        %get3A_1201 = arith.constant 128 : index
        %get3A_1202 = tpu.vector_load %arg9[%get3A_1200, %get3A_1201] {strides = array<i32>} : memref<64x256xf32, #tpu.memory_space<vmem>>, vector<16xf32>,
        %get3A_1203 = arith.index_cast %add3A_1136 : i32 to index
        %get3A_1204 = arith.constant 128 : index
        %get3A_1205 = tpu.vector_load %arg10[%get3A_1203, %get3A_1204] {strides = array<i32>} : memref<64x256xf32, #tpu.memory_space<vmem>>, vector<16xf32>,
        %mul3A_1206 = arith.mulf %get3A_1202, %get3A_1205 : vector<16xf32>
        %add3A_1207 = arith.addf %add3A_1199, %mul3A_1206 : vector<16xf32>
        %get3A_1208 = arith.index_cast %add3A_1136 : i32 to index
        %get3A_1209 = arith.constant 144 : index
        %get3A_1210 = tpu.vector_load %arg9[%get3A_1208, %get3A_1209] {strides = array<i32>} : memref<64x256xf32, #tpu.memory_space<vmem>>, vector<16xf32>,
        %get3A_1211 = arith.index_cast %add3A_1136 : i32 to index
        %get3A_1212 = arith.constant 144 : index
        %get3A_1213 = tpu.vector_load %arg10[%get3A_1211, %get3A_1212] {strides = array<i32>} : memref<64x256xf32, #tpu.memory_space<vmem>>, vector<16xf32>,
        %mul3A_1214 = arith.mulf %get3A_1210, %get3A_1213 : vector<16xf32>
        %add3A_1215 = arith.addf %add3A_1207, %mul3A_1214 : vector<16xf32>
        %get3A_1216 = arith.index_cast %add3A_1136 : i32 to index
        %get3A_1217 = arith.constant 160 : index
        %get3A_1218 = tpu.vector_load %arg9[%get3A_1216, %get3A_1217] {strides = array<i32>} : memref<64x256xf32, #tpu.memory_space<vmem>>, vector<16xf32>,
        %get3A_1219 = arith.index_cast %add3A_1136 : i32 to index
        %get3A_1220 = arith.constant 160 : index
        %get3A_1221 = tpu.vector_load %arg10[%get3A_1219, %get3A_1220] {strides = array<i32>} : memref<64x256xf32, #tpu.memory_space<vmem>>, vector<16xf32>,
        %mul3A_1222 = arith.mulf %get3A_1218, %get3A_1221 : vector<16xf32>
        %add3A_1223 = arith.addf %add3A_1215, %mul3A_1222 : vector<16xf32>
        %get3A_1224 = arith.index_cast %add3A_1136 : i32 to index
        %get3A_1225 = arith.constant 176 : index
        %get3A_1226 = tpu.vector_load %arg9[%get3A_1224, %get3A_1225] {strides = array<i32>} : memref<64x256xf32, #tpu.memory_space<vmem>>, vector<16xf32>,
        %get3A_1227 = arith.index_cast %add3A_1136 : i32 to index
        %get3A_1228 = arith.constant 176 : index
        %get3A_1229 = tpu.vector_load %arg10[%get3A_1227, %get3A_1228] {strides = array<i32>} : memref<64x256xf32, #tpu.memory_space<vmem>>, vector<16xf32>,
        %mul3A_1230 = arith.mulf %get3A_1226, %get3A_1229 : vector<16xf32>
        %add3A_1231 = arith.addf %add3A_1223, %mul3A_1230 : vector<16xf32>
        %get3A_1232 = arith.index_cast %add3A_1136 : i32 to index
        %get3A_1233 = arith.constant 192 : index
        %get3A_1234 = tpu.vector_load %arg9[%get3A_1232, %get3A_1233] {strides = array<i32>} : memref<64x256xf32, #tpu.memory_space<vmem>>, vector<16xf32>,
        %get3A_1235 = arith.index_cast %add3A_1136 : i32 to index
        %get3A_1236 = arith.constant 192 : index
        %get3A_1237 = tpu.vector_load %arg10[%get3A_1235, %get3A_1236] {strides = array<i32>} : memref<64x256xf32, #tpu.memory_space<vmem>>, vector<16xf32>,
        %mul3A_1238 = arith.mulf %get3A_1234, %get3A_1237 : vector<16xf32>
        %add3A_1239 = arith.addf %add3A_1231, %mul3A_1238 : vector<16xf32>
        %get3A_1240 = arith.index_cast %add3A_1136 : i32 to index
        %get3A_1241 = arith.constant 208 : index
        %get3A_1242 = tpu.vector_load %arg9[%get3A_1240, %get3A_1241] {strides = array<i32>} : memref<64x256xf32, #tpu.memory_space<vmem>>, vector<16xf32>,
        %get3A_1243 = arith.index_cast %add3A_1136 : i32 to index
        %get3A_1244 = arith.constant 208 : index
        %get3A_1245 = tpu.vector_load %arg10[%get3A_1243, %get3A_1244] {strides = array<i32>} : memref<64x256xf32, #tpu.memory_space<vmem>>, vector<16xf32>,
        %mul3A_1246 = arith.mulf %get3A_1242, %get3A_1245 : vector<16xf32>
        %add3A_1247 = arith.addf %add3A_1239, %mul3A_1246 : vector<16xf32>
        %get3A_1248 = arith.index_cast %add3A_1136 : i32 to index
        %get3A_1249 = arith.constant 224 : index
        %get3A_1250 = tpu.vector_load %arg9[%get3A_1248, %get3A_1249] {strides = array<i32>} : memref<64x256xf32, #tpu.memory_space<vmem>>, vector<16xf32>,
        %get3A_1251 = arith.index_cast %add3A_1136 : i32 to index
        %get3A_1252 = arith.constant 224 : index
        %get3A_1253 = tpu.vector_load %arg10[%get3A_1251, %get3A_1252] {strides = array<i32>} : memref<64x256xf32, #tpu.memory_space<vmem>>, vector<16xf32>,
        %mul3A_1254 = arith.mulf %get3A_1250, %get3A_1253 : vector<16xf32>
        %add3A_1255 = arith.addf %add3A_1247, %mul3A_1254 : vector<16xf32>
        %get3A_1256 = arith.index_cast %add3A_1136 : i32 to index
        %get3A_1257 = arith.constant 240 : index
        %get3A_1258 = tpu.vector_load %arg9[%get3A_1256, %get3A_1257] {strides = array<i32>} : memref<64x256xf32, #tpu.memory_space<vmem>>, vector<16xf32>,
        %get3A_1259 = arith.index_cast %add3A_1136 : i32 to index
        %get3A_1260 = arith.constant 240 : index
        %get3A_1261 = tpu.vector_load %arg10[%get3A_1259, %get3A_1260] {strides = array<i32>} : memref<64x256xf32, #tpu.memory_space<vmem>>, vector<16xf32>,
        %mul3A_1262 = arith.mulf %get3A_1258, %get3A_1261 : vector<16xf32>
        %add3A_1263 = arith.addf %add3A_1255, %mul3A_1262 : vector<16xf32>
        %eq3A_1264 = arith.constant 8 : i32
        %eq3A_1265 = vector.broadcast %eq3A_1264 : i32 to vector<16xi32>
        %eq3A_1266 = arith.cmpi eq, %iota3A, %eq3A_1265 : vector<16xi32>
        %reduce_sum3A_1267 = arith.constant true
        %reduce_sum3A_1268 = vector.broadcast %reduce_sum3A_1267 : i1 to vector<16xi1>
        %reduce_sum3A_1269 = tpu.scan <sum>, %add3A_1263 masked %reduce_sum3A_1268 : vector<16xf32>, vector<16xi1> -> vector<16xf32>
        %reduce_sum3A_1270 = vector.extract %reduce_sum3A_1269[15] : f32 from vector<16xf32>
        %broadcast_in_dim3A_1271 = vector.broadcast %reduce_sum3A_1270 : f32 to vector<16xf32>
        %select_n3A_1272 = arith.select %eq3A_1266, %broadcast_in_dim3A_1271, %select_n3A_1132 : vector<16xi1>, vector<16xf32>
        %mul3A_1273 = arith.constant 16 : i32
        %mul3A_1274 = arith.muli %scan3A_15, %mul3A_1273 : i32
        %add3A_1275 = arith.constant 9 : i32
        %add3A_1276 = arith.addi %mul3A_1274, %add3A_1275 : i32
        %get3A_1277 = arith.index_cast %add3A_1276 : i32 to index
        %get3A_1278 = arith.constant 0 : index
        %get3A_1279 = tpu.vector_load %arg9[%get3A_1277, %get3A_1278] {strides = array<i32>} : memref<64x256xf32, #tpu.memory_space<vmem>>, vector<16xf32>,
        %get3A_1280 = arith.index_cast %add3A_1276 : i32 to index
        %get3A_1281 = arith.constant 0 : index
        %get3A_1282 = tpu.vector_load %arg10[%get3A_1280, %get3A_1281] {strides = array<i32>} : memref<64x256xf32, #tpu.memory_space<vmem>>, vector<16xf32>,
        %mul3A_1283 = arith.mulf %get3A_1279, %get3A_1282 : vector<16xf32>
        %get3A_1284 = arith.index_cast %add3A_1276 : i32 to index
        %get3A_1285 = arith.constant 16 : index
        %get3A_1286 = tpu.vector_load %arg9[%get3A_1284, %get3A_1285] {strides = array<i32>} : memref<64x256xf32, #tpu.memory_space<vmem>>, vector<16xf32>,
        %get3A_1287 = arith.index_cast %add3A_1276 : i32 to index
        %get3A_1288 = arith.constant 16 : index
        %get3A_1289 = tpu.vector_load %arg10[%get3A_1287, %get3A_1288] {strides = array<i32>} : memref<64x256xf32, #tpu.memory_space<vmem>>, vector<16xf32>,
        %mul3A_1290 = arith.mulf %get3A_1286, %get3A_1289 : vector<16xf32>
        %add3A_1291 = arith.addf %mul3A_1283, %mul3A_1290 : vector<16xf32>
        %get3A_1292 = arith.index_cast %add3A_1276 : i32 to index
        %get3A_1293 = arith.constant 32 : index
        %get3A_1294 = tpu.vector_load %arg9[%get3A_1292, %get3A_1293] {strides = array<i32>} : memref<64x256xf32, #tpu.memory_space<vmem>>, vector<16xf32>,
        %get3A_1295 = arith.index_cast %add3A_1276 : i32 to index
        %get3A_1296 = arith.constant 32 : index
        %get3A_1297 = tpu.vector_load %arg10[%get3A_1295, %get3A_1296] {strides = array<i32>} : memref<64x256xf32, #tpu.memory_space<vmem>>, vector<16xf32>,
        %mul3A_1298 = arith.mulf %get3A_1294, %get3A_1297 : vector<16xf32>
        %add3A_1299 = arith.addf %add3A_1291, %mul3A_1298 : vector<16xf32>
        %get3A_1300 = arith.index_cast %add3A_1276 : i32 to index
        %get3A_1301 = arith.constant 48 : index
        %get3A_1302 = tpu.vector_load %arg9[%get3A_1300, %get3A_1301] {strides = array<i32>} : memref<64x256xf32, #tpu.memory_space<vmem>>, vector<16xf32>,
        %get3A_1303 = arith.index_cast %add3A_1276 : i32 to index
        %get3A_1304 = arith.constant 48 : index
        %get3A_1305 = tpu.vector_load %arg10[%get3A_1303, %get3A_1304] {strides = array<i32>} : memref<64x256xf32, #tpu.memory_space<vmem>>, vector<16xf32>,
        %mul3A_1306 = arith.mulf %get3A_1302, %get3A_1305 : vector<16xf32>
        %add3A_1307 = arith.addf %add3A_1299, %mul3A_1306 : vector<16xf32>
        %get3A_1308 = arith.index_cast %add3A_1276 : i32 to index
        %get3A_1309 = arith.constant 64 : index
        %get3A_1310 = tpu.vector_load %arg9[%get3A_1308, %get3A_1309] {strides = array<i32>} : memref<64x256xf32, #tpu.memory_space<vmem>>, vector<16xf32>,
        %get3A_1311 = arith.index_cast %add3A_1276 : i32 to index
        %get3A_1312 = arith.constant 64 : index
        %get3A_1313 = tpu.vector_load %arg10[%get3A_1311, %get3A_1312] {strides = array<i32>} : memref<64x256xf32, #tpu.memory_space<vmem>>, vector<16xf32>,
        %mul3A_1314 = arith.mulf %get3A_1310, %get3A_1313 : vector<16xf32>
        %add3A_1315 = arith.addf %add3A_1307, %mul3A_1314 : vector<16xf32>
        %get3A_1316 = arith.index_cast %add3A_1276 : i32 to index
        %get3A_1317 = arith.constant 80 : index
        %get3A_1318 = tpu.vector_load %arg9[%get3A_1316, %get3A_1317] {strides = array<i32>} : memref<64x256xf32, #tpu.memory_space<vmem>>, vector<16xf32>,
        %get3A_1319 = arith.index_cast %add3A_1276 : i32 to index
        %get3A_1320 = arith.constant 80 : index
        %get3A_1321 = tpu.vector_load %arg10[%get3A_1319, %get3A_1320] {strides = array<i32>} : memref<64x256xf32, #tpu.memory_space<vmem>>, vector<16xf32>,
        %mul3A_1322 = arith.mulf %get3A_1318, %get3A_1321 : vector<16xf32>
        %add3A_1323 = arith.addf %add3A_1315, %mul3A_1322 : vector<16xf32>
        %get3A_1324 = arith.index_cast %add3A_1276 : i32 to index
        %get3A_1325 = arith.constant 96 : index
        %get3A_1326 = tpu.vector_load %arg9[%get3A_1324, %get3A_1325] {strides = array<i32>} : memref<64x256xf32, #tpu.memory_space<vmem>>, vector<16xf32>,
        %get3A_1327 = arith.index_cast %add3A_1276 : i32 to index
        %get3A_1328 = arith.constant 96 : index
        %get3A_1329 = tpu.vector_load %arg10[%get3A_1327, %get3A_1328] {strides = array<i32>} : memref<64x256xf32, #tpu.memory_space<vmem>>, vector<16xf32>,
        %mul3A_1330 = arith.mulf %get3A_1326, %get3A_1329 : vector<16xf32>
        %add3A_1331 = arith.addf %add3A_1323, %mul3A_1330 : vector<16xf32>
        %get3A_1332 = arith.index_cast %add3A_1276 : i32 to index
        %get3A_1333 = arith.constant 112 : index
        %get3A_1334 = tpu.vector_load %arg9[%get3A_1332, %get3A_1333] {strides = array<i32>} : memref<64x256xf32, #tpu.memory_space<vmem>>, vector<16xf32>,
        %get3A_1335 = arith.index_cast %add3A_1276 : i32 to index
        %get3A_1336 = arith.constant 112 : index
        %get3A_1337 = tpu.vector_load %arg10[%get3A_1335, %get3A_1336] {strides = array<i32>} : memref<64x256xf32, #tpu.memory_space<vmem>>, vector<16xf32>,
        %mul3A_1338 = arith.mulf %get3A_1334, %get3A_1337 : vector<16xf32>
        %add3A_1339 = arith.addf %add3A_1331, %mul3A_1338 : vector<16xf32>
        %get3A_1340 = arith.index_cast %add3A_1276 : i32 to index
        %get3A_1341 = arith.constant 128 : index
        %get3A_1342 = tpu.vector_load %arg9[%get3A_1340, %get3A_1341] {strides = array<i32>} : memref<64x256xf32, #tpu.memory_space<vmem>>, vector<16xf32>,
        %get3A_1343 = arith.index_cast %add3A_1276 : i32 to index
        %get3A_1344 = arith.constant 128 : index
        %get3A_1345 = tpu.vector_load %arg10[%get3A_1343, %get3A_1344] {strides = array<i32>} : memref<64x256xf32, #tpu.memory_space<vmem>>, vector<16xf32>,
        %mul3A_1346 = arith.mulf %get3A_1342, %get3A_1345 : vector<16xf32>
        %add3A_1347 = arith.addf %add3A_1339, %mul3A_1346 : vector<16xf32>
        %get3A_1348 = arith.index_cast %add3A_1276 : i32 to index
        %get3A_1349 = arith.constant 144 : index
        %get3A_1350 = tpu.vector_load %arg9[%get3A_1348, %get3A_1349] {strides = array<i32>} : memref<64x256xf32, #tpu.memory_space<vmem>>, vector<16xf32>,
        %get3A_1351 = arith.index_cast %add3A_1276 : i32 to index
        %get3A_1352 = arith.constant 144 : index
        %get3A_1353 = tpu.vector_load %arg10[%get3A_1351, %get3A_1352] {strides = array<i32>} : memref<64x256xf32, #tpu.memory_space<vmem>>, vector<16xf32>,
        %mul3A_1354 = arith.mulf %get3A_1350, %get3A_1353 : vector<16xf32>
        %add3A_1355 = arith.addf %add3A_1347, %mul3A_1354 : vector<16xf32>
        %get3A_1356 = arith.index_cast %add3A_1276 : i32 to index
        %get3A_1357 = arith.constant 160 : index
        %get3A_1358 = tpu.vector_load %arg9[%get3A_1356, %get3A_1357] {strides = array<i32>} : memref<64x256xf32, #tpu.memory_space<vmem>>, vector<16xf32>,
        %get3A_1359 = arith.index_cast %add3A_1276 : i32 to index
        %get3A_1360 = arith.constant 160 : index
        %get3A_1361 = tpu.vector_load %arg10[%get3A_1359, %get3A_1360] {strides = array<i32>} : memref<64x256xf32, #tpu.memory_space<vmem>>, vector<16xf32>,
        %mul3A_1362 = arith.mulf %get3A_1358, %get3A_1361 : vector<16xf32>
        %add3A_1363 = arith.addf %add3A_1355, %mul3A_1362 : vector<16xf32>
        %get3A_1364 = arith.index_cast %add3A_1276 : i32 to index
        %get3A_1365 = arith.constant 176 : index
        %get3A_1366 = tpu.vector_load %arg9[%get3A_1364, %get3A_1365] {strides = array<i32>} : memref<64x256xf32, #tpu.memory_space<vmem>>, vector<16xf32>,
        %get3A_1367 = arith.index_cast %add3A_1276 : i32 to index
        %get3A_1368 = arith.constant 176 : index
        %get3A_1369 = tpu.vector_load %arg10[%get3A_1367, %get3A_1368] {strides = array<i32>} : memref<64x256xf32, #tpu.memory_space<vmem>>, vector<16xf32>,
        %mul3A_1370 = arith.mulf %get3A_1366, %get3A_1369 : vector<16xf32>
        %add3A_1371 = arith.addf %add3A_1363, %mul3A_1370 : vector<16xf32>
        %get3A_1372 = arith.index_cast %add3A_1276 : i32 to index
        %get3A_1373 = arith.constant 192 : index
        %get3A_1374 = tpu.vector_load %arg9[%get3A_1372, %get3A_1373] {strides = array<i32>} : memref<64x256xf32, #tpu.memory_space<vmem>>, vector<16xf32>,
        %get3A_1375 = arith.index_cast %add3A_1276 : i32 to index
        %get3A_1376 = arith.constant 192 : index
        %get3A_1377 = tpu.vector_load %arg10[%get3A_1375, %get3A_1376] {strides = array<i32>} : memref<64x256xf32, #tpu.memory_space<vmem>>, vector<16xf32>,
        %mul3A_1378 = arith.mulf %get3A_1374, %get3A_1377 : vector<16xf32>
        %add3A_1379 = arith.addf %add3A_1371, %mul3A_1378 : vector<16xf32>
        %get3A_1380 = arith.index_cast %add3A_1276 : i32 to index
        %get3A_1381 = arith.constant 208 : index
        %get3A_1382 = tpu.vector_load %arg9[%get3A_1380, %get3A_1381] {strides = array<i32>} : memref<64x256xf32, #tpu.memory_space<vmem>>, vector<16xf32>,
        %get3A_1383 = arith.index_cast %add3A_1276 : i32 to index
        %get3A_1384 = arith.constant 208 : index
        %get3A_1385 = tpu.vector_load %arg10[%get3A_1383, %get3A_1384] {strides = array<i32>} : memref<64x256xf32, #tpu.memory_space<vmem>>, vector<16xf32>,
        %mul3A_1386 = arith.mulf %get3A_1382, %get3A_1385 : vector<16xf32>
        %add3A_1387 = arith.addf %add3A_1379, %mul3A_1386 : vector<16xf32>
        %get3A_1388 = arith.index_cast %add3A_1276 : i32 to index
        %get3A_1389 = arith.constant 224 : index
        %get3A_1390 = tpu.vector_load %arg9[%get3A_1388, %get3A_1389] {strides = array<i32>} : memref<64x256xf32, #tpu.memory_space<vmem>>, vector<16xf32>,
        %get3A_1391 = arith.index_cast %add3A_1276 : i32 to index
        %get3A_1392 = arith.constant 224 : index
        %get3A_1393 = tpu.vector_load %arg10[%get3A_1391, %get3A_1392] {strides = array<i32>} : memref<64x256xf32, #tpu.memory_space<vmem>>, vector<16xf32>,
        %mul3A_1394 = arith.mulf %get3A_1390, %get3A_1393 : vector<16xf32>
        %add3A_1395 = arith.addf %add3A_1387, %mul3A_1394 : vector<16xf32>
        %get3A_1396 = arith.index_cast %add3A_1276 : i32 to index
        %get3A_1397 = arith.constant 240 : index
        %get3A_1398 = tpu.vector_load %arg9[%get3A_1396, %get3A_1397] {strides = array<i32>} : memref<64x256xf32, #tpu.memory_space<vmem>>, vector<16xf32>,
        %get3A_1399 = arith.index_cast %add3A_1276 : i32 to index
        %get3A_1400 = arith.constant 240 : index
        %get3A_1401 = tpu.vector_load %arg10[%get3A_1399, %get3A_1400] {strides = array<i32>} : memref<64x256xf32, #tpu.memory_space<vmem>>, vector<16xf32>,
        %mul3A_1402 = arith.mulf %get3A_1398, %get3A_1401 : vector<16xf32>
        %add3A_1403 = arith.addf %add3A_1395, %mul3A_1402 : vector<16xf32>
        %eq3A_1404 = arith.constant 9 : i32
        %eq3A_1405 = vector.broadcast %eq3A_1404 : i32 to vector<16xi32>
        %eq3A_1406 = arith.cmpi eq, %iota3A, %eq3A_1405 : vector<16xi32>
        %reduce_sum3A_1407 = arith.constant true
        %reduce_sum3A_1408 = vector.broadcast %reduce_sum3A_1407 : i1 to vector<16xi1>
        %reduce_sum3A_1409 = tpu.scan <sum>, %add3A_1403 masked %reduce_sum3A_1408 : vector<16xf32>, vector<16xi1> -> vector<16xf32>
        %reduce_sum3A_1410 = vector.extract %reduce_sum3A_1409[15] : f32 from vector<16xf32>
        %broadcast_in_dim3A_1411 = vector.broadcast %reduce_sum3A_1410 : f32 to vector<16xf32>
        %select_n3A_1412 = arith.select %eq3A_1406, %broadcast_in_dim3A_1411, %select_n3A_1272 : vector<16xi1>, vector<16xf32>
        %mul3A_1413 = arith.constant 16 : i32
        %mul3A_1414 = arith.muli %scan3A_15, %mul3A_1413 : i32
        %add3A_1415 = arith.constant 10 : i32
        %add3A_1416 = arith.addi %mul3A_1414, %add3A_1415 : i32
        %get3A_1417 = arith.index_cast %add3A_1416 : i32 to index
        %get3A_1418 = arith.constant 0 : index
        %get3A_1419 = tpu.vector_load %arg9[%get3A_1417, %get3A_1418] {strides = array<i32>} : memref<64x256xf32, #tpu.memory_space<vmem>>, vector<16xf32>,
        %get3A_1420 = arith.index_cast %add3A_1416 : i32 to index
        %get3A_1421 = arith.constant 0 : index
        %get3A_1422 = tpu.vector_load %arg10[%get3A_1420, %get3A_1421] {strides = array<i32>} : memref<64x256xf32, #tpu.memory_space<vmem>>, vector<16xf32>,
        %mul3A_1423 = arith.mulf %get3A_1419, %get3A_1422 : vector<16xf32>
        %get3A_1424 = arith.index_cast %add3A_1416 : i32 to index
        %get3A_1425 = arith.constant 16 : index
        %get3A_1426 = tpu.vector_load %arg9[%get3A_1424, %get3A_1425] {strides = array<i32>} : memref<64x256xf32, #tpu.memory_space<vmem>>, vector<16xf32>,
        %get3A_1427 = arith.index_cast %add3A_1416 : i32 to index
        %get3A_1428 = arith.constant 16 : index
        %get3A_1429 = tpu.vector_load %arg10[%get3A_1427, %get3A_1428] {strides = array<i32>} : memref<64x256xf32, #tpu.memory_space<vmem>>, vector<16xf32>,
        %mul3A_1430 = arith.mulf %get3A_1426, %get3A_1429 : vector<16xf32>
        %add3A_1431 = arith.addf %mul3A_1423, %mul3A_1430 : vector<16xf32>
        %get3A_1432 = arith.index_cast %add3A_1416 : i32 to index
        %get3A_1433 = arith.constant 32 : index
        %get3A_1434 = tpu.vector_load %arg9[%get3A_1432, %get3A_1433] {strides = array<i32>} : memref<64x256xf32, #tpu.memory_space<vmem>>, vector<16xf32>,
        %get3A_1435 = arith.index_cast %add3A_1416 : i32 to index
        %get3A_1436 = arith.constant 32 : index
        %get3A_1437 = tpu.vector_load %arg10[%get3A_1435, %get3A_1436] {strides = array<i32>} : memref<64x256xf32, #tpu.memory_space<vmem>>, vector<16xf32>,
        %mul3A_1438 = arith.mulf %get3A_1434, %get3A_1437 : vector<16xf32>
        %add3A_1439 = arith.addf %add3A_1431, %mul3A_1438 : vector<16xf32>
        %get3A_1440 = arith.index_cast %add3A_1416 : i32 to index
        %get3A_1441 = arith.constant 48 : index
        %get3A_1442 = tpu.vector_load %arg9[%get3A_1440, %get3A_1441] {strides = array<i32>} : memref<64x256xf32, #tpu.memory_space<vmem>>, vector<16xf32>,
        %get3A_1443 = arith.index_cast %add3A_1416 : i32 to index
        %get3A_1444 = arith.constant 48 : index
        %get3A_1445 = tpu.vector_load %arg10[%get3A_1443, %get3A_1444] {strides = array<i32>} : memref<64x256xf32, #tpu.memory_space<vmem>>, vector<16xf32>,
        %mul3A_1446 = arith.mulf %get3A_1442, %get3A_1445 : vector<16xf32>
        %add3A_1447 = arith.addf %add3A_1439, %mul3A_1446 : vector<16xf32>
        %get3A_1448 = arith.index_cast %add3A_1416 : i32 to index
        %get3A_1449 = arith.constant 64 : index
        %get3A_1450 = tpu.vector_load %arg9[%get3A_1448, %get3A_1449] {strides = array<i32>} : memref<64x256xf32, #tpu.memory_space<vmem>>, vector<16xf32>,
        %get3A_1451 = arith.index_cast %add3A_1416 : i32 to index
        %get3A_1452 = arith.constant 64 : index
        %get3A_1453 = tpu.vector_load %arg10[%get3A_1451, %get3A_1452] {strides = array<i32>} : memref<64x256xf32, #tpu.memory_space<vmem>>, vector<16xf32>,
        %mul3A_1454 = arith.mulf %get3A_1450, %get3A_1453 : vector<16xf32>
        %add3A_1455 = arith.addf %add3A_1447, %mul3A_1454 : vector<16xf32>
        %get3A_1456 = arith.index_cast %add3A_1416 : i32 to index
        %get3A_1457 = arith.constant 80 : index
        %get3A_1458 = tpu.vector_load %arg9[%get3A_1456, %get3A_1457] {strides = array<i32>} : memref<64x256xf32, #tpu.memory_space<vmem>>, vector<16xf32>,
        %get3A_1459 = arith.index_cast %add3A_1416 : i32 to index
        %get3A_1460 = arith.constant 80 : index
        %get3A_1461 = tpu.vector_load %arg10[%get3A_1459, %get3A_1460] {strides = array<i32>} : memref<64x256xf32, #tpu.memory_space<vmem>>, vector<16xf32>,
        %mul3A_1462 = arith.mulf %get3A_1458, %get3A_1461 : vector<16xf32>
        %add3A_1463 = arith.addf %add3A_1455, %mul3A_1462 : vector<16xf32>
        %get3A_1464 = arith.index_cast %add3A_1416 : i32 to index
        %get3A_1465 = arith.constant 96 : index
        %get3A_1466 = tpu.vector_load %arg9[%get3A_1464, %get3A_1465] {strides = array<i32>} : memref<64x256xf32, #tpu.memory_space<vmem>>, vector<16xf32>,
        %get3A_1467 = arith.index_cast %add3A_1416 : i32 to index
        %get3A_1468 = arith.constant 96 : index
        %get3A_1469 = tpu.vector_load %arg10[%get3A_1467, %get3A_1468] {strides = array<i32>} : memref<64x256xf32, #tpu.memory_space<vmem>>, vector<16xf32>,
        %mul3A_1470 = arith.mulf %get3A_1466, %get3A_1469 : vector<16xf32>
        %add3A_1471 = arith.addf %add3A_1463, %mul3A_1470 : vector<16xf32>
        %get3A_1472 = arith.index_cast %add3A_1416 : i32 to index
        %get3A_1473 = arith.constant 112 : index
        %get3A_1474 = tpu.vector_load %arg9[%get3A_1472, %get3A_1473] {strides = array<i32>} : memref<64x256xf32, #tpu.memory_space<vmem>>, vector<16xf32>,
        %get3A_1475 = arith.index_cast %add3A_1416 : i32 to index
        %get3A_1476 = arith.constant 112 : index
        %get3A_1477 = tpu.vector_load %arg10[%get3A_1475, %get3A_1476] {strides = array<i32>} : memref<64x256xf32, #tpu.memory_space<vmem>>, vector<16xf32>,
        %mul3A_1478 = arith.mulf %get3A_1474, %get3A_1477 : vector<16xf32>
        %add3A_1479 = arith.addf %add3A_1471, %mul3A_1478 : vector<16xf32>
        %get3A_1480 = arith.index_cast %add3A_1416 : i32 to index
        %get3A_1481 = arith.constant 128 : index
        %get3A_1482 = tpu.vector_load %arg9[%get3A_1480, %get3A_1481] {strides = array<i32>} : memref<64x256xf32, #tpu.memory_space<vmem>>, vector<16xf32>,
        %get3A_1483 = arith.index_cast %add3A_1416 : i32 to index
        %get3A_1484 = arith.constant 128 : index
        %get3A_1485 = tpu.vector_load %arg10[%get3A_1483, %get3A_1484] {strides = array<i32>} : memref<64x256xf32, #tpu.memory_space<vmem>>, vector<16xf32>,
        %mul3A_1486 = arith.mulf %get3A_1482, %get3A_1485 : vector<16xf32>
        %add3A_1487 = arith.addf %add3A_1479, %mul3A_1486 : vector<16xf32>
        %get3A_1488 = arith.index_cast %add3A_1416 : i32 to index
        %get3A_1489 = arith.constant 144 : index
        %get3A_1490 = tpu.vector_load %arg9[%get3A_1488, %get3A_1489] {strides = array<i32>} : memref<64x256xf32, #tpu.memory_space<vmem>>, vector<16xf32>,
        %get3A_1491 = arith.index_cast %add3A_1416 : i32 to index
        %get3A_1492 = arith.constant 144 : index
        %get3A_1493 = tpu.vector_load %arg10[%get3A_1491, %get3A_1492] {strides = array<i32>} : memref<64x256xf32, #tpu.memory_space<vmem>>, vector<16xf32>,
        %mul3A_1494 = arith.mulf %get3A_1490, %get3A_1493 : vector<16xf32>
        %add3A_1495 = arith.addf %add3A_1487, %mul3A_1494 : vector<16xf32>
        %get3A_1496 = arith.index_cast %add3A_1416 : i32 to index
        %get3A_1497 = arith.constant 160 : index
        %get3A_1498 = tpu.vector_load %arg9[%get3A_1496, %get3A_1497] {strides = array<i32>} : memref<64x256xf32, #tpu.memory_space<vmem>>, vector<16xf32>,
        %get3A_1499 = arith.index_cast %add3A_1416 : i32 to index
        %get3A_1500 = arith.constant 160 : index
        %get3A_1501 = tpu.vector_load %arg10[%get3A_1499, %get3A_1500] {strides = array<i32>} : memref<64x256xf32, #tpu.memory_space<vmem>>, vector<16xf32>,
        %mul3A_1502 = arith.mulf %get3A_1498, %get3A_1501 : vector<16xf32>
        %add3A_1503 = arith.addf %add3A_1495, %mul3A_1502 : vector<16xf32>
        %get3A_1504 = arith.index_cast %add3A_1416 : i32 to index
        %get3A_1505 = arith.constant 176 : index
        %get3A_1506 = tpu.vector_load %arg9[%get3A_1504, %get3A_1505] {strides = array<i32>} : memref<64x256xf32, #tpu.memory_space<vmem>>, vector<16xf32>,
        %get3A_1507 = arith.index_cast %add3A_1416 : i32 to index
        %get3A_1508 = arith.constant 176 : index
        %get3A_1509 = tpu.vector_load %arg10[%get3A_1507, %get3A_1508] {strides = array<i32>} : memref<64x256xf32, #tpu.memory_space<vmem>>, vector<16xf32>,
        %mul3A_1510 = arith.mulf %get3A_1506, %get3A_1509 : vector<16xf32>
        %add3A_1511 = arith.addf %add3A_1503, %mul3A_1510 : vector<16xf32>
        %get3A_1512 = arith.index_cast %add3A_1416 : i32 to index
        %get3A_1513 = arith.constant 192 : index
        %get3A_1514 = tpu.vector_load %arg9[%get3A_1512, %get3A_1513] {strides = array<i32>} : memref<64x256xf32, #tpu.memory_space<vmem>>, vector<16xf32>,
        %get3A_1515 = arith.index_cast %add3A_1416 : i32 to index
        %get3A_1516 = arith.constant 192 : index
        %get3A_1517 = tpu.vector_load %arg10[%get3A_1515, %get3A_1516] {strides = array<i32>} : memref<64x256xf32, #tpu.memory_space<vmem>>, vector<16xf32>,
        %mul3A_1518 = arith.mulf %get3A_1514, %get3A_1517 : vector<16xf32>
        %add3A_1519 = arith.addf %add3A_1511, %mul3A_1518 : vector<16xf32>
        %get3A_1520 = arith.index_cast %add3A_1416 : i32 to index
        %get3A_1521 = arith.constant 208 : index
        %get3A_1522 = tpu.vector_load %arg9[%get3A_1520, %get3A_1521] {strides = array<i32>} : memref<64x256xf32, #tpu.memory_space<vmem>>, vector<16xf32>,
        %get3A_1523 = arith.index_cast %add3A_1416 : i32 to index
        %get3A_1524 = arith.constant 208 : index
        %get3A_1525 = tpu.vector_load %arg10[%get3A_1523, %get3A_1524] {strides = array<i32>} : memref<64x256xf32, #tpu.memory_space<vmem>>, vector<16xf32>,
        %mul3A_1526 = arith.mulf %get3A_1522, %get3A_1525 : vector<16xf32>
        %add3A_1527 = arith.addf %add3A_1519, %mul3A_1526 : vector<16xf32>
        %get3A_1528 = arith.index_cast %add3A_1416 : i32 to index
        %get3A_1529 = arith.constant 224 : index
        %get3A_1530 = tpu.vector_load %arg9[%get3A_1528, %get3A_1529] {strides = array<i32>} : memref<64x256xf32, #tpu.memory_space<vmem>>, vector<16xf32>,
        %get3A_1531 = arith.index_cast %add3A_1416 : i32 to index
        %get3A_1532 = arith.constant 224 : index
        %get3A_1533 = tpu.vector_load %arg10[%get3A_1531, %get3A_1532] {strides = array<i32>} : memref<64x256xf32, #tpu.memory_space<vmem>>, vector<16xf32>,
        %mul3A_1534 = arith.mulf %get3A_1530, %get3A_1533 : vector<16xf32>
        %add3A_1535 = arith.addf %add3A_1527, %mul3A_1534 : vector<16xf32>
        %get3A_1536 = arith.index_cast %add3A_1416 : i32 to index
        %get3A_1537 = arith.constant 240 : index
        %get3A_1538 = tpu.vector_load %arg9[%get3A_1536, %get3A_1537] {strides = array<i32>} : memref<64x256xf32, #tpu.memory_space<vmem>>, vector<16xf32>,
        %get3A_1539 = arith.index_cast %add3A_1416 : i32 to index
        %get3A_1540 = arith.constant 240 : index
        %get3A_1541 = tpu.vector_load %arg10[%get3A_1539, %get3A_1540] {strides = array<i32>} : memref<64x256xf32, #tpu.memory_space<vmem>>, vector<16xf32>,
        %mul3A_1542 = arith.mulf %get3A_1538, %get3A_1541 : vector<16xf32>
        %add3A_1543 = arith.addf %add3A_1535, %mul3A_1542 : vector<16xf32>
        %eq3A_1544 = arith.constant 10 : i32
        %eq3A_1545 = vector.broadcast %eq3A_1544 : i32 to vector<16xi32>
        %eq3A_1546 = arith.cmpi eq, %iota3A, %eq3A_1545 : vector<16xi32>
        %reduce_sum3A_1547 = arith.constant true
        %reduce_sum3A_1548 = vector.broadcast %reduce_sum3A_1547 : i1 to vector<16xi1>
        %reduce_sum3A_1549 = tpu.scan <sum>, %add3A_1543 masked %reduce_sum3A_1548 : vector<16xf32>, vector<16xi1> -> vector<16xf32>
        %reduce_sum3A_1550 = vector.extract %reduce_sum3A_1549[15] : f32 from vector<16xf32>
        %broadcast_in_dim3A_1551 = vector.broadcast %reduce_sum3A_1550 : f32 to vector<16xf32>
        %select_n3A_1552 = arith.select %eq3A_1546, %broadcast_in_dim3A_1551, %select_n3A_1412 : vector<16xi1>, vector<16xf32>
        %mul3A_1553 = arith.constant 16 : i32
        %mul3A_1554 = arith.muli %scan3A_15, %mul3A_1553 : i32
        %add3A_1555 = arith.constant 11 : i32
        %add3A_1556 = arith.addi %mul3A_1554, %add3A_1555 : i32
        %get3A_1557 = arith.index_cast %add3A_1556 : i32 to index
        %get3A_1558 = arith.constant 0 : index
        %get3A_1559 = tpu.vector_load %arg9[%get3A_1557, %get3A_1558] {strides = array<i32>} : memref<64x256xf32, #tpu.memory_space<vmem>>, vector<16xf32>,
        %get3A_1560 = arith.index_cast %add3A_1556 : i32 to index
        %get3A_1561 = arith.constant 0 : index
        %get3A_1562 = tpu.vector_load %arg10[%get3A_1560, %get3A_1561] {strides = array<i32>} : memref<64x256xf32, #tpu.memory_space<vmem>>, vector<16xf32>,
        %mul3A_1563 = arith.mulf %get3A_1559, %get3A_1562 : vector<16xf32>
        %get3A_1564 = arith.index_cast %add3A_1556 : i32 to index
        %get3A_1565 = arith.constant 16 : index
        %get3A_1566 = tpu.vector_load %arg9[%get3A_1564, %get3A_1565] {strides = array<i32>} : memref<64x256xf32, #tpu.memory_space<vmem>>, vector<16xf32>,
        %get3A_1567 = arith.index_cast %add3A_1556 : i32 to index
        %get3A_1568 = arith.constant 16 : index
        %get3A_1569 = tpu.vector_load %arg10[%get3A_1567, %get3A_1568] {strides = array<i32>} : memref<64x256xf32, #tpu.memory_space<vmem>>, vector<16xf32>,
        %mul3A_1570 = arith.mulf %get3A_1566, %get3A_1569 : vector<16xf32>
        %add3A_1571 = arith.addf %mul3A_1563, %mul3A_1570 : vector<16xf32>
        %get3A_1572 = arith.index_cast %add3A_1556 : i32 to index
        %get3A_1573 = arith.constant 32 : index
        %get3A_1574 = tpu.vector_load %arg9[%get3A_1572, %get3A_1573] {strides = array<i32>} : memref<64x256xf32, #tpu.memory_space<vmem>>, vector<16xf32>,
        %get3A_1575 = arith.index_cast %add3A_1556 : i32 to index
        %get3A_1576 = arith.constant 32 : index
        %get3A_1577 = tpu.vector_load %arg10[%get3A_1575, %get3A_1576] {strides = array<i32>} : memref<64x256xf32, #tpu.memory_space<vmem>>, vector<16xf32>,
        %mul3A_1578 = arith.mulf %get3A_1574, %get3A_1577 : vector<16xf32>
        %add3A_1579 = arith.addf %add3A_1571, %mul3A_1578 : vector<16xf32>
        %get3A_1580 = arith.index_cast %add3A_1556 : i32 to index
        %get3A_1581 = arith.constant 48 : index
        %get3A_1582 = tpu.vector_load %arg9[%get3A_1580, %get3A_1581] {strides = array<i32>} : memref<64x256xf32, #tpu.memory_space<vmem>>, vector<16xf32>,
        %get3A_1583 = arith.index_cast %add3A_1556 : i32 to index
        %get3A_1584 = arith.constant 48 : index
        %get3A_1585 = tpu.vector_load %arg10[%get3A_1583, %get3A_1584] {strides = array<i32>} : memref<64x256xf32, #tpu.memory_space<vmem>>, vector<16xf32>,
        %mul3A_1586 = arith.mulf %get3A_1582, %get3A_1585 : vector<16xf32>
        %add3A_1587 = arith.addf %add3A_1579, %mul3A_1586 : vector<16xf32>
        %get3A_1588 = arith.index_cast %add3A_1556 : i32 to index
        %get3A_1589 = arith.constant 64 : index
        %get3A_1590 = tpu.vector_load %arg9[%get3A_1588, %get3A_1589] {strides = array<i32>} : memref<64x256xf32, #tpu.memory_space<vmem>>, vector<16xf32>,
        %get3A_1591 = arith.index_cast %add3A_1556 : i32 to index
        %get3A_1592 = arith.constant 64 : index
        %get3A_1593 = tpu.vector_load %arg10[%get3A_1591, %get3A_1592] {strides = array<i32>} : memref<64x256xf32, #tpu.memory_space<vmem>>, vector<16xf32>,
        %mul3A_1594 = arith.mulf %get3A_1590, %get3A_1593 : vector<16xf32>
        %add3A_1595 = arith.addf %add3A_1587, %mul3A_1594 : vector<16xf32>
        %get3A_1596 = arith.index_cast %add3A_1556 : i32 to index
        %get3A_1597 = arith.constant 80 : index
        %get3A_1598 = tpu.vector_load %arg9[%get3A_1596, %get3A_1597] {strides = array<i32>} : memref<64x256xf32, #tpu.memory_space<vmem>>, vector<16xf32>,
        %get3A_1599 = arith.index_cast %add3A_1556 : i32 to index
        %get3A_1600 = arith.constant 80 : index
        %get3A_1601 = tpu.vector_load %arg10[%get3A_1599, %get3A_1600] {strides = array<i32>} : memref<64x256xf32, #tpu.memory_space<vmem>>, vector<16xf32>,
        %mul3A_1602 = arith.mulf %get3A_1598, %get3A_1601 : vector<16xf32>
        %add3A_1603 = arith.addf %add3A_1595, %mul3A_1602 : vector<16xf32>
        %get3A_1604 = arith.index_cast %add3A_1556 : i32 to index
        %get3A_1605 = arith.constant 96 : index
        %get3A_1606 = tpu.vector_load %arg9[%get3A_1604, %get3A_1605] {strides = array<i32>} : memref<64x256xf32, #tpu.memory_space<vmem>>, vector<16xf32>,
        %get3A_1607 = arith.index_cast %add3A_1556 : i32 to index
        %get3A_1608 = arith.constant 96 : index
        %get3A_1609 = tpu.vector_load %arg10[%get3A_1607, %get3A_1608] {strides = array<i32>} : memref<64x256xf32, #tpu.memory_space<vmem>>, vector<16xf32>,
        %mul3A_1610 = arith.mulf %get3A_1606, %get3A_1609 : vector<16xf32>
        %add3A_1611 = arith.addf %add3A_1603, %mul3A_1610 : vector<16xf32>
        %get3A_1612 = arith.index_cast %add3A_1556 : i32 to index
        %get3A_1613 = arith.constant 112 : index
        %get3A_1614 = tpu.vector_load %arg9[%get3A_1612, %get3A_1613] {strides = array<i32>} : memref<64x256xf32, #tpu.memory_space<vmem>>, vector<16xf32>,
        %get3A_1615 = arith.index_cast %add3A_1556 : i32 to index
        %get3A_1616 = arith.constant 112 : index
        %get3A_1617 = tpu.vector_load %arg10[%get3A_1615, %get3A_1616] {strides = array<i32>} : memref<64x256xf32, #tpu.memory_space<vmem>>, vector<16xf32>,
        %mul3A_1618 = arith.mulf %get3A_1614, %get3A_1617 : vector<16xf32>
        %add3A_1619 = arith.addf %add3A_1611, %mul3A_1618 : vector<16xf32>
        %get3A_1620 = arith.index_cast %add3A_1556 : i32 to index
        %get3A_1621 = arith.constant 128 : index
        %get3A_1622 = tpu.vector_load %arg9[%get3A_1620, %get3A_1621] {strides = array<i32>} : memref<64x256xf32, #tpu.memory_space<vmem>>, vector<16xf32>,
        %get3A_1623 = arith.index_cast %add3A_1556 : i32 to index
        %get3A_1624 = arith.constant 128 : index
        %get3A_1625 = tpu.vector_load %arg10[%get3A_1623, %get3A_1624] {strides = array<i32>} : memref<64x256xf32, #tpu.memory_space<vmem>>, vector<16xf32>,
        %mul3A_1626 = arith.mulf %get3A_1622, %get3A_1625 : vector<16xf32>
        %add3A_1627 = arith.addf %add3A_1619, %mul3A_1626 : vector<16xf32>
        %get3A_1628 = arith.index_cast %add3A_1556 : i32 to index
        %get3A_1629 = arith.constant 144 : index
        %get3A_1630 = tpu.vector_load %arg9[%get3A_1628, %get3A_1629] {strides = array<i32>} : memref<64x256xf32, #tpu.memory_space<vmem>>, vector<16xf32>,
        %get3A_1631 = arith.index_cast %add3A_1556 : i32 to index
        %get3A_1632 = arith.constant 144 : index
        %get3A_1633 = tpu.vector_load %arg10[%get3A_1631, %get3A_1632] {strides = array<i32>} : memref<64x256xf32, #tpu.memory_space<vmem>>, vector<16xf32>,
        %mul3A_1634 = arith.mulf %get3A_1630, %get3A_1633 : vector<16xf32>
        %add3A_1635 = arith.addf %add3A_1627, %mul3A_1634 : vector<16xf32>
        %get3A_1636 = arith.index_cast %add3A_1556 : i32 to index
        %get3A_1637 = arith.constant 160 : index
        %get3A_1638 = tpu.vector_load %arg9[%get3A_1636, %get3A_1637] {strides = array<i32>} : memref<64x256xf32, #tpu.memory_space<vmem>>, vector<16xf32>,
        %get3A_1639 = arith.index_cast %add3A_1556 : i32 to index
        %get3A_1640 = arith.constant 160 : index
        %get3A_1641 = tpu.vector_load %arg10[%get3A_1639, %get3A_1640] {strides = array<i32>} : memref<64x256xf32, #tpu.memory_space<vmem>>, vector<16xf32>,
        %mul3A_1642 = arith.mulf %get3A_1638, %get3A_1641 : vector<16xf32>
        %add3A_1643 = arith.addf %add3A_1635, %mul3A_1642 : vector<16xf32>
        %get3A_1644 = arith.index_cast %add3A_1556 : i32 to index
        %get3A_1645 = arith.constant 176 : index
        %get3A_1646 = tpu.vector_load %arg9[%get3A_1644, %get3A_1645] {strides = array<i32>} : memref<64x256xf32, #tpu.memory_space<vmem>>, vector<16xf32>,
        %get3A_1647 = arith.index_cast %add3A_1556 : i32 to index
        %get3A_1648 = arith.constant 176 : index
        %get3A_1649 = tpu.vector_load %arg10[%get3A_1647, %get3A_1648] {strides = array<i32>} : memref<64x256xf32, #tpu.memory_space<vmem>>, vector<16xf32>,
        %mul3A_1650 = arith.mulf %get3A_1646, %get3A_1649 : vector<16xf32>
        %add3A_1651 = arith.addf %add3A_1643, %mul3A_1650 : vector<16xf32>
        %get3A_1652 = arith.index_cast %add3A_1556 : i32 to index
        %get3A_1653 = arith.constant 192 : index
        %get3A_1654 = tpu.vector_load %arg9[%get3A_1652, %get3A_1653] {strides = array<i32>} : memref<64x256xf32, #tpu.memory_space<vmem>>, vector<16xf32>,
        %get3A_1655 = arith.index_cast %add3A_1556 : i32 to index
        %get3A_1656 = arith.constant 192 : index
        %get3A_1657 = tpu.vector_load %arg10[%get3A_1655, %get3A_1656] {strides = array<i32>} : memref<64x256xf32, #tpu.memory_space<vmem>>, vector<16xf32>,
        %mul3A_1658 = arith.mulf %get3A_1654, %get3A_1657 : vector<16xf32>
        %add3A_1659 = arith.addf %add3A_1651, %mul3A_1658 : vector<16xf32>
        %get3A_1660 = arith.index_cast %add3A_1556 : i32 to index
        %get3A_1661 = arith.constant 208 : index
        %get3A_1662 = tpu.vector_load %arg9[%get3A_1660, %get3A_1661] {strides = array<i32>} : memref<64x256xf32, #tpu.memory_space<vmem>>, vector<16xf32>,
        %get3A_1663 = arith.index_cast %add3A_1556 : i32 to index
        %get3A_1664 = arith.constant 208 : index
        %get3A_1665 = tpu.vector_load %arg10[%get3A_1663, %get3A_1664] {strides = array<i32>} : memref<64x256xf32, #tpu.memory_space<vmem>>, vector<16xf32>,
        %mul3A_1666 = arith.mulf %get3A_1662, %get3A_1665 : vector<16xf32>
        %add3A_1667 = arith.addf %add3A_1659, %mul3A_1666 : vector<16xf32>
        %get3A_1668 = arith.index_cast %add3A_1556 : i32 to index
        %get3A_1669 = arith.constant 224 : index
        %get3A_1670 = tpu.vector_load %arg9[%get3A_1668, %get3A_1669] {strides = array<i32>} : memref<64x256xf32, #tpu.memory_space<vmem>>, vector<16xf32>,
        %get3A_1671 = arith.index_cast %add3A_1556 : i32 to index
        %get3A_1672 = arith.constant 224 : index
        %get3A_1673 = tpu.vector_load %arg10[%get3A_1671, %get3A_1672] {strides = array<i32>} : memref<64x256xf32, #tpu.memory_space<vmem>>, vector<16xf32>,
        %mul3A_1674 = arith.mulf %get3A_1670, %get3A_1673 : vector<16xf32>
        %add3A_1675 = arith.addf %add3A_1667, %mul3A_1674 : vector<16xf32>
        %get3A_1676 = arith.index_cast %add3A_1556 : i32 to index
        %get3A_1677 = arith.constant 240 : index
        %get3A_1678 = tpu.vector_load %arg9[%get3A_1676, %get3A_1677] {strides = array<i32>} : memref<64x256xf32, #tpu.memory_space<vmem>>, vector<16xf32>,
        %get3A_1679 = arith.index_cast %add3A_1556 : i32 to index
        %get3A_1680 = arith.constant 240 : index
        %get3A_1681 = tpu.vector_load %arg10[%get3A_1679, %get3A_1680] {strides = array<i32>} : memref<64x256xf32, #tpu.memory_space<vmem>>, vector<16xf32>,
        %mul3A_1682 = arith.mulf %get3A_1678, %get3A_1681 : vector<16xf32>
        %add3A_1683 = arith.addf %add3A_1675, %mul3A_1682 : vector<16xf32>
        %eq3A_1684 = arith.constant 11 : i32
        %eq3A_1685 = vector.broadcast %eq3A_1684 : i32 to vector<16xi32>
        %eq3A_1686 = arith.cmpi eq, %iota3A, %eq3A_1685 : vector<16xi32>
        %reduce_sum3A_1687 = arith.constant true
        %reduce_sum3A_1688 = vector.broadcast %reduce_sum3A_1687 : i1 to vector<16xi1>
        %reduce_sum3A_1689 = tpu.scan <sum>, %add3A_1683 masked %reduce_sum3A_1688 : vector<16xf32>, vector<16xi1> -> vector<16xf32>
        %reduce_sum3A_1690 = vector.extract %reduce_sum3A_1689[15] : f32 from vector<16xf32>
        %broadcast_in_dim3A_1691 = vector.broadcast %reduce_sum3A_1690 : f32 to vector<16xf32>
        %select_n3A_1692 = arith.select %eq3A_1686, %broadcast_in_dim3A_1691, %select_n3A_1552 : vector<16xi1>, vector<16xf32>
        %mul3A_1693 = arith.constant 16 : i32
        %mul3A_1694 = arith.muli %scan3A_15, %mul3A_1693 : i32
        %add3A_1695 = arith.constant 12 : i32
        %add3A_1696 = arith.addi %mul3A_1694, %add3A_1695 : i32
        %get3A_1697 = arith.index_cast %add3A_1696 : i32 to index
        %get3A_1698 = arith.constant 0 : index
        %get3A_1699 = tpu.vector_load %arg9[%get3A_1697, %get3A_1698] {strides = array<i32>} : memref<64x256xf32, #tpu.memory_space<vmem>>, vector<16xf32>,
        %get3A_1700 = arith.index_cast %add3A_1696 : i32 to index
        %get3A_1701 = arith.constant 0 : index
        %get3A_1702 = tpu.vector_load %arg10[%get3A_1700, %get3A_1701] {strides = array<i32>} : memref<64x256xf32, #tpu.memory_space<vmem>>, vector<16xf32>,
        %mul3A_1703 = arith.mulf %get3A_1699, %get3A_1702 : vector<16xf32>
        %get3A_1704 = arith.index_cast %add3A_1696 : i32 to index
        %get3A_1705 = arith.constant 16 : index
        %get3A_1706 = tpu.vector_load %arg9[%get3A_1704, %get3A_1705] {strides = array<i32>} : memref<64x256xf32, #tpu.memory_space<vmem>>, vector<16xf32>,
        %get3A_1707 = arith.index_cast %add3A_1696 : i32 to index
        %get3A_1708 = arith.constant 16 : index
        %get3A_1709 = tpu.vector_load %arg10[%get3A_1707, %get3A_1708] {strides = array<i32>} : memref<64x256xf32, #tpu.memory_space<vmem>>, vector<16xf32>,
        %mul3A_1710 = arith.mulf %get3A_1706, %get3A_1709 : vector<16xf32>
        %add3A_1711 = arith.addf %mul3A_1703, %mul3A_1710 : vector<16xf32>
        %get3A_1712 = arith.index_cast %add3A_1696 : i32 to index
        %get3A_1713 = arith.constant 32 : index
        %get3A_1714 = tpu.vector_load %arg9[%get3A_1712, %get3A_1713] {strides = array<i32>} : memref<64x256xf32, #tpu.memory_space<vmem>>, vector<16xf32>,
        %get3A_1715 = arith.index_cast %add3A_1696 : i32 to index
        %get3A_1716 = arith.constant 32 : index
        %get3A_1717 = tpu.vector_load %arg10[%get3A_1715, %get3A_1716] {strides = array<i32>} : memref<64x256xf32, #tpu.memory_space<vmem>>, vector<16xf32>,
        %mul3A_1718 = arith.mulf %get3A_1714, %get3A_1717 : vector<16xf32>
        %add3A_1719 = arith.addf %add3A_1711, %mul3A_1718 : vector<16xf32>
        %get3A_1720 = arith.index_cast %add3A_1696 : i32 to index
        %get3A_1721 = arith.constant 48 : index
        %get3A_1722 = tpu.vector_load %arg9[%get3A_1720, %get3A_1721] {strides = array<i32>} : memref<64x256xf32, #tpu.memory_space<vmem>>, vector<16xf32>,
        %get3A_1723 = arith.index_cast %add3A_1696 : i32 to index
        %get3A_1724 = arith.constant 48 : index
        %get3A_1725 = tpu.vector_load %arg10[%get3A_1723, %get3A_1724] {strides = array<i32>} : memref<64x256xf32, #tpu.memory_space<vmem>>, vector<16xf32>,
        %mul3A_1726 = arith.mulf %get3A_1722, %get3A_1725 : vector<16xf32>
        %add3A_1727 = arith.addf %add3A_1719, %mul3A_1726 : vector<16xf32>
        %get3A_1728 = arith.index_cast %add3A_1696 : i32 to index
        %get3A_1729 = arith.constant 64 : index
        %get3A_1730 = tpu.vector_load %arg9[%get3A_1728, %get3A_1729] {strides = array<i32>} : memref<64x256xf32, #tpu.memory_space<vmem>>, vector<16xf32>,
        %get3A_1731 = arith.index_cast %add3A_1696 : i32 to index
        %get3A_1732 = arith.constant 64 : index
        %get3A_1733 = tpu.vector_load %arg10[%get3A_1731, %get3A_1732] {strides = array<i32>} : memref<64x256xf32, #tpu.memory_space<vmem>>, vector<16xf32>,
        %mul3A_1734 = arith.mulf %get3A_1730, %get3A_1733 : vector<16xf32>
        %add3A_1735 = arith.addf %add3A_1727, %mul3A_1734 : vector<16xf32>
        %get3A_1736 = arith.index_cast %add3A_1696 : i32 to index
        %get3A_1737 = arith.constant 80 : index
        %get3A_1738 = tpu.vector_load %arg9[%get3A_1736, %get3A_1737] {strides = array<i32>} : memref<64x256xf32, #tpu.memory_space<vmem>>, vector<16xf32>,
        %get3A_1739 = arith.index_cast %add3A_1696 : i32 to index
        %get3A_1740 = arith.constant 80 : index
        %get3A_1741 = tpu.vector_load %arg10[%get3A_1739, %get3A_1740] {strides = array<i32>} : memref<64x256xf32, #tpu.memory_space<vmem>>, vector<16xf32>,
        %mul3A_1742 = arith.mulf %get3A_1738, %get3A_1741 : vector<16xf32>
        %add3A_1743 = arith.addf %add3A_1735, %mul3A_1742 : vector<16xf32>
        %get3A_1744 = arith.index_cast %add3A_1696 : i32 to index
        %get3A_1745 = arith.constant 96 : index
        %get3A_1746 = tpu.vector_load %arg9[%get3A_1744, %get3A_1745] {strides = array<i32>} : memref<64x256xf32, #tpu.memory_space<vmem>>, vector<16xf32>,
        %get3A_1747 = arith.index_cast %add3A_1696 : i32 to index
        %get3A_1748 = arith.constant 96 : index
        %get3A_1749 = tpu.vector_load %arg10[%get3A_1747, %get3A_1748] {strides = array<i32>} : memref<64x256xf32, #tpu.memory_space<vmem>>, vector<16xf32>,
        %mul3A_1750 = arith.mulf %get3A_1746, %get3A_1749 : vector<16xf32>
        %add3A_1751 = arith.addf %add3A_1743, %mul3A_1750 : vector<16xf32>
        %get3A_1752 = arith.index_cast %add3A_1696 : i32 to index
        %get3A_1753 = arith.constant 112 : index
        %get3A_1754 = tpu.vector_load %arg9[%get3A_1752, %get3A_1753] {strides = array<i32>} : memref<64x256xf32, #tpu.memory_space<vmem>>, vector<16xf32>,
        %get3A_1755 = arith.index_cast %add3A_1696 : i32 to index
        %get3A_1756 = arith.constant 112 : index
        %get3A_1757 = tpu.vector_load %arg10[%get3A_1755, %get3A_1756] {strides = array<i32>} : memref<64x256xf32, #tpu.memory_space<vmem>>, vector<16xf32>,
        %mul3A_1758 = arith.mulf %get3A_1754, %get3A_1757 : vector<16xf32>
        %add3A_1759 = arith.addf %add3A_1751, %mul3A_1758 : vector<16xf32>
        %get3A_1760 = arith.index_cast %add3A_1696 : i32 to index
        %get3A_1761 = arith.constant 128 : index
        %get3A_1762 = tpu.vector_load %arg9[%get3A_1760, %get3A_1761] {strides = array<i32>} : memref<64x256xf32, #tpu.memory_space<vmem>>, vector<16xf32>,
        %get3A_1763 = arith.index_cast %add3A_1696 : i32 to index
        %get3A_1764 = arith.constant 128 : index
        %get3A_1765 = tpu.vector_load %arg10[%get3A_1763, %get3A_1764] {strides = array<i32>} : memref<64x256xf32, #tpu.memory_space<vmem>>, vector<16xf32>,
        %mul3A_1766 = arith.mulf %get3A_1762, %get3A_1765 : vector<16xf32>
        %add3A_1767 = arith.addf %add3A_1759, %mul3A_1766 : vector<16xf32>
        %get3A_1768 = arith.index_cast %add3A_1696 : i32 to index
        %get3A_1769 = arith.constant 144 : index
        %get3A_1770 = tpu.vector_load %arg9[%get3A_1768, %get3A_1769] {strides = array<i32>} : memref<64x256xf32, #tpu.memory_space<vmem>>, vector<16xf32>,
        %get3A_1771 = arith.index_cast %add3A_1696 : i32 to index
        %get3A_1772 = arith.constant 144 : index
        %get3A_1773 = tpu.vector_load %arg10[%get3A_1771, %get3A_1772] {strides = array<i32>} : memref<64x256xf32, #tpu.memory_space<vmem>>, vector<16xf32>,
        %mul3A_1774 = arith.mulf %get3A_1770, %get3A_1773 : vector<16xf32>
        %add3A_1775 = arith.addf %add3A_1767, %mul3A_1774 : vector<16xf32>
        %get3A_1776 = arith.index_cast %add3A_1696 : i32 to index
        %get3A_1777 = arith.constant 160 : index
        %get3A_1778 = tpu.vector_load %arg9[%get3A_1776, %get3A_1777] {strides = array<i32>} : memref<64x256xf32, #tpu.memory_space<vmem>>, vector<16xf32>,
        %get3A_1779 = arith.index_cast %add3A_1696 : i32 to index
        %get3A_1780 = arith.constant 160 : index
        %get3A_1781 = tpu.vector_load %arg10[%get3A_1779, %get3A_1780] {strides = array<i32>} : memref<64x256xf32, #tpu.memory_space<vmem>>, vector<16xf32>,
        %mul3A_1782 = arith.mulf %get3A_1778, %get3A_1781 : vector<16xf32>
        %add3A_1783 = arith.addf %add3A_1775, %mul3A_1782 : vector<16xf32>
        %get3A_1784 = arith.index_cast %add3A_1696 : i32 to index
        %get3A_1785 = arith.constant 176 : index
        %get3A_1786 = tpu.vector_load %arg9[%get3A_1784, %get3A_1785] {strides = array<i32>} : memref<64x256xf32, #tpu.memory_space<vmem>>, vector<16xf32>,
        %get3A_1787 = arith.index_cast %add3A_1696 : i32 to index
        %get3A_1788 = arith.constant 176 : index
        %get3A_1789 = tpu.vector_load %arg10[%get3A_1787, %get3A_1788] {strides = array<i32>} : memref<64x256xf32, #tpu.memory_space<vmem>>, vector<16xf32>,
        %mul3A_1790 = arith.mulf %get3A_1786, %get3A_1789 : vector<16xf32>
        %add3A_1791 = arith.addf %add3A_1783, %mul3A_1790 : vector<16xf32>
        %get3A_1792 = arith.index_cast %add3A_1696 : i32 to index
        %get3A_1793 = arith.constant 192 : index
        %get3A_1794 = tpu.vector_load %arg9[%get3A_1792, %get3A_1793] {strides = array<i32>} : memref<64x256xf32, #tpu.memory_space<vmem>>, vector<16xf32>,
        %get3A_1795 = arith.index_cast %add3A_1696 : i32 to index
        %get3A_1796 = arith.constant 192 : index
        %get3A_1797 = tpu.vector_load %arg10[%get3A_1795, %get3A_1796] {strides = array<i32>} : memref<64x256xf32, #tpu.memory_space<vmem>>, vector<16xf32>,
        %mul3A_1798 = arith.mulf %get3A_1794, %get3A_1797 : vector<16xf32>
        %add3A_1799 = arith.addf %add3A_1791, %mul3A_1798 : vector<16xf32>
        %get3A_1800 = arith.index_cast %add3A_1696 : i32 to index
        %get3A_1801 = arith.constant 208 : index
        %get3A_1802 = tpu.vector_load %arg9[%get3A_1800, %get3A_1801] {strides = array<i32>} : memref<64x256xf32, #tpu.memory_space<vmem>>, vector<16xf32>,
        %get3A_1803 = arith.index_cast %add3A_1696 : i32 to index
        %get3A_1804 = arith.constant 208 : index
        %get3A_1805 = tpu.vector_load %arg10[%get3A_1803, %get3A_1804] {strides = array<i32>} : memref<64x256xf32, #tpu.memory_space<vmem>>, vector<16xf32>,
        %mul3A_1806 = arith.mulf %get3A_1802, %get3A_1805 : vector<16xf32>
        %add3A_1807 = arith.addf %add3A_1799, %mul3A_1806 : vector<16xf32>
        %get3A_1808 = arith.index_cast %add3A_1696 : i32 to index
        %get3A_1809 = arith.constant 224 : index
        %get3A_1810 = tpu.vector_load %arg9[%get3A_1808, %get3A_1809] {strides = array<i32>} : memref<64x256xf32, #tpu.memory_space<vmem>>, vector<16xf32>,
        %get3A_1811 = arith.index_cast %add3A_1696 : i32 to index
        %get3A_1812 = arith.constant 224 : index
        %get3A_1813 = tpu.vector_load %arg10[%get3A_1811, %get3A_1812] {strides = array<i32>} : memref<64x256xf32, #tpu.memory_space<vmem>>, vector<16xf32>,
        %mul3A_1814 = arith.mulf %get3A_1810, %get3A_1813 : vector<16xf32>
        %add3A_1815 = arith.addf %add3A_1807, %mul3A_1814 : vector<16xf32>
        %get3A_1816 = arith.index_cast %add3A_1696 : i32 to index
        %get3A_1817 = arith.constant 240 : index
        %get3A_1818 = tpu.vector_load %arg9[%get3A_1816, %get3A_1817] {strides = array<i32>} : memref<64x256xf32, #tpu.memory_space<vmem>>, vector<16xf32>,
        %get3A_1819 = arith.index_cast %add3A_1696 : i32 to index
        %get3A_1820 = arith.constant 240 : index
        %get3A_1821 = tpu.vector_load %arg10[%get3A_1819, %get3A_1820] {strides = array<i32>} : memref<64x256xf32, #tpu.memory_space<vmem>>, vector<16xf32>,
        %mul3A_1822 = arith.mulf %get3A_1818, %get3A_1821 : vector<16xf32>
        %add3A_1823 = arith.addf %add3A_1815, %mul3A_1822 : vector<16xf32>
        %eq3A_1824 = arith.constant 12 : i32
        %eq3A_1825 = vector.broadcast %eq3A_1824 : i32 to vector<16xi32>
        %eq3A_1826 = arith.cmpi eq, %iota3A, %eq3A_1825 : vector<16xi32>
        %reduce_sum3A_1827 = arith.constant true
        %reduce_sum3A_1828 = vector.broadcast %reduce_sum3A_1827 : i1 to vector<16xi1>
        %reduce_sum3A_1829 = tpu.scan <sum>, %add3A_1823 masked %reduce_sum3A_1828 : vector<16xf32>, vector<16xi1> -> vector<16xf32>
        %reduce_sum3A_1830 = vector.extract %reduce_sum3A_1829[15] : f32 from vector<16xf32>
        %broadcast_in_dim3A_1831 = vector.broadcast %reduce_sum3A_1830 : f32 to vector<16xf32>
        %select_n3A_1832 = arith.select %eq3A_1826, %broadcast_in_dim3A_1831, %select_n3A_1692 : vector<16xi1>, vector<16xf32>
        %mul3A_1833 = arith.constant 16 : i32
        %mul3A_1834 = arith.muli %scan3A_15, %mul3A_1833 : i32
        %add3A_1835 = arith.constant 13 : i32
        %add3A_1836 = arith.addi %mul3A_1834, %add3A_1835 : i32
        %get3A_1837 = arith.index_cast %add3A_1836 : i32 to index
        %get3A_1838 = arith.constant 0 : index
        %get3A_1839 = tpu.vector_load %arg9[%get3A_1837, %get3A_1838] {strides = array<i32>} : memref<64x256xf32, #tpu.memory_space<vmem>>, vector<16xf32>,
        %get3A_1840 = arith.index_cast %add3A_1836 : i32 to index
        %get3A_1841 = arith.constant 0 : index
        %get3A_1842 = tpu.vector_load %arg10[%get3A_1840, %get3A_1841] {strides = array<i32>} : memref<64x256xf32, #tpu.memory_space<vmem>>, vector<16xf32>,
        %mul3A_1843 = arith.mulf %get3A_1839, %get3A_1842 : vector<16xf32>
        %get3A_1844 = arith.index_cast %add3A_1836 : i32 to index
        %get3A_1845 = arith.constant 16 : index
        %get3A_1846 = tpu.vector_load %arg9[%get3A_1844, %get3A_1845] {strides = array<i32>} : memref<64x256xf32, #tpu.memory_space<vmem>>, vector<16xf32>,
        %get3A_1847 = arith.index_cast %add3A_1836 : i32 to index
        %get3A_1848 = arith.constant 16 : index
        %get3A_1849 = tpu.vector_load %arg10[%get3A_1847, %get3A_1848] {strides = array<i32>} : memref<64x256xf32, #tpu.memory_space<vmem>>, vector<16xf32>,
        %mul3A_1850 = arith.mulf %get3A_1846, %get3A_1849 : vector<16xf32>
        %add3A_1851 = arith.addf %mul3A_1843, %mul3A_1850 : vector<16xf32>
        %get3A_1852 = arith.index_cast %add3A_1836 : i32 to index
        %get3A_1853 = arith.constant 32 : index
        %get3A_1854 = tpu.vector_load %arg9[%get3A_1852, %get3A_1853] {strides = array<i32>} : memref<64x256xf32, #tpu.memory_space<vmem>>, vector<16xf32>,
        %get3A_1855 = arith.index_cast %add3A_1836 : i32 to index
        %get3A_1856 = arith.constant 32 : index
        %get3A_1857 = tpu.vector_load %arg10[%get3A_1855, %get3A_1856] {strides = array<i32>} : memref<64x256xf32, #tpu.memory_space<vmem>>, vector<16xf32>,
        %mul3A_1858 = arith.mulf %get3A_1854, %get3A_1857 : vector<16xf32>
        %add3A_1859 = arith.addf %add3A_1851, %mul3A_1858 : vector<16xf32>
        %get3A_1860 = arith.index_cast %add3A_1836 : i32 to index
        %get3A_1861 = arith.constant 48 : index
        %get3A_1862 = tpu.vector_load %arg9[%get3A_1860, %get3A_1861] {strides = array<i32>} : memref<64x256xf32, #tpu.memory_space<vmem>>, vector<16xf32>,
        %get3A_1863 = arith.index_cast %add3A_1836 : i32 to index
        %get3A_1864 = arith.constant 48 : index
        %get3A_1865 = tpu.vector_load %arg10[%get3A_1863, %get3A_1864] {strides = array<i32>} : memref<64x256xf32, #tpu.memory_space<vmem>>, vector<16xf32>,
        %mul3A_1866 = arith.mulf %get3A_1862, %get3A_1865 : vector<16xf32>
        %add3A_1867 = arith.addf %add3A_1859, %mul3A_1866 : vector<16xf32>
        %get3A_1868 = arith.index_cast %add3A_1836 : i32 to index
        %get3A_1869 = arith.constant 64 : index
        %get3A_1870 = tpu.vector_load %arg9[%get3A_1868, %get3A_1869] {strides = array<i32>} : memref<64x256xf32, #tpu.memory_space<vmem>>, vector<16xf32>,
        %get3A_1871 = arith.index_cast %add3A_1836 : i32 to index
        %get3A_1872 = arith.constant 64 : index
        %get3A_1873 = tpu.vector_load %arg10[%get3A_1871, %get3A_1872] {strides = array<i32>} : memref<64x256xf32, #tpu.memory_space<vmem>>, vector<16xf32>,
        %mul3A_1874 = arith.mulf %get3A_1870, %get3A_1873 : vector<16xf32>
        %add3A_1875 = arith.addf %add3A_1867, %mul3A_1874 : vector<16xf32>
        %get3A_1876 = arith.index_cast %add3A_1836 : i32 to index
        %get3A_1877 = arith.constant 80 : index
        %get3A_1878 = tpu.vector_load %arg9[%get3A_1876, %get3A_1877] {strides = array<i32>} : memref<64x256xf32, #tpu.memory_space<vmem>>, vector<16xf32>,
        %get3A_1879 = arith.index_cast %add3A_1836 : i32 to index
        %get3A_1880 = arith.constant 80 : index
        %get3A_1881 = tpu.vector_load %arg10[%get3A_1879, %get3A_1880] {strides = array<i32>} : memref<64x256xf32, #tpu.memory_space<vmem>>, vector<16xf32>,
        %mul3A_1882 = arith.mulf %get3A_1878, %get3A_1881 : vector<16xf32>
        %add3A_1883 = arith.addf %add3A_1875, %mul3A_1882 : vector<16xf32>
        %get3A_1884 = arith.index_cast %add3A_1836 : i32 to index
        %get3A_1885 = arith.constant 96 : index
        %get3A_1886 = tpu.vector_load %arg9[%get3A_1884, %get3A_1885] {strides = array<i32>} : memref<64x256xf32, #tpu.memory_space<vmem>>, vector<16xf32>,
        %get3A_1887 = arith.index_cast %add3A_1836 : i32 to index
        %get3A_1888 = arith.constant 96 : index
        %get3A_1889 = tpu.vector_load %arg10[%get3A_1887, %get3A_1888] {strides = array<i32>} : memref<64x256xf32, #tpu.memory_space<vmem>>, vector<16xf32>,
        %mul3A_1890 = arith.mulf %get3A_1886, %get3A_1889 : vector<16xf32>
        %add3A_1891 = arith.addf %add3A_1883, %mul3A_1890 : vector<16xf32>
        %get3A_1892 = arith.index_cast %add3A_1836 : i32 to index
        %get3A_1893 = arith.constant 112 : index
        %get3A_1894 = tpu.vector_load %arg9[%get3A_1892, %get3A_1893] {strides = array<i32>} : memref<64x256xf32, #tpu.memory_space<vmem>>, vector<16xf32>,
        %get3A_1895 = arith.index_cast %add3A_1836 : i32 to index
        %get3A_1896 = arith.constant 112 : index
        %get3A_1897 = tpu.vector_load %arg10[%get3A_1895, %get3A_1896] {strides = array<i32>} : memref<64x256xf32, #tpu.memory_space<vmem>>, vector<16xf32>,
        %mul3A_1898 = arith.mulf %get3A_1894, %get3A_1897 : vector<16xf32>
        %add3A_1899 = arith.addf %add3A_1891, %mul3A_1898 : vector<16xf32>
        %get3A_1900 = arith.index_cast %add3A_1836 : i32 to index
        %get3A_1901 = arith.constant 128 : index
        %get3A_1902 = tpu.vector_load %arg9[%get3A_1900, %get3A_1901] {strides = array<i32>} : memref<64x256xf32, #tpu.memory_space<vmem>>, vector<16xf32>,
        %get3A_1903 = arith.index_cast %add3A_1836 : i32 to index
        %get3A_1904 = arith.constant 128 : index
        %get3A_1905 = tpu.vector_load %arg10[%get3A_1903, %get3A_1904] {strides = array<i32>} : memref<64x256xf32, #tpu.memory_space<vmem>>, vector<16xf32>,
        %mul3A_1906 = arith.mulf %get3A_1902, %get3A_1905 : vector<16xf32>
        %add3A_1907 = arith.addf %add3A_1899, %mul3A_1906 : vector<16xf32>
        %get3A_1908 = arith.index_cast %add3A_1836 : i32 to index
        %get3A_1909 = arith.constant 144 : index
        %get3A_1910 = tpu.vector_load %arg9[%get3A_1908, %get3A_1909] {strides = array<i32>} : memref<64x256xf32, #tpu.memory_space<vmem>>, vector<16xf32>,
        %get3A_1911 = arith.index_cast %add3A_1836 : i32 to index
        %get3A_1912 = arith.constant 144 : index
        %get3A_1913 = tpu.vector_load %arg10[%get3A_1911, %get3A_1912] {strides = array<i32>} : memref<64x256xf32, #tpu.memory_space<vmem>>, vector<16xf32>,
        %mul3A_1914 = arith.mulf %get3A_1910, %get3A_1913 : vector<16xf32>
        %add3A_1915 = arith.addf %add3A_1907, %mul3A_1914 : vector<16xf32>
        %get3A_1916 = arith.index_cast %add3A_1836 : i32 to index
        %get3A_1917 = arith.constant 160 : index
        %get3A_1918 = tpu.vector_load %arg9[%get3A_1916, %get3A_1917] {strides = array<i32>} : memref<64x256xf32, #tpu.memory_space<vmem>>, vector<16xf32>,
        %get3A_1919 = arith.index_cast %add3A_1836 : i32 to index
        %get3A_1920 = arith.constant 160 : index
        %get3A_1921 = tpu.vector_load %arg10[%get3A_1919, %get3A_1920] {strides = array<i32>} : memref<64x256xf32, #tpu.memory_space<vmem>>, vector<16xf32>,
        %mul3A_1922 = arith.mulf %get3A_1918, %get3A_1921 : vector<16xf32>
        %add3A_1923 = arith.addf %add3A_1915, %mul3A_1922 : vector<16xf32>
        %get3A_1924 = arith.index_cast %add3A_1836 : i32 to index
        %get3A_1925 = arith.constant 176 : index
        %get3A_1926 = tpu.vector_load %arg9[%get3A_1924, %get3A_1925] {strides = array<i32>} : memref<64x256xf32, #tpu.memory_space<vmem>>, vector<16xf32>,
        %get3A_1927 = arith.index_cast %add3A_1836 : i32 to index
        %get3A_1928 = arith.constant 176 : index
        %get3A_1929 = tpu.vector_load %arg10[%get3A_1927, %get3A_1928] {strides = array<i32>} : memref<64x256xf32, #tpu.memory_space<vmem>>, vector<16xf32>,
        %mul3A_1930 = arith.mulf %get3A_1926, %get3A_1929 : vector<16xf32>
        %add3A_1931 = arith.addf %add3A_1923, %mul3A_1930 : vector<16xf32>
        %get3A_1932 = arith.index_cast %add3A_1836 : i32 to index
        %get3A_1933 = arith.constant 192 : index
        %get3A_1934 = tpu.vector_load %arg9[%get3A_1932, %get3A_1933] {strides = array<i32>} : memref<64x256xf32, #tpu.memory_space<vmem>>, vector<16xf32>,
        %get3A_1935 = arith.index_cast %add3A_1836 : i32 to index
        %get3A_1936 = arith.constant 192 : index
        %get3A_1937 = tpu.vector_load %arg10[%get3A_1935, %get3A_1936] {strides = array<i32>} : memref<64x256xf32, #tpu.memory_space<vmem>>, vector<16xf32>,
        %mul3A_1938 = arith.mulf %get3A_1934, %get3A_1937 : vector<16xf32>
        %add3A_1939 = arith.addf %add3A_1931, %mul3A_1938 : vector<16xf32>
        %get3A_1940 = arith.index_cast %add3A_1836 : i32 to index
        %get3A_1941 = arith.constant 208 : index
        %get3A_1942 = tpu.vector_load %arg9[%get3A_1940, %get3A_1941] {strides = array<i32>} : memref<64x256xf32, #tpu.memory_space<vmem>>, vector<16xf32>,
        %get3A_1943 = arith.index_cast %add3A_1836 : i32 to index
        %get3A_1944 = arith.constant 208 : index
        %get3A_1945 = tpu.vector_load %arg10[%get3A_1943, %get3A_1944] {strides = array<i32>} : memref<64x256xf32, #tpu.memory_space<vmem>>, vector<16xf32>,
        %mul3A_1946 = arith.mulf %get3A_1942, %get3A_1945 : vector<16xf32>
        %add3A_1947 = arith.addf %add3A_1939, %mul3A_1946 : vector<16xf32>
        %get3A_1948 = arith.index_cast %add3A_1836 : i32 to index
        %get3A_1949 = arith.constant 224 : index
        %get3A_1950 = tpu.vector_load %arg9[%get3A_1948, %get3A_1949] {strides = array<i32>} : memref<64x256xf32, #tpu.memory_space<vmem>>, vector<16xf32>,
        %get3A_1951 = arith.index_cast %add3A_1836 : i32 to index
        %get3A_1952 = arith.constant 224 : index
        %get3A_1953 = tpu.vector_load %arg10[%get3A_1951, %get3A_1952] {strides = array<i32>} : memref<64x256xf32, #tpu.memory_space<vmem>>, vector<16xf32>,
        %mul3A_1954 = arith.mulf %get3A_1950, %get3A_1953 : vector<16xf32>
        %add3A_1955 = arith.addf %add3A_1947, %mul3A_1954 : vector<16xf32>
        %get3A_1956 = arith.index_cast %add3A_1836 : i32 to index
        %get3A_1957 = arith.constant 240 : index
        %get3A_1958 = tpu.vector_load %arg9[%get3A_1956, %get3A_1957] {strides = array<i32>} : memref<64x256xf32, #tpu.memory_space<vmem>>, vector<16xf32>,
        %get3A_1959 = arith.index_cast %add3A_1836 : i32 to index
        %get3A_1960 = arith.constant 240 : index
        %get3A_1961 = tpu.vector_load %arg10[%get3A_1959, %get3A_1960] {strides = array<i32>} : memref<64x256xf32, #tpu.memory_space<vmem>>, vector<16xf32>,
        %mul3A_1962 = arith.mulf %get3A_1958, %get3A_1961 : vector<16xf32>
        %add3A_1963 = arith.addf %add3A_1955, %mul3A_1962 : vector<16xf32>
        %eq3A_1964 = arith.constant 13 : i32
        %eq3A_1965 = vector.broadcast %eq3A_1964 : i32 to vector<16xi32>
        %eq3A_1966 = arith.cmpi eq, %iota3A, %eq3A_1965 : vector<16xi32>
        %reduce_sum3A_1967 = arith.constant true
        %reduce_sum3A_1968 = vector.broadcast %reduce_sum3A_1967 : i1 to vector<16xi1>
        %reduce_sum3A_1969 = tpu.scan <sum>, %add3A_1963 masked %reduce_sum3A_1968 : vector<16xf32>, vector<16xi1> -> vector<16xf32>
        %reduce_sum3A_1970 = vector.extract %reduce_sum3A_1969[15] : f32 from vector<16xf32>
        %broadcast_in_dim3A_1971 = vector.broadcast %reduce_sum3A_1970 : f32 to vector<16xf32>
        %select_n3A_1972 = arith.select %eq3A_1966, %broadcast_in_dim3A_1971, %select_n3A_1832 : vector<16xi1>, vector<16xf32>
        %mul3A_1973 = arith.constant 16 : i32
        %mul3A_1974 = arith.muli %scan3A_15, %mul3A_1973 : i32
        %add3A_1975 = arith.constant 14 : i32
        %add3A_1976 = arith.addi %mul3A_1974, %add3A_1975 : i32
        %get3A_1977 = arith.index_cast %add3A_1976 : i32 to index
        %get3A_1978 = arith.constant 0 : index
        %get3A_1979 = tpu.vector_load %arg9[%get3A_1977, %get3A_1978] {strides = array<i32>} : memref<64x256xf32, #tpu.memory_space<vmem>>, vector<16xf32>,
        %get3A_1980 = arith.index_cast %add3A_1976 : i32 to index
        %get3A_1981 = arith.constant 0 : index
        %get3A_1982 = tpu.vector_load %arg10[%get3A_1980, %get3A_1981] {strides = array<i32>} : memref<64x256xf32, #tpu.memory_space<vmem>>, vector<16xf32>,
        %mul3A_1983 = arith.mulf %get3A_1979, %get3A_1982 : vector<16xf32>
        %get3A_1984 = arith.index_cast %add3A_1976 : i32 to index
        %get3A_1985 = arith.constant 16 : index
        %get3A_1986 = tpu.vector_load %arg9[%get3A_1984, %get3A_1985] {strides = array<i32>} : memref<64x256xf32, #tpu.memory_space<vmem>>, vector<16xf32>,
        %get3A_1987 = arith.index_cast %add3A_1976 : i32 to index
        %get3A_1988 = arith.constant 16 : index
        %get3A_1989 = tpu.vector_load %arg10[%get3A_1987, %get3A_1988] {strides = array<i32>} : memref<64x256xf32, #tpu.memory_space<vmem>>, vector<16xf32>,
        %mul3A_1990 = arith.mulf %get3A_1986, %get3A_1989 : vector<16xf32>
        %add3A_1991 = arith.addf %mul3A_1983, %mul3A_1990 : vector<16xf32>
        %get3A_1992 = arith.index_cast %add3A_1976 : i32 to index
        %get3A_1993 = arith.constant 32 : index
        %get3A_1994 = tpu.vector_load %arg9[%get3A_1992, %get3A_1993] {strides = array<i32>} : memref<64x256xf32, #tpu.memory_space<vmem>>, vector<16xf32>,
        %get3A_1995 = arith.index_cast %add3A_1976 : i32 to index
        %get3A_1996 = arith.constant 32 : index
        %get3A_1997 = tpu.vector_load %arg10[%get3A_1995, %get3A_1996] {strides = array<i32>} : memref<64x256xf32, #tpu.memory_space<vmem>>, vector<16xf32>,
        %mul3A_1998 = arith.mulf %get3A_1994, %get3A_1997 : vector<16xf32>
        %add3A_1999 = arith.addf %add3A_1991, %mul3A_1998 : vector<16xf32>
        %get3A_2000 = arith.index_cast %add3A_1976 : i32 to index
        %get3A_2001 = arith.constant 48 : index
        %get3A_2002 = tpu.vector_load %arg9[%get3A_2000, %get3A_2001] {strides = array<i32>} : memref<64x256xf32, #tpu.memory_space<vmem>>, vector<16xf32>,
        %get3A_2003 = arith.index_cast %add3A_1976 : i32 to index
        %get3A_2004 = arith.constant 48 : index
        %get3A_2005 = tpu.vector_load %arg10[%get3A_2003, %get3A_2004] {strides = array<i32>} : memref<64x256xf32, #tpu.memory_space<vmem>>, vector<16xf32>,
        %mul3A_2006 = arith.mulf %get3A_2002, %get3A_2005 : vector<16xf32>
        %add3A_2007 = arith.addf %add3A_1999, %mul3A_2006 : vector<16xf32>
        %get3A_2008 = arith.index_cast %add3A_1976 : i32 to index
        %get3A_2009 = arith.constant 64 : index
        %get3A_2010 = tpu.vector_load %arg9[%get3A_2008, %get3A_2009] {strides = array<i32>} : memref<64x256xf32, #tpu.memory_space<vmem>>, vector<16xf32>,
        %get3A_2011 = arith.index_cast %add3A_1976 : i32 to index
        %get3A_2012 = arith.constant 64 : index
        %get3A_2013 = tpu.vector_load %arg10[%get3A_2011, %get3A_2012] {strides = array<i32>} : memref<64x256xf32, #tpu.memory_space<vmem>>, vector<16xf32>,
        %mul3A_2014 = arith.mulf %get3A_2010, %get3A_2013 : vector<16xf32>
        %add3A_2015 = arith.addf %add3A_2007, %mul3A_2014 : vector<16xf32>
        %get3A_2016 = arith.index_cast %add3A_1976 : i32 to index
        %get3A_2017 = arith.constant 80 : index
        %get3A_2018 = tpu.vector_load %arg9[%get3A_2016, %get3A_2017] {strides = array<i32>} : memref<64x256xf32, #tpu.memory_space<vmem>>, vector<16xf32>,
        %get3A_2019 = arith.index_cast %add3A_1976 : i32 to index
        %get3A_2020 = arith.constant 80 : index
        %get3A_2021 = tpu.vector_load %arg10[%get3A_2019, %get3A_2020] {strides = array<i32>} : memref<64x256xf32, #tpu.memory_space<vmem>>, vector<16xf32>,
        %mul3A_2022 = arith.mulf %get3A_2018, %get3A_2021 : vector<16xf32>
        %add3A_2023 = arith.addf %add3A_2015, %mul3A_2022 : vector<16xf32>
        %get3A_2024 = arith.index_cast %add3A_1976 : i32 to index
        %get3A_2025 = arith.constant 96 : index
        %get3A_2026 = tpu.vector_load %arg9[%get3A_2024, %get3A_2025] {strides = array<i32>} : memref<64x256xf32, #tpu.memory_space<vmem>>, vector<16xf32>,
        %get3A_2027 = arith.index_cast %add3A_1976 : i32 to index
        %get3A_2028 = arith.constant 96 : index
        %get3A_2029 = tpu.vector_load %arg10[%get3A_2027, %get3A_2028] {strides = array<i32>} : memref<64x256xf32, #tpu.memory_space<vmem>>, vector<16xf32>,
        %mul3A_2030 = arith.mulf %get3A_2026, %get3A_2029 : vector<16xf32>
        %add3A_2031 = arith.addf %add3A_2023, %mul3A_2030 : vector<16xf32>
        %get3A_2032 = arith.index_cast %add3A_1976 : i32 to index
        %get3A_2033 = arith.constant 112 : index
        %get3A_2034 = tpu.vector_load %arg9[%get3A_2032, %get3A_2033] {strides = array<i32>} : memref<64x256xf32, #tpu.memory_space<vmem>>, vector<16xf32>,
        %get3A_2035 = arith.index_cast %add3A_1976 : i32 to index
        %get3A_2036 = arith.constant 112 : index
        %get3A_2037 = tpu.vector_load %arg10[%get3A_2035, %get3A_2036] {strides = array<i32>} : memref<64x256xf32, #tpu.memory_space<vmem>>, vector<16xf32>,
        %mul3A_2038 = arith.mulf %get3A_2034, %get3A_2037 : vector<16xf32>
        %add3A_2039 = arith.addf %add3A_2031, %mul3A_2038 : vector<16xf32>
        %get3A_2040 = arith.index_cast %add3A_1976 : i32 to index
        %get3A_2041 = arith.constant 128 : index
        %get3A_2042 = tpu.vector_load %arg9[%get3A_2040, %get3A_2041] {strides = array<i32>} : memref<64x256xf32, #tpu.memory_space<vmem>>, vector<16xf32>,
        %get3A_2043 = arith.index_cast %add3A_1976 : i32 to index
        %get3A_2044 = arith.constant 128 : index
        %get3A_2045 = tpu.vector_load %arg10[%get3A_2043, %get3A_2044] {strides = array<i32>} : memref<64x256xf32, #tpu.memory_space<vmem>>, vector<16xf32>,
        %mul3A_2046 = arith.mulf %get3A_2042, %get3A_2045 : vector<16xf32>
        %add3A_2047 = arith.addf %add3A_2039, %mul3A_2046 : vector<16xf32>
        %get3A_2048 = arith.index_cast %add3A_1976 : i32 to index
        %get3A_2049 = arith.constant 144 : index
        %get3A_2050 = tpu.vector_load %arg9[%get3A_2048, %get3A_2049] {strides = array<i32>} : memref<64x256xf32, #tpu.memory_space<vmem>>, vector<16xf32>,
        %get3A_2051 = arith.index_cast %add3A_1976 : i32 to index
        %get3A_2052 = arith.constant 144 : index
        %get3A_2053 = tpu.vector_load %arg10[%get3A_2051, %get3A_2052] {strides = array<i32>} : memref<64x256xf32, #tpu.memory_space<vmem>>, vector<16xf32>,
        %mul3A_2054 = arith.mulf %get3A_2050, %get3A_2053 : vector<16xf32>
        %add3A_2055 = arith.addf %add3A_2047, %mul3A_2054 : vector<16xf32>
        %get3A_2056 = arith.index_cast %add3A_1976 : i32 to index
        %get3A_2057 = arith.constant 160 : index
        %get3A_2058 = tpu.vector_load %arg9[%get3A_2056, %get3A_2057] {strides = array<i32>} : memref<64x256xf32, #tpu.memory_space<vmem>>, vector<16xf32>,
        %get3A_2059 = arith.index_cast %add3A_1976 : i32 to index
        %get3A_2060 = arith.constant 160 : index
        %get3A_2061 = tpu.vector_load %arg10[%get3A_2059, %get3A_2060] {strides = array<i32>} : memref<64x256xf32, #tpu.memory_space<vmem>>, vector<16xf32>,
        %mul3A_2062 = arith.mulf %get3A_2058, %get3A_2061 : vector<16xf32>
        %add3A_2063 = arith.addf %add3A_2055, %mul3A_2062 : vector<16xf32>
        %get3A_2064 = arith.index_cast %add3A_1976 : i32 to index
        %get3A_2065 = arith.constant 176 : index
        %get3A_2066 = tpu.vector_load %arg9[%get3A_2064, %get3A_2065] {strides = array<i32>} : memref<64x256xf32, #tpu.memory_space<vmem>>, vector<16xf32>,
        %get3A_2067 = arith.index_cast %add3A_1976 : i32 to index
        %get3A_2068 = arith.constant 176 : index
        %get3A_2069 = tpu.vector_load %arg10[%get3A_2067, %get3A_2068] {strides = array<i32>} : memref<64x256xf32, #tpu.memory_space<vmem>>, vector<16xf32>,
        %mul3A_2070 = arith.mulf %get3A_2066, %get3A_2069 : vector<16xf32>
        %add3A_2071 = arith.addf %add3A_2063, %mul3A_2070 : vector<16xf32>
        %get3A_2072 = arith.index_cast %add3A_1976 : i32 to index
        %get3A_2073 = arith.constant 192 : index
        %get3A_2074 = tpu.vector_load %arg9[%get3A_2072, %get3A_2073] {strides = array<i32>} : memref<64x256xf32, #tpu.memory_space<vmem>>, vector<16xf32>,
        %get3A_2075 = arith.index_cast %add3A_1976 : i32 to index
        %get3A_2076 = arith.constant 192 : index
        %get3A_2077 = tpu.vector_load %arg10[%get3A_2075, %get3A_2076] {strides = array<i32>} : memref<64x256xf32, #tpu.memory_space<vmem>>, vector<16xf32>,
        %mul3A_2078 = arith.mulf %get3A_2074, %get3A_2077 : vector<16xf32>
        %add3A_2079 = arith.addf %add3A_2071, %mul3A_2078 : vector<16xf32>
        %get3A_2080 = arith.index_cast %add3A_1976 : i32 to index
        %get3A_2081 = arith.constant 208 : index
        %get3A_2082 = tpu.vector_load %arg9[%get3A_2080, %get3A_2081] {strides = array<i32>} : memref<64x256xf32, #tpu.memory_space<vmem>>, vector<16xf32>,
        %get3A_2083 = arith.index_cast %add3A_1976 : i32 to index
        %get3A_2084 = arith.constant 208 : index
        %get3A_2085 = tpu.vector_load %arg10[%get3A_2083, %get3A_2084] {strides = array<i32>} : memref<64x256xf32, #tpu.memory_space<vmem>>, vector<16xf32>,
        %mul3A_2086 = arith.mulf %get3A_2082, %get3A_2085 : vector<16xf32>
        %add3A_2087 = arith.addf %add3A_2079, %mul3A_2086 : vector<16xf32>
        %get3A_2088 = arith.index_cast %add3A_1976 : i32 to index
        %get3A_2089 = arith.constant 224 : index
        %get3A_2090 = tpu.vector_load %arg9[%get3A_2088, %get3A_2089] {strides = array<i32>} : memref<64x256xf32, #tpu.memory_space<vmem>>, vector<16xf32>,
        %get3A_2091 = arith.index_cast %add3A_1976 : i32 to index
        %get3A_2092 = arith.constant 224 : index
        %get3A_2093 = tpu.vector_load %arg10[%get3A_2091, %get3A_2092] {strides = array<i32>} : memref<64x256xf32, #tpu.memory_space<vmem>>, vector<16xf32>,
        %mul3A_2094 = arith.mulf %get3A_2090, %get3A_2093 : vector<16xf32>
        %add3A_2095 = arith.addf %add3A_2087, %mul3A_2094 : vector<16xf32>
        %get3A_2096 = arith.index_cast %add3A_1976 : i32 to index
        %get3A_2097 = arith.constant 240 : index
        %get3A_2098 = tpu.vector_load %arg9[%get3A_2096, %get3A_2097] {strides = array<i32>} : memref<64x256xf32, #tpu.memory_space<vmem>>, vector<16xf32>,
        %get3A_2099 = arith.index_cast %add3A_1976 : i32 to index
        %get3A_2100 = arith.constant 240 : index
        %get3A_2101 = tpu.vector_load %arg10[%get3A_2099, %get3A_2100] {strides = array<i32>} : memref<64x256xf32, #tpu.memory_space<vmem>>, vector<16xf32>,
        %mul3A_2102 = arith.mulf %get3A_2098, %get3A_2101 : vector<16xf32>
        %add3A_2103 = arith.addf %add3A_2095, %mul3A_2102 : vector<16xf32>
        %eq3A_2104 = arith.constant 14 : i32
        %eq3A_2105 = vector.broadcast %eq3A_2104 : i32 to vector<16xi32>
        %eq3A_2106 = arith.cmpi eq, %iota3A, %eq3A_2105 : vector<16xi32>
        %reduce_sum3A_2107 = arith.constant true
        %reduce_sum3A_2108 = vector.broadcast %reduce_sum3A_2107 : i1 to vector<16xi1>
        %reduce_sum3A_2109 = tpu.scan <sum>, %add3A_2103 masked %reduce_sum3A_2108 : vector<16xf32>, vector<16xi1> -> vector<16xf32>
        %reduce_sum3A_2110 = vector.extract %reduce_sum3A_2109[15] : f32 from vector<16xf32>
        %broadcast_in_dim3A_2111 = vector.broadcast %reduce_sum3A_2110 : f32 to vector<16xf32>
        %select_n3A_2112 = arith.select %eq3A_2106, %broadcast_in_dim3A_2111, %select_n3A_1972 : vector<16xi1>, vector<16xf32>
        %mul3A_2113 = arith.constant 16 : i32
        %mul3A_2114 = arith.muli %scan3A_15, %mul3A_2113 : i32
        %add3A_2115 = arith.constant 15 : i32
        %add3A_2116 = arith.addi %mul3A_2114, %add3A_2115 : i32
        %get3A_2117 = arith.index_cast %add3A_2116 : i32 to index
        %get3A_2118 = arith.constant 0 : index
        %get3A_2119 = tpu.vector_load %arg9[%get3A_2117, %get3A_2118] {strides = array<i32>} : memref<64x256xf32, #tpu.memory_space<vmem>>, vector<16xf32>,
        %get3A_2120 = arith.index_cast %add3A_2116 : i32 to index
        %get3A_2121 = arith.constant 0 : index
        %get3A_2122 = tpu.vector_load %arg10[%get3A_2120, %get3A_2121] {strides = array<i32>} : memref<64x256xf32, #tpu.memory_space<vmem>>, vector<16xf32>,
        %mul3A_2123 = arith.mulf %get3A_2119, %get3A_2122 : vector<16xf32>
        %get3A_2124 = arith.index_cast %add3A_2116 : i32 to index
        %get3A_2125 = arith.constant 16 : index
        %get3A_2126 = tpu.vector_load %arg9[%get3A_2124, %get3A_2125] {strides = array<i32>} : memref<64x256xf32, #tpu.memory_space<vmem>>, vector<16xf32>,
        %get3A_2127 = arith.index_cast %add3A_2116 : i32 to index
        %get3A_2128 = arith.constant 16 : index
        %get3A_2129 = tpu.vector_load %arg10[%get3A_2127, %get3A_2128] {strides = array<i32>} : memref<64x256xf32, #tpu.memory_space<vmem>>, vector<16xf32>,
        %mul3A_2130 = arith.mulf %get3A_2126, %get3A_2129 : vector<16xf32>
        %add3A_2131 = arith.addf %mul3A_2123, %mul3A_2130 : vector<16xf32>
        %get3A_2132 = arith.index_cast %add3A_2116 : i32 to index
        %get3A_2133 = arith.constant 32 : index
        %get3A_2134 = tpu.vector_load %arg9[%get3A_2132, %get3A_2133] {strides = array<i32>} : memref<64x256xf32, #tpu.memory_space<vmem>>, vector<16xf32>,
        %get3A_2135 = arith.index_cast %add3A_2116 : i32 to index
        %get3A_2136 = arith.constant 32 : index
        %get3A_2137 = tpu.vector_load %arg10[%get3A_2135, %get3A_2136] {strides = array<i32>} : memref<64x256xf32, #tpu.memory_space<vmem>>, vector<16xf32>,
        %mul3A_2138 = arith.mulf %get3A_2134, %get3A_2137 : vector<16xf32>
        %add3A_2139 = arith.addf %add3A_2131, %mul3A_2138 : vector<16xf32>
        %get3A_2140 = arith.index_cast %add3A_2116 : i32 to index
        %get3A_2141 = arith.constant 48 : index
        %get3A_2142 = tpu.vector_load %arg9[%get3A_2140, %get3A_2141] {strides = array<i32>} : memref<64x256xf32, #tpu.memory_space<vmem>>, vector<16xf32>,
        %get3A_2143 = arith.index_cast %add3A_2116 : i32 to index
        %get3A_2144 = arith.constant 48 : index
        %get3A_2145 = tpu.vector_load %arg10[%get3A_2143, %get3A_2144] {strides = array<i32>} : memref<64x256xf32, #tpu.memory_space<vmem>>, vector<16xf32>,
        %mul3A_2146 = arith.mulf %get3A_2142, %get3A_2145 : vector<16xf32>
        %add3A_2147 = arith.addf %add3A_2139, %mul3A_2146 : vector<16xf32>
        %get3A_2148 = arith.index_cast %add3A_2116 : i32 to index
        %get3A_2149 = arith.constant 64 : index
        %get3A_2150 = tpu.vector_load %arg9[%get3A_2148, %get3A_2149] {strides = array<i32>} : memref<64x256xf32, #tpu.memory_space<vmem>>, vector<16xf32>,
        %get3A_2151 = arith.index_cast %add3A_2116 : i32 to index
        %get3A_2152 = arith.constant 64 : index
        %get3A_2153 = tpu.vector_load %arg10[%get3A_2151, %get3A_2152] {strides = array<i32>} : memref<64x256xf32, #tpu.memory_space<vmem>>, vector<16xf32>,
        %mul3A_2154 = arith.mulf %get3A_2150, %get3A_2153 : vector<16xf32>
        %add3A_2155 = arith.addf %add3A_2147, %mul3A_2154 : vector<16xf32>
        %get3A_2156 = arith.index_cast %add3A_2116 : i32 to index
        %get3A_2157 = arith.constant 80 : index
        %get3A_2158 = tpu.vector_load %arg9[%get3A_2156, %get3A_2157] {strides = array<i32>} : memref<64x256xf32, #tpu.memory_space<vmem>>, vector<16xf32>,
        %get3A_2159 = arith.index_cast %add3A_2116 : i32 to index
        %get3A_2160 = arith.constant 80 : index
        %get3A_2161 = tpu.vector_load %arg10[%get3A_2159, %get3A_2160] {strides = array<i32>} : memref<64x256xf32, #tpu.memory_space<vmem>>, vector<16xf32>,
        %mul3A_2162 = arith.mulf %get3A_2158, %get3A_2161 : vector<16xf32>
        %add3A_2163 = arith.addf %add3A_2155, %mul3A_2162 : vector<16xf32>
        %get3A_2164 = arith.index_cast %add3A_2116 : i32 to index
        %get3A_2165 = arith.constant 96 : index
        %get3A_2166 = tpu.vector_load %arg9[%get3A_2164, %get3A_2165] {strides = array<i32>} : memref<64x256xf32, #tpu.memory_space<vmem>>, vector<16xf32>,
        %get3A_2167 = arith.index_cast %add3A_2116 : i32 to index
        %get3A_2168 = arith.constant 96 : index
        %get3A_2169 = tpu.vector_load %arg10[%get3A_2167, %get3A_2168] {strides = array<i32>} : memref<64x256xf32, #tpu.memory_space<vmem>>, vector<16xf32>,
        %mul3A_2170 = arith.mulf %get3A_2166, %get3A_2169 : vector<16xf32>
        %add3A_2171 = arith.addf %add3A_2163, %mul3A_2170 : vector<16xf32>
        %get3A_2172 = arith.index_cast %add3A_2116 : i32 to index
        %get3A_2173 = arith.constant 112 : index
        %get3A_2174 = tpu.vector_load %arg9[%get3A_2172, %get3A_2173] {strides = array<i32>} : memref<64x256xf32, #tpu.memory_space<vmem>>, vector<16xf32>,
        %get3A_2175 = arith.index_cast %add3A_2116 : i32 to index
        %get3A_2176 = arith.constant 112 : index
        %get3A_2177 = tpu.vector_load %arg10[%get3A_2175, %get3A_2176] {strides = array<i32>} : memref<64x256xf32, #tpu.memory_space<vmem>>, vector<16xf32>,
        %mul3A_2178 = arith.mulf %get3A_2174, %get3A_2177 : vector<16xf32>
        %add3A_2179 = arith.addf %add3A_2171, %mul3A_2178 : vector<16xf32>
        %get3A_2180 = arith.index_cast %add3A_2116 : i32 to index
        %get3A_2181 = arith.constant 128 : index
        %get3A_2182 = tpu.vector_load %arg9[%get3A_2180, %get3A_2181] {strides = array<i32>} : memref<64x256xf32, #tpu.memory_space<vmem>>, vector<16xf32>,
        %get3A_2183 = arith.index_cast %add3A_2116 : i32 to index
        %get3A_2184 = arith.constant 128 : index
        %get3A_2185 = tpu.vector_load %arg10[%get3A_2183, %get3A_2184] {strides = array<i32>} : memref<64x256xf32, #tpu.memory_space<vmem>>, vector<16xf32>,
        %mul3A_2186 = arith.mulf %get3A_2182, %get3A_2185 : vector<16xf32>
        %add3A_2187 = arith.addf %add3A_2179, %mul3A_2186 : vector<16xf32>
        %get3A_2188 = arith.index_cast %add3A_2116 : i32 to index
        %get3A_2189 = arith.constant 144 : index
        %get3A_2190 = tpu.vector_load %arg9[%get3A_2188, %get3A_2189] {strides = array<i32>} : memref<64x256xf32, #tpu.memory_space<vmem>>, vector<16xf32>,
        %get3A_2191 = arith.index_cast %add3A_2116 : i32 to index
        %get3A_2192 = arith.constant 144 : index
        %get3A_2193 = tpu.vector_load %arg10[%get3A_2191, %get3A_2192] {strides = array<i32>} : memref<64x256xf32, #tpu.memory_space<vmem>>, vector<16xf32>,
        %mul3A_2194 = arith.mulf %get3A_2190, %get3A_2193 : vector<16xf32>
        %add3A_2195 = arith.addf %add3A_2187, %mul3A_2194 : vector<16xf32>
        %get3A_2196 = arith.index_cast %add3A_2116 : i32 to index
        %get3A_2197 = arith.constant 160 : index
        %get3A_2198 = tpu.vector_load %arg9[%get3A_2196, %get3A_2197] {strides = array<i32>} : memref<64x256xf32, #tpu.memory_space<vmem>>, vector<16xf32>,
        %get3A_2199 = arith.index_cast %add3A_2116 : i32 to index
        %get3A_2200 = arith.constant 160 : index
        %get3A_2201 = tpu.vector_load %arg10[%get3A_2199, %get3A_2200] {strides = array<i32>} : memref<64x256xf32, #tpu.memory_space<vmem>>, vector<16xf32>,
        %mul3A_2202 = arith.mulf %get3A_2198, %get3A_2201 : vector<16xf32>
        %add3A_2203 = arith.addf %add3A_2195, %mul3A_2202 : vector<16xf32>
        %get3A_2204 = arith.index_cast %add3A_2116 : i32 to index
        %get3A_2205 = arith.constant 176 : index
        %get3A_2206 = tpu.vector_load %arg9[%get3A_2204, %get3A_2205] {strides = array<i32>} : memref<64x256xf32, #tpu.memory_space<vmem>>, vector<16xf32>,
        %get3A_2207 = arith.index_cast %add3A_2116 : i32 to index
        %get3A_2208 = arith.constant 176 : index
        %get3A_2209 = tpu.vector_load %arg10[%get3A_2207, %get3A_2208] {strides = array<i32>} : memref<64x256xf32, #tpu.memory_space<vmem>>, vector<16xf32>,
        %mul3A_2210 = arith.mulf %get3A_2206, %get3A_2209 : vector<16xf32>
        %add3A_2211 = arith.addf %add3A_2203, %mul3A_2210 : vector<16xf32>
        %get3A_2212 = arith.index_cast %add3A_2116 : i32 to index
        %get3A_2213 = arith.constant 192 : index
        %get3A_2214 = tpu.vector_load %arg9[%get3A_2212, %get3A_2213] {strides = array<i32>} : memref<64x256xf32, #tpu.memory_space<vmem>>, vector<16xf32>,
        %get3A_2215 = arith.index_cast %add3A_2116 : i32 to index
        %get3A_2216 = arith.constant 192 : index
        %get3A_2217 = tpu.vector_load %arg10[%get3A_2215, %get3A_2216] {strides = array<i32>} : memref<64x256xf32, #tpu.memory_space<vmem>>, vector<16xf32>,
        %mul3A_2218 = arith.mulf %get3A_2214, %get3A_2217 : vector<16xf32>
        %add3A_2219 = arith.addf %add3A_2211, %mul3A_2218 : vector<16xf32>
        %get3A_2220 = arith.index_cast %add3A_2116 : i32 to index
        %get3A_2221 = arith.constant 208 : index
        %get3A_2222 = tpu.vector_load %arg9[%get3A_2220, %get3A_2221] {strides = array<i32>} : memref<64x256xf32, #tpu.memory_space<vmem>>, vector<16xf32>,
        %get3A_2223 = arith.index_cast %add3A_2116 : i32 to index
        %get3A_2224 = arith.constant 208 : index
        %get3A_2225 = tpu.vector_load %arg10[%get3A_2223, %get3A_2224] {strides = array<i32>} : memref<64x256xf32, #tpu.memory_space<vmem>>, vector<16xf32>,
        %mul3A_2226 = arith.mulf %get3A_2222, %get3A_2225 : vector<16xf32>
        %add3A_2227 = arith.addf %add3A_2219, %mul3A_2226 : vector<16xf32>
        %get3A_2228 = arith.index_cast %add3A_2116 : i32 to index
        %get3A_2229 = arith.constant 224 : index
        %get3A_2230 = tpu.vector_load %arg9[%get3A_2228, %get3A_2229] {strides = array<i32>} : memref<64x256xf32, #tpu.memory_space<vmem>>, vector<16xf32>,
        %get3A_2231 = arith.index_cast %add3A_2116 : i32 to index
        %get3A_2232 = arith.constant 224 : index
        %get3A_2233 = tpu.vector_load %arg10[%get3A_2231, %get3A_2232] {strides = array<i32>} : memref<64x256xf32, #tpu.memory_space<vmem>>, vector<16xf32>,
        %mul3A_2234 = arith.mulf %get3A_2230, %get3A_2233 : vector<16xf32>
        %add3A_2235 = arith.addf %add3A_2227, %mul3A_2234 : vector<16xf32>
        %get3A_2236 = arith.index_cast %add3A_2116 : i32 to index
        %get3A_2237 = arith.constant 240 : index
        %get3A_2238 = tpu.vector_load %arg9[%get3A_2236, %get3A_2237] {strides = array<i32>} : memref<64x256xf32, #tpu.memory_space<vmem>>, vector<16xf32>,
        %get3A_2239 = arith.index_cast %add3A_2116 : i32 to index
        %get3A_2240 = arith.constant 240 : index
        %get3A_2241 = tpu.vector_load %arg10[%get3A_2239, %get3A_2240] {strides = array<i32>} : memref<64x256xf32, #tpu.memory_space<vmem>>, vector<16xf32>,
        %mul3A_2242 = arith.mulf %get3A_2238, %get3A_2241 : vector<16xf32>
        %add3A_2243 = arith.addf %add3A_2235, %mul3A_2242 : vector<16xf32>
        %eq3A_2244 = arith.constant 15 : i32
        %eq3A_2245 = vector.broadcast %eq3A_2244 : i32 to vector<16xi32>
        %eq3A_2246 = arith.cmpi eq, %iota3A, %eq3A_2245 : vector<16xi32>
        %reduce_sum3A_2247 = arith.constant true
        %reduce_sum3A_2248 = vector.broadcast %reduce_sum3A_2247 : i1 to vector<16xi1>
        %reduce_sum3A_2249 = tpu.scan <sum>, %add3A_2243 masked %reduce_sum3A_2248 : vector<16xf32>, vector<16xi1> -> vector<16xf32>
        %reduce_sum3A_2250 = vector.extract %reduce_sum3A_2249[15] : f32 from vector<16xf32>
        %broadcast_in_dim3A_2251 = vector.broadcast %reduce_sum3A_2250 : f32 to vector<16xf32>
        %select_n3A_2252 = arith.select %eq3A_2246, %broadcast_in_dim3A_2251, %select_n3A_2112 : vector<16xi1>, vector<16xf32>
        %mul3A_2253 = arith.constant 64 : i32
        %mul3A_2254 = arith.muli %scan3A_8, %mul3A_2253 : i32
        %mul3A_2255 = arith.constant 16 : i32
        %mul3A_2256 = arith.muli %scan3A_15, %mul3A_2255 : i32
        %add3A_2257 = arith.addi %mul3A_2254, %mul3A_2256 : i32
        %swap3A = arith.index_cast %add3A_2257 : i32 to index
        %swap3A_2258 = tpu.vector_load %arg19[%swap3A] {strides = array<i32>} : memref<5056xf32, #tpu.memory_space<vmem>>, vector<16xf32>,
        tpu.vector_store %arg19[%swap3A], %select_n3A_2252 {strides = array<i32>} : memref<5056xf32, #tpu.memory_space<vmem>>, vector<16xf32>,
      }
      %scan3A_14 = arith.constant 4 : i32
    }
    %scan3A_7 = arith.constant 79 : i32
    "tpu.region"() ({
      %run_scoped3A = tpu.sem_alloc : memref<!tpu.dma_semaphore, #tpu.memory_space<semaphore_mem>>
      %dma_start3A = tpu.memref_slice %arg6[%mul3A_2] : memref<161792xf32, #tpu.memory_space<hbm>> -> memref<5056xf32, #tpu.memory_space<hbm>>
      %dma_start3A_8 = tpu.memref_slice %arg6[%mul3A_2] : memref<161792xf32, #tpu.memory_space<hbm>> -> memref<5056xf32, #tpu.memory_space<hbm>>
      tpu.enqueue_dma source(%arg19 : memref<5056xf32, #tpu.memory_space<vmem>>) target(%dma_start3A_8 : memref<5056xf32, #tpu.memory_space<hbm>>) target_semaphore(%run_scoped3A : memref<!tpu.dma_semaphore, #tpu.memory_space<semaphore_mem>>)
      %dma_wait3A = tpu.memref_slice %arg6[%mul3A_2] : memref<161792xf32, #tpu.memory_space<hbm>> -> memref<5056xf32, #tpu.memory_space<hbm>>
      %dma_wait3A_9 = tpu.memref_slice %arg6[%mul3A_2] : memref<161792xf32, #tpu.memory_space<hbm>> -> memref<5056xf32, #tpu.memory_space<hbm>>
      tpu.wait_dma2 semaphore(%run_scoped3A : memref<!tpu.dma_semaphore, #tpu.memory_space<semaphore_mem>>) src(%arg19 : memref<5056xf32, #tpu.memory_space<vmem>>) dst(%dma_wait3A_9 : memref<5056xf32, #tpu.memory_space<hbm>>)
      tpu.yield
    }) : () -> ()
    return
  }
}

</mosaic_0001>

<sc_bundles>
// kernel: _run.3.cloned.1.call-start
scs
__scs_entry_jumppad:
0x0: {  	(pc) =	sbr.rel $0x88, $3  }
0x1: {  	(tag) =	ssettag $0x0;
	lr =	simm.s32 $0x1  }
0x2: {  	[smem:$0x3F9D] =	sst lr;
	_ =	strace $0xD0000000  }
0x3: {  	_ = 	snop  }
0x4: {  	_ = 	snop  }
0x5: {  	_ = 	snop  }
0x6: {  	_ = 	snop  }
0x7: {  	_ = 	snop  }
__scs_overlays_trampoline_lowered:
0x8: {  	[smem:$0x3FAC] =	sst s0  }
0x9: {  	[smem:$0x3FAD] =	sst s1  }
0xa: {  	[smem:$0x3FAE] =	sst s2  }
0xb: {  	[smem:$0x3FAF] =	sst s3  }
0xc: {  	[smem:$0x3FB0] =	sst s4  }
0xd: {  	[smem:$0x3FB1] =	sst s5  }
0xe: {  	[smem:$0x3FB2] =	sst s6  }
0xf: {  	[smem:$0x3FB3] =	sst s7  }
0x10: {  	[smem:$0x3FB4] =	sst s8  }
0x11: {  	[smem:$0x3FB5] =	sst s9;
	s0 =	simm.s32 @!p0 $0x0  }
0x12: {  	s1 =	sld [smem:$0x3F9B];
	s0 =	simm.s32 @p0 $0x1  }
0x13: {  	[smem:$0x3FB6] =	sst s0;
	s0 =	simm.s32 @!p1 $0x0  }
0x14: {  	s2 =	sld [smem:$0x3F9A];
	s0 =	simm.s32 @p1 $0x1  }
0x15: {  	[smem:$0x3FB7] =	sst s0;
	s0 =	simm.s32 @!p2 $0x0  }
0x16: {  	s3 =	sld [smem:$0x3FDB];
	s0 =	simm.s32 @p2 $0x1  }
0x17: {  	s4 =	simm.s32 $0x1BF5;
	[smem:$0x3FB9] =	sst s0  }
0x18: {  	s0 =	sld [smem:$0x3F9C];
	_ =	swait.ge [sflag:s4], $0x0  }
0x19: {  	s7 =	sld [smem:$0x3F9D]  }
0x1a: {  	s8 =	sadd.s32 $0xFFFFE003, lr  }
0x1b: {  	s9 =	sadd.s32 $0xFFFFFEF7, lr;
	s5 =	simm.s32 $0xFFFFFFFF;
	p2 =	slt.u32 s8, $0xFFFFF086  }
0x1c: {  	p1 =	slt.u32 s9, $0xF7A;
	s5 =	simm.s32 @!p2 $0x0  }
0x1d: {  	s5 =	simm.s32 @p1 $0x1;
	p0 =	seq.s32 s7, s2  }
0x1e: {  	s7 =	smul.u32 @!p0 $0xF7A, s2;
	p2 =	seq.s32 @!p0 s5, $0x0  }
0x1f: {  	s9 =	smul.u32 $0xF7A, s1;
	s8 =	simm.s32 @!p0 $0x1BF5;
	p2 =	por !p2, p0  }
0x20: {  	[sflag:s8] =	ssyncset.s32 @!p0 $0xFFFFF086;
	s6 =	sadd.s32 @!p0 s3, s7;
	s7 =	simm.s32 @!p0 $0x108  }
0x21: {  	s3 =	sadd.s32 s3, s9;
	s6 =	sadd.s32 @!p0 $0x88, s6;
	s7 =	simm.s32 @p2 $0x1082  }
0x22: {  	[simem:s7], [sflag:s8] =	dma.local @!p0 [hbm:s6], $0xF7A  }
0x23: {  	s9 =	sor.u32 $0xD0000000, s2;
	s6 =	simm.s32 $0x108;
	_ =	swait.ge @!p0 [sflag:s8], $0x0  }
0x24: {  	s3 =	sadd.s32 $0x88, s3;
	s6 =	simm.s32 @!p1 $0x1082;
	[sflag:s4] =	ssyncset.s32 $0xFFFFF086  }
0x25: {  	[simem:s6], [sflag:s4] =	dma.local [hbm:s3], $0xF7A  }
0x26: {  	[smem:$0x3F9D] =	sst s1;
	(tag) =	ssettag s2;
	_ =	strace s9  }
0x27: {  	s1 =	sld [smem:$0x3FAD]  }
0x28: {  	s2 =	sld [smem:$0x3FAE]  }
0x29: {  	s4 =	sld [smem:$0x3FB0]  }
0x2a: {  	p0 =	seq.s32 s5, $0x0;
	s5 =	sld [smem:$0x3FB1]  }
0x2b: {  	s6 =	sld [smem:$0x3FB2]  }
0x2c: {  	s7 =	sld [smem:$0x3FB3]  }
0x2d: {  	s3 =	simm.s32 $0x108;
	s8 =	sld [smem:$0x3FB4]  }
0x2e: {  	s3 =	simm.s32 @!p0 $0x1082;
	s9 =	sld [smem:$0x3FB5]  }
0x2f: {  	lr =	sadd.s32 s0, s3;
	s0 =	sld [smem:$0x3FAC]  }
0x30: {  	s3 =	sld [smem:$0x3FAF]  }
0x31: {  	[smem:$0x3FB8] =	sst s10  }
0x32: {  	s10 =	sld [smem:$0x3FB6];
	_ =	sdelay $0x3  }
0x33: {  	p0 =	seq.s32 s10, $0x1;
	s10 =	sld [smem:$0x3FB8];
	_ =	sdelay $0x3  }
0x34: {  	[smem:$0x3FB8] =	sst s10  }
0x35: {  	s10 =	sld [smem:$0x3FB7];
	_ =	sdelay $0x3  }
0x36: {  	p1 =	seq.s32 s10, $0x1;
	s10 =	sld [smem:$0x3FB8];
	_ =	sdelay $0x3  }
0x37: {  	[smem:$0x3FB8] =	sst s10  }
0x38: {  	s10 =	sld [smem:$0x3FB9]  }
0x39: {  	_ = 	snop;
	(pc) =	sbr.ind lr, $3  }
0x3a: {  	_ = 	snop  }
0x3b: {  	_ = 	snop  }
0x3c: {  	p2 =	seq.s32 s10, $0x1;
	s10 =	sld [smem:$0x3FB8]  }
0x3d: {  	_ =	shalt  }
0x3e: {  	_ =	shalt  }
0x3f: {  	_ =	shalt  }
0x40: {  	_ =	shalt  }
0x41: {  	_ =	shalt  }
0x42: {  	_ =	shalt  }
0x43: {  	_ =	shalt  }
0x44: {  	_ =	shalt  }
0x45: {  	_ =	shalt  }
0x46: {  	_ =	shalt  }
0x47: {  	_ =	shalt  }
0x48: {  	_ =	shalt  }
0x49: {  	_ =	shalt  }
0x4a: {  	_ =	shalt  }
0x4b: {  	_ =	shalt  }
0x4c: {  	_ =	shalt  }
0x4d: {  	_ =	shalt  }
0x4e: {  	_ =	shalt  }
0x4f: {  	_ =	shalt  }
0x50: {  	_ =	shalt  }
0x51: {  	_ =	shalt  }
0x52: {  	_ =	shalt  }
0x53: {  	_ =	shalt  }
0x54: {  	_ =	shalt  }
0x55: {  	_ =	shalt  }
0x56: {  	_ =	shalt  }
0x57: {  	_ =	shalt  }
0x58: {  	_ =	shalt  }
0x59: {  	_ =	shalt  }
0x5a: {  	_ =	shalt  }
0x5b: {  	_ =	shalt  }
0x5c: {  	_ =	shalt  }
0x5d: {  	_ =	shalt  }
0x5e: {  	_ =	shalt  }
0x5f: {  	_ =	shalt  }
0x60: {  	_ =	shalt  }
0x61: {  	_ =	shalt  }
0x62: {  	_ =	shalt  }
0x63: {  	_ =	shalt  }
0x64: {  	_ =	shalt  }
0x65: {  	_ =	shalt  }
0x66: {  	_ =	shalt  }
0x67: {  	_ =	shalt  }
0x68: {  	_ =	shalt  }
0x69: {  	_ =	shalt  }
0x6a: {  	_ =	shalt  }
0x6b: {  	_ =	shalt  }
0x6c: {  	_ =	shalt  }
0x6d: {  	_ =	shalt  }
0x6e: {  	_ =	shalt  }
0x6f: {  	_ =	shalt  }
0x70: {  	_ =	shalt  }
0x71: {  	_ =	shalt  }
0x72: {  	_ =	shalt  }
0x73: {  	_ =	shalt  }
0x74: {  	_ =	shalt  }
0x75: {  	_ =	shalt  }
0x76: {  	_ =	shalt  }
0x77: {  	_ =	shalt  }
0x78: {  	_ =	shalt  }
0x79: {  	_ =	shalt  }
0x7a: {  	_ =	shalt  }
0x7b: {  	_ =	shalt  }
0x7c: {  	_ =	shalt  }
0x7d: {  	_ =	shalt  }
0x7e: {  	_ =	shalt  }
0x7f: {  	_ =	shalt  }
0x80: {  	_ =	shalt  }
0x81: {  	_ =	shalt  }
0x82: {  	_ =	shalt  }
0x83: {  	_ =	shalt  }
0x84: {  	_ =	shalt  }
0x85: {  	_ =	shalt  }
0x86: {  	_ =	shalt  }
0x87: {  	_ =	shalt  }
.Lfunc_end0:
.L_simem_size_0:
called_computation_lowered:
.L_overlay_start_0:
0x88: {  	s2 =	sld [smem:$0x3FD9]  }
0x89: {  	s3 =	sld [smem:$0x3FFE];
	_ =	sdelay $0x1  }
0x8a: {  	s1 =	srdreg.scid  }
0x8b: {  	s0 =	sand.u32 $0x1, s1  }
0x8c: {  	s18 =	sshll.u32 s0, $0xA;
	s2 =	sadd.s32 s3, s2  }
0x8d: {  	s2 =	sadd.s32 s2, s18  }
0x8e: {  	[smem:$0x3FC4] =	sst s2  }
0x8f: {  	_ = 	snop  }
0x90: {  	s2 =	sld [smem:$0x3FD0];
	(tm) =	ssettm $0x1  }
0x91: {  	s19 =	sld [smem:$0x3FFB];
	_ =	sdelay $0x3  }
0x92: {  	_ =	strace s19  }
0x93: {  	s3 =	sld [smem:$0x3FFC];
	_ =	sdelay $0x3  }
0x94: {  	_ =	strace s3  }
0x95: {  	s3 =	sld [smem:$0x3FFD];
	_ =	sdelay $0x3  }
0x96: {  	_ =	strace s3  }
0x97: {  	_ =	strace $0x8FFFFFFF  }
0x98: {  	s20 =	sld [smem:$0x3FDB];
	_ =	sdelay $0x1  }
0x99: {  	s4 =	simm.s32 $_scs_section_size  }
0x9a: {  	s5 =	simm.s32 $_size__tile_overlayer_lowered;
	s6 =	simm.s32 $_tile_overlayer_lowered  }
0x9b: {  	s23 =	simm.s32 $0x1BFF;
	s22 =	sshll.u32 s6, $0x1;
	s3 =	sadd.s32 s4, s20  }
0x9c: {  	s7 =	simm.s32 $0x0;
	s21 =	sshll.u32 s5, $0x1;
	s5 =	sadd.s32 s22, s3  }
0x9d: {  	[timem:s7], [sflag:s23] =	dma.local [hbm:s5], s21  }
0x9e: {  	_ =	swait.ge [sflag:s23], s21  }
0x9f: {  	s4 =	ssub.s32 $0x0, s21;
	[sflag:s23] =	ssyncset.done $0x0  }
0xa0: {  	[sflag:s23] =	ssyncadd.s32 s4;
	_ =	sdelay $0x1  }
0xa1: {  	s24 =	simm.s32 $0x1B8B  }
0xa2: {  	_ =	swait.ge [sflag:s24], $0x1  }
0xa3: {  	[sflag:s24] =	ssyncset.done $0x0  }
0xa4: {  	s25 =	simm.s32 $0x1B8E;
	[sflag:s24] =	ssyncadd.s32 $0xFFFFFFFF  }
0xa5: {  	s26 =	simm.s32 $execute0_lowered;
	[smem:$0x3FD2] =	sst s25  }
0xa6: {  	s4 =	sshll.u32 s26, $0x1;
	_ =	strace $0x80000046;
	[dreg:$0x1] =	wrdreg $0xFFFFFFFF  }
0xa7: {  	s28 =	simm.s32 $_size_execute0_lowered;
	s3 =	sadd.s32 s3, s4;
	[dreg:$0x0] =	wrdreg $0x0  }
0xa8: {  	s4 =	sshll.u32 s28, $0x1;
	[dreg:$0x2] =	wrdreg s3  }
0xa9: {  	[dreg:$0x3] =	wrdreg s4  }
0xaa: {  	[dreg:$0x4] =	wrdreg $0xC0  }
0xab: {  	_ =	task [dreg:s7], $0x5FFFF  }
0xac: {  	[dreg:$0x1] =	wrdreg $0xFFFFFFFF  }
0xad: {  	[dreg:$0x0] =	wrdreg $0x60  }
0xae: {  	[dreg:$0x2] =	wrdreg s2  }
0xaf: {  	[dreg:$0x3] =	wrdreg $0x9  }
0xb0: {  	_ =	task.clear_ibuf [dreg:s7], $0x4FFFF;
	_ =	strace $0x90000046  }
0xb1: {  	s29 =	simm.s32 $0x9;
	_ =	strace $0x80000048  }
0xb2: {  	_ =	swait.ge [sflag:s29], $0x1  }
0xb3: {  	[sflag:s29] =	ssyncadd.s32 $0xFFFFFFFF  }
0xb4: {  	_ =	strace $0x90000048  }
0xb5: {  	_ =	sfence  }
0xb6: {  	s30 =	sld [smem:$0x0];
	_ =	sdelay $0x2  }
0xb7: {  	s31 =	sshll.u32 s1, $0xD;
	s1 =	sshrl.u32 s1, $0x2  }
0xb8: {  	s3 =	sand.u32 $0x4000, s31;
	s1 =	sadd.s32 s1, s30  }
0xb9: {  	s0 =	sor.u32 s3, s0;
	s1 =	sshll.u32 s1, $0x11  }
0xba: {  	s0 =	sor.u32 s1, s0  }
0xbb: {  	s0 =	sadd.s32 $0x8F2B, s0  }
0xbc: {  	[sflag:s0] =	ssyncadd.remote.s32 $0x1  }
0xbd: {  	_ =	sfence.sel $0xFFFF  }
0xbe: {  	[dreg:$0x0] =	wrdreg $0xFFFFFFFF;
	(pc) =	sbr.abs _section_cstart, $3  }
0xbf: {  	[dreg:$0x1] =	wrdreg $0xFFFFFFFF  }
0xc0: {  	_ =	task.clear_ibuf [dreg:s7], $0x2FFFF;
	_ =	strace $0x9FFFFFFF  }
0xc1: {  	(tm) =	ssettm $0x7FFFFFFF  }
tec
execute0_lowered:
.L_overlay_start_1:
0x0: {  	(tag) =	ssettag $0x1  }
0x1: {  	s1 =	srdreg.scid  }
0x2: {  	s0 =	stileid.u32;
	s3 =	rddreg [dreg:$0x0];
	s7 =	simm.s32 $0x0  }
0x3: {  	vm0 =	vmmov $0x1;
	vm1 =	vmmov $0x3;
	vm2 =	vmmov $0x7;
	s2 =	sand.u32 $0x1, s1;
	s4 =	sshll.u32 s0, $0x1;
	s1 =	rddreg [dreg:$0x1]  }
0x4: {  	vm3 =	vmmov $0xf;
	vm4 =	vmmov $0x1f;
	vm5 =	vmmov $0x3f;
	s5 =	ssub.s32 $0x2, s2;
	s4 =	sor.u32 s2, s4;
	s2 =	simm.s32 $0x0  }
0x5: {  	vm6 =	vmmov $0x7f;
	vm7 =	vmmov $0xff;
	vm8 =	vmmov $0x1ff;
	s6 =	sshrl.u32 s5, $0x1;
	s4 =	smul.u32 $0x278, s4;
	[smem:$0x7FF] =	sst s2  }
0x6: {  	vm9 =	vmmov $0x3ff;
	vm10 =	vmmov $0x7ff;
	vm11 =	vmmov $0xfff;
	s5 =	ssub.s32 s5, s6;
	_ =	strace $0x80000047;
	s6 =	simm.s32 $0x1  }
0x7: {  	vm12 =	vmmov $0x1fff;
	vm13 =	vmmov $0x3fff;
	vm14 =	vmmov $0x7fff;
	s3 =	sadd.s32 s3, s4;
	s4 =	smax.u32 s5, $0x1;
	s5 =	simm.s32 $0x8000  }
.LBB2_1:
0x8: {  	s8 =	simm.s32 $0x0  }
.LBB2_2:
0x9: {  	s9 =	sshll.u32 s8, $0x6  }
0xa: {  	s9 =	sand.u32 $0x3FFFFFC0, s9  }
0xb: {  	s10 =	sadd.s32 $0x8000, s9  }
0xc: {  	v0 =	vmov s10  }
0xd: {  	s9 =	simm.s32 $0x0;
	[tilespmem:$0x1FFF0] =	vst v0  }
.LBB2_3:
0xe: {  	s10 =	sshll.u32 s9, $0xC  }
0xf: {  	v0 =	vld [tilespmem:s10+$0x0]  }
0x10: {  	v1 =	vld [tilespmem:s10+$0x4000]  }
0x11: {  	v2 =	vld [tilespmem:s10+$0x10]  }
0x12: {  	v3 =	vld [tilespmem:s10+$0x4010]  }
0x13: {  	v4 =	vld [tilespmem:s10+$0x20]  }
0x14: {  	v5 =	vld [tilespmem:s10+$0x4020]  }
0x15: {  	v6 =	vld [tilespmem:s10+$0x30]  }
0x16: {  	v7 =	vld [tilespmem:s10+$0x4030]  }
0x17: {  	v35 =	vld [tilespmem:s10+$0x40]  }
0x18: {  	v36 =	vld [tilespmem:s10+$0x4040]  }
0x19: {  	v38 =	vld [tilespmem:s10+$0x50]  }
0x1a: {  	v39 =	vld [tilespmem:s10+$0x4050]  }
0x1b: {  	v41 =	vld [tilespmem:s10+$0x60]  }
0x1c: {  	v42 =	vld [tilespmem:s10+$0x4060]  }
0x1d: {  	v44 =	vld [tilespmem:s10+$0x70]  }
0x1e: {  	v45 =	vld [tilespmem:s10+$0x4070]  }
0x1f: {  	v47 =	vld [tilespmem:s10+$0x400]  }
0x20: {  	v48 =	vld [tilespmem:s10+$0x4400]  }
0x21: {  	v50 =	vld [tilespmem:s10+$0x410]  }
0x22: {  	v51 =	vld [tilespmem:s10+$0x4410]  }
0x23: {  	v53 =	vld [tilespmem:s10+$0x420]  }
0x24: {  	v54 =	vld [tilespmem:s10+$0x4420]  }
0x25: {  	v56 =	vld [tilespmem:s10+$0x430]  }
0x26: {  	v57 =	vld [tilespmem:s10+$0x4430]  }
0x27: {  	v59 =	vld [tilespmem:s10+$0x440]  }
0x28: {  	v60 =	vld [tilespmem:s10+$0x4440]  }
0x29: {  	v62 =	vld [tilespmem:s10+$0x450]  }
0x2a: {  	v63 =	vld [tilespmem:s10+$0x4450]  }
0x2b: {  	v9 =	vld [tilespmem:s10+$0x460]  }
0x2c: {  	v10 =	vld [tilespmem:s10+$0x4460]  }
0x2d: {  	v12 =	vld [tilespmem:s10+$0x470]  }
0x2e: {  	v13 =	vld [tilespmem:s10+$0x4470]  }
0x2f: {  	v25 =	vld [tilespmem:s10+$0x80]  }
0x30: {  	v21 =	vld [tilespmem:s10+$0x4080]  }
0x31: {  	v22 =	vld [tilespmem:s10+$0x90]  }
0x32: {  	v19 =	vld [tilespmem:s10+$0x4090]  }
0x33: {  	v30 =	vld [tilespmem:s10+$0xA0]  }
0x34: {  	v26 =	vld [tilespmem:s10+$0x40A0]  }
0x35: {  	v17 =	vld [tilespmem:s10+$0x480]  }
0x36: {  	v18 =	vld [tilespmem:s10+$0x4480]  }
0x37: {  	v20 =	vld [tilespmem:s10+$0x490]  }
0x38: {  	v23 =	vld [tilespmem:s10+$0x4490]  }
0x39: {  	v24 =	vld [tilespmem:s10+$0x4A0]  }
0x3a: {  	v27 =	vld [tilespmem:s10+$0x44A0]  }
0x3b: {  	v28 =	vld [tilespmem:s10+$0x4B0]  }
0x3c: {  	v29 =	vld [tilespmem:s10+$0x44B0]  }
0x3d: {  	v31 =	vld [tilespmem:s10+$0x4C0]  }
0x3e: {  	v32 =	vld [tilespmem:s10+$0x44C0]  }
0x3f: {  	v33 =	vld [tilespmem:s10+$0x4D0]  }
0x40: {  	v46 =	vmul.f32 v39, v38;
	v38 =	vld [tilespmem:s10+$0xB0]  }
0x41: {  	v49 =	vmul.f32 v42, v41;
	v41 =	vld [tilespmem:s10+$0xC0]  }
0x42: {  	v42 =	vld [tilespmem:s10+$0xD0]  }
0x43: {  	v39 =	vld [tilespmem:s10+$0x40D0]  }
0x44: {  	v11 =	vmul.f32 v60, v59;
	v59 =	vld [tilespmem:s10+$0xE0]  }
0x45: {  	v55 =	vmul.f32 v48, v47;
	v48 =	vld [tilespmem:s10+$0x40E0]  }
0x46: {  	v8 =	vmul.f32 v57, v56;
	v57 =	vld [tilespmem:s10+$0xF0]  }
0x47: {  	v61 =	vmul.f32 v54, v53;
	v54 =	vld [tilespmem:s10+$0x40F0]  }
0x48: {  	v43 =	vmul.f32 v36, v35;
	v35 =	vld [tilespmem:s10+$0x44D0]  }
0x49: {  	v36 =	vld [tilespmem:s10+$0x4E0]  }
0x4a: {  	v52 =	vmul.f32 v45, v44;
	v44 =	vld [tilespmem:s10+$0x44F0]  }
0x4b: {  	v40 =	vmul.f32 v7, v6;
	v6 =	vld [tilespmem:s10+$0x4100]  }
0x4c: {  	v7 =	vld [tilespmem:s10+$0x110]  }
0x4d: {  	v37 =	vmul.f32 v5, v4;
	v4 =	vld [tilespmem:s10+$0x4110]  }
0x4e: {  	v15 =	vmul.f32 v10, v9;
	v10 =	vld [tilespmem:s10+$0x4120]  }
0x4f: {  	[tilespmem:$0x1EC00] =	vst v18;
	v18 =	vld [tilespmem:s10+$0x130]  }
0x50: {  	[tilespmem:$0x1EC80] =	vst v31;
	v31 =	vld [tilespmem:s10+$0x140]  }
0x51: {  	[tilespmem:$0x1EC40] =	vst v27;
	v27 =	vld [tilespmem:s10+$0x4140]  }
0x52: {  	v58 =	vmul.f32 v51, v50;
	v51 =	vld [tilespmem:s10+$0x4160]  }
0x53: {  	v45 =	vld [tilespmem:s10+$0x170]  }
0x54: {  	v14 =	vmul.f32 v63, v62;
	v62 =	vld [tilespmem:s10+$0x4170]  }
0x55: {  	v47 =	vld [tilespmem:s10+$0x4500]  }
0x56: {  	v50 =	vld [tilespmem:s10+$0x4510]  }
0x57: {  	v53 =	vld [tilespmem:s10+$0x520]  }
0x58: {  	v56 =	vld [tilespmem:s10+$0x530]  }
0x59: {  	v60 =	vld [tilespmem:s10+$0x540]  }
0x5a: {  	v63 =	vld [tilespmem:s10+$0x550]  }
0x5b: {  	v5 =	vld [tilespmem:s10+$0x4550]  }
0x5c: {  	v9 =	vld [tilespmem:s10+$0x560]  }
0x5d: {  	v16 =	vmul.f32 v13, v12;
	v12 =	vld [tilespmem:s10+$0x4560]  }
0x5e: {  	v13 =	vld [tilespmem:s10+$0x570]  }
0x5f: {  	v34 =	vmul.f32 v3, v2;
	v3 =	vld [tilespmem:s10+$0x180]  }
0x60: {  	v2 =	vld [tilespmem:s10+$0x4180]  }
0x61: {  	v0 =	vmul.f32 v1, v0;
	v1 =	vld [tilespmem:s10+$0x190]  }
0x62: {  	[tilespmem:$0x1EC90] =	vst v32;
	v32 =	vld [tilespmem:s10+$0x1C0]  }
0x63: {  	[tilespmem:$0x1EC20] =	vst v23;
	v23 =	vld [tilespmem:s10+$0x41C0]  }
0x64: {  	[tilespmem:$0x1EBF0] =	vst v17;
	v17 =	vld [tilespmem:s10+$0x580]  }
0x65: {  	[tilespmem:$0x1EC10] =	vst v20;
	v20 =	vld [tilespmem:s10+$0x4580]  }
0x66: {  	[tilespmem:$0x1EC30] =	vst v24;
	v24 =	vld [tilespmem:s10+$0x590]  }
0x67: {  	[tilespmem:$0x1EC50] =	vst v28;
	v28 =	vld [tilespmem:s10+$0x4590]  }
0x68: {  	[tilespmem:$0x1EC60] =	vst v29;
	v29 =	vld [tilespmem:s10+$0x5A0]  }
0x69: {  	[tilespmem:$0x1ECC0] =	vst v33;
	v33 =	vld [tilespmem:s10+$0x45A0];
	v0 =	vadd.f32 v34, v0  }
0x6a: {  	v34 =	vld [tilespmem:s10+$0x40B0];
	[tilespmem:$0x1ECD0] =	vst v35  }
0x6b: {  	v0 =	vadd.f32 v37, v0;
	v37 =	vld [tilespmem:s10+$0x40C0];
	[tilespmem:$0x1ED20] =	vst v36  }
0x6c: {  	[tilespmem:$0x1EEA0] =	vst v9;
	v9 =	vld [tilespmem:s10+$0x1A0]  }
0x6d: {  	[tilespmem:$0x1EE10] =	vst v5;
	v5 =	vld [tilespmem:s10+$0x41A0];
	v0 =	vadd.f32 v40, v0  }
0x6e: {  	[tilespmem:$0x1EF60] =	vst v13;
	v13 =	vld [tilespmem:s10+$0x1B0]  }
0x6f: {  	[tilespmem:$0x1EEB0] =	vst v12;
	v12 =	vld [tilespmem:s10+$0x41B0];
	v0 =	vadd.f32 v43, v0  }
0x70: {  	[tilespmem:$0x1EC70] =	vst v45;
	v45 =	vld [tilespmem:s10+$0x1D0]  }
0x71: {  	[tilespmem:$0x1EDD0] =	vst v44;
	v44 =	vld [tilespmem:s10+$0x41D0];
	v0 =	vadd.f32 v46, v0  }
0x72: {  	[tilespmem:$0x1ED00] =	vst v53;
	v53 =	vld [tilespmem:s10+$0x41E0]  }
0x73: {  	[tilespmem:$0x1ECB0] =	vst v47;
	v35 =	vld [tilespmem:s10+$0x5B0];
	v0 =	vadd.f32 v49, v0  }
0x74: {  	[tilespmem:$0x1ECF0] =	vst v50;
	v36 =	vld [tilespmem:s10+$0x45B0]  }
0x75: {  	[tilespmem:$0x1ED40] =	vst v56;
	v47 =	vld [tilespmem:s10+$0x45C0];
	v0 =	vadd.f32 v52, v0  }
0x76: {  	[tilespmem:$0x1ED80] =	vst v60;
	v50 =	vld [tilespmem:s10+$0x45D0]  }
0x77: {  	[tilespmem:$0x1EE00] =	vst v63;
	v56 =	vld [tilespmem:s10+$0x5E0];
	v0 =	vadd.f32 v55, v0  }
0x78: {  	[tilespmem:$0x1EDA0] =	vst v17;
	v60 =	vld [tilespmem:s10+$0x5F0]  }
0x79: {  	[tilespmem:$0x1EE30] =	vst v33;
	v33 =	vld [tilespmem:s10+$0x200];
	v0 =	vadd.f32 v58, v0  }
0x7a: {  	[tilespmem:$0x1EDF0] =	vst v28;
	v28 =	vld [tilespmem:s10+$0x4200]  }
0x7b: {  	[tilespmem:$0x1EDB0] =	vst v20;
	v40 =	vld [tilespmem:s10+$0x44E0];
	v0 =	vadd.f32 v61, v0  }
0x7c: {  	[tilespmem:$0x1EE20] =	vst v29;
	v29 =	vld [tilespmem:s10+$0x210]  }
0x7d: {  	[tilespmem:$0x1EDE0] =	vst v24;
	v43 =	vld [tilespmem:s10+$0x4F0];
	v0 =	vadd.f32 v8, v0  }
0x7e: {  	v46 =	vld [tilespmem:s10+$0x500];
	[tilespmem:$0x1EE60] =	vst v35  }
0x7f: {  	v24 =	vld [tilespmem:s10+$0x4210];
	[tilespmem:$0x1EE70] =	vst v36;
	v0 =	vadd.f32 v11, v0  }
0x80: {  	[tilespmem:$0x1ED30] =	vst v40;
	v40 =	vld [tilespmem:s10+$0x4150]  }
0x81: {  	[tilespmem:$0x1EEF0] =	vst v47;
	v49 =	vld [tilespmem:s10+$0x510];
	v0 =	vadd.f32 v14, v0  }
0x82: {  	[tilespmem:$0x1EDC0] =	vst v43;
	v43 =	vld [tilespmem:s10+$0x150]  }
0x83: {  	[tilespmem:$0x1ECA0] =	vst v46;
	v46 =	vld [tilespmem:s10+$0x5C0];
	v0 =	vadd.f32 v15, v0  }
0x84: {  	[tilespmem:$0x1EF30] =	vst v50;
	v58 =	vld [tilespmem:s10+$0x4530]  }
0x85: {  	[tilespmem:$0x1EFC0] =	vst v56;
	v61 =	vld [tilespmem:s10+$0x4540];
	v0 =	vadd.f32 v16, v0  }
0x86: {  	[tilespmem:$0x1F0C0] =	vst v60;
	v55 =	vld [tilespmem:s10+$0x4520]  }
0x87: {  	[tilespmem:$0x1ECE0] =	vst v49;
	v14 =	vld [tilespmem:s10+$0x4570];
	(xrf2) =	vadd.scan.msk.f32 $0xffff, v0  }
0x88: {  	v49 =	vld [tilespmem:s10+$0x5D0];
	[tilespmem:$0x1EEE0] =	vst v46  }
0x89: {  	[tilespmem:$0x1ED50] =	vst v58;
	v58 =	vld [tilespmem:s10+$0x45E0]  }
0x8a: {  	[tilespmem:$0x1ED90] =	vst v61;
	v61 =	vld [tilespmem:s10+$0x45F0]  }
0x8b: {  	[tilespmem:$0x1ED10] =	vst v55;
	v16 =	vld [tilespmem:s10+$0x41F0]  }
0x8c: {  	[tilespmem:$0x1EF70] =	vst v14;
	v14 =	vld [tilespmem:s10+$0x1F0]  }
0x8d: {  	v52 =	vld [tilespmem:s10+$0x160];
	[tilespmem:$0x1EF20] =	vst v49  }
0x8e: {  	v55 =	vld [tilespmem:s10+$0x1E0];
	[tilespmem:$0x1EFD0] =	vst v58  }
0x8f: {  	v8 =	vld [tilespmem:s10+$0x100];
	[tilespmem:$0x1F0D0] =	vst v61  }
0x90: {  	v11 =	vld [tilespmem:s10+$0x120];
	[tilespmem:$0x1ED70] =	vst v16  }
0x91: {  	v15 =	vld [tilespmem:s10+$0x4130];
	[tilespmem:$0x1ED60] =	vst v14;
	v0, _, _ =	vpop (xrf2)  }
0x92: {  	[tilespmem:$0x1FFE0] =	vst v0;
	v0 =	vld [tilespmem:s10+$0x4190]  }
0x93: {  	v47 =	vld [tilespmem:s10+$0x220]  }
0x94: {  	v61 =	vld [tilespmem:s10+$0x4600];
	_ =	sdelay $0x4  }
0x95: {  	[tilespmem:$0x1EF50] =	vst v61;
	v61 =	vld [tilespmem:s10+$0x4650];
	_ =	sdelay $0x4  }
0x96: {  	[tilespmem:$0x1F1B0] =	vst v61;
	v61 =	vld [tilespmem:s10+$0x2D0];
	_ =	sdelay $0x4  }
0x97: {  	[tilespmem:$0x1EF80] =	vst v61;
	v61 =	vld [tilespmem:s10+$0x42D0];
	_ =	sdelay $0x4  }
0x98: {  	[tilespmem:$0x1EF90] =	vst v61;
	v61 =	vld [tilespmem:s10+$0x2E0];
	_ =	sdelay $0x4  }
0x99: {  	[tilespmem:$0x1EFE0] =	vst v61;
	v61 =	vld [tilespmem:s10+$0x42E0];
	_ =	sdelay $0x4  }
0x9a: {  	[tilespmem:$0x1EFF0] =	vst v61;
	v61 =	vld [tilespmem:s10+$0x2F0];
	_ =	sdelay $0x4  }
0x9b: {  	[tilespmem:$0x1F020] =	vst v61;
	v61 =	vld [tilespmem:s10+$0x42F0];
	_ =	sdelay $0x4  }
0x9c: {  	[tilespmem:$0x1F030] =	vst v61;
	v61 =	vld [tilespmem:s10+$0x680];
	_ =	sdelay $0x4  }
0x9d: {  	[tilespmem:$0x1F0A0] =	vst v61;
	v61 =	vld [tilespmem:s10+$0x4680];
	_ =	sdelay $0x4  }
0x9e: {  	[tilespmem:$0x1F0B0] =	vst v61;
	v61 =	vld [tilespmem:s10+$0x690];
	_ =	sdelay $0x4  }
0x9f: {  	[tilespmem:$0x1F100] =	vst v61;
	v61 =	vld [tilespmem:s10+$0x4690];
	_ =	sdelay $0x4  }
0xa0: {  	[tilespmem:$0x1F110] =	vst v61;
	v61 =	vld [tilespmem:s10+$0x6A0];
	_ =	sdelay $0x4  }
0xa1: {  	[tilespmem:$0x1F160] =	vst v61;
	v61 =	vld [tilespmem:s10+$0x46A0];
	_ =	sdelay $0x4  }
0xa2: {  	[tilespmem:$0x1F170] =	vst v61;
	v61 =	vld [tilespmem:s10+$0x6B0];
	_ =	sdelay $0x4  }
0xa3: {  	[tilespmem:$0x1F1E0] =	vst v61;
	v61 =	vld [tilespmem:s10+$0x46B0];
	_ =	sdelay $0x4  }
0xa4: {  	[tilespmem:$0x1F1F0] =	vst v61;
	v61 =	vld [tilespmem:s10+$0x6C0];
	_ =	sdelay $0x4  }
0xa5: {  	[tilespmem:$0x1F280] =	vst v61;
	v61 =	vld [tilespmem:s10+$0x46C0];
	_ =	sdelay $0x4  }
0xa6: {  	[tilespmem:$0x1F290] =	vst v61;
	v61 =	vld [tilespmem:s10+$0x6D0];
	_ =	sdelay $0x4  }
0xa7: {  	[tilespmem:$0x1F300] =	vst v61;
	v61 =	vld [tilespmem:s10+$0x46D0];
	_ =	sdelay $0x4  }
0xa8: {  	[tilespmem:$0x1F310] =	vst v61;
	v61 =	vld [tilespmem:s10+$0x6E0];
	_ =	sdelay $0x4  }
0xa9: {  	[tilespmem:$0x1F3A0] =	vst v61;
	v61 =	vld [tilespmem:s10+$0x46E0];
	_ =	sdelay $0x4  }
0xaa: {  	[tilespmem:$0x1F3B0] =	vst v61;
	v61 =	vld [tilespmem:s10+$0x6F0];
	_ =	sdelay $0x4  }
0xab: {  	[tilespmem:$0x1F4A0] =	vst v61;
	v61 =	vld [tilespmem:s10+$0x46F0];
	_ =	sdelay $0x4  }
0xac: {  	[tilespmem:$0x1F4B0] =	vst v61;
	v61 =	vld [tilespmem:s10+$0x300];
	_ =	sdelay $0x4  }
0xad: {  	[tilespmem:$0x1F040] =	vst v61;
	v61 =	vld [tilespmem:s10+$0x4300];
	_ =	sdelay $0x4  }
0xae: {  	[tilespmem:$0x1F050] =	vst v61;
	v61 =	vld [tilespmem:s10+$0x310];
	_ =	sdelay $0x4  }
0xaf: {  	[tilespmem:$0x1F060] =	vst v61;
	v61 =	vld [tilespmem:s10+$0x4310];
	_ =	sdelay $0x4  }
0xb0: {  	[tilespmem:$0x1F070] =	vst v61;
	v61 =	vld [tilespmem:s10+$0x320];
	_ =	sdelay $0x4  }
0xb1: {  	[tilespmem:$0x1F0E0] =	vst v61;
	v61 =	vld [tilespmem:s10+$0x4320];
	_ =	sdelay $0x4  }
0xb2: {  	[tilespmem:$0x1F0F0] =	vst v61;
	v61 =	vld [tilespmem:s10+$0x330];
	_ =	sdelay $0x4  }
0xb3: {  	[tilespmem:$0x1F140] =	vst v61;
	v61 =	vld [tilespmem:s10+$0x4330];
	_ =	sdelay $0x4  }
0xb4: {  	[tilespmem:$0x1F150] =	vst v61;
	v61 =	vld [tilespmem:s10+$0x340];
	_ =	sdelay $0x4  }
0xb5: {  	[tilespmem:$0x1F180] =	vst v61;
	v61 =	vld [tilespmem:s10+$0x4340];
	_ =	sdelay $0x4  }
0xb6: {  	[tilespmem:$0x1F190] =	vst v61;
	v61 =	vld [tilespmem:s10+$0x350];
	_ =	sdelay $0x4  }
0xb7: {  	[tilespmem:$0x1F200] =	vst v61;
	v61 =	vld [tilespmem:s10+$0x4350];
	_ =	sdelay $0x4  }
0xb8: {  	[tilespmem:$0x1F210] =	vst v61;
	v61 =	vld [tilespmem:s10+$0x360];
	_ =	sdelay $0x4  }
0xb9: {  	[tilespmem:$0x1F260] =	vst v61;
	v61 =	vld [tilespmem:s10+$0x4360];
	_ =	sdelay $0x4  }
0xba: {  	[tilespmem:$0x1F270] =	vst v61;
	v61 =	vld [tilespmem:s10+$0x370];
	_ =	sdelay $0x4  }
0xbb: {  	[tilespmem:$0x1F2C0] =	vst v61;
	v61 =	vld [tilespmem:s10+$0x4370];
	_ =	sdelay $0x4  }
0xbc: {  	[tilespmem:$0x1F2D0] =	vst v61;
	v61 =	vld [tilespmem:s10+$0x700];
	_ =	sdelay $0x4  }
0xbd: {  	[tilespmem:$0x1F320] =	vst v61;
	v61 =	vld [tilespmem:s10+$0x4700];
	_ =	sdelay $0x4  }
0xbe: {  	[tilespmem:$0x1F330] =	vst v61;
	v61 =	vld [tilespmem:s10+$0x710];
	_ =	sdelay $0x4  }
0xbf: {  	[tilespmem:$0x1F380] =	vst v61;
	v61 =	vld [tilespmem:s10+$0x4710];
	_ =	sdelay $0x4  }
0xc0: {  	[tilespmem:$0x1F390] =	vst v61;
	v61 =	vld [tilespmem:s10+$0x720];
	_ =	sdelay $0x4  }
0xc1: {  	[tilespmem:$0x1F3E0] =	vst v61;
	v61 =	vld [tilespmem:s10+$0x4720];
	_ =	sdelay $0x4  }
0xc2: {  	[tilespmem:$0x1F3F0] =	vst v61;
	v61 =	vld [tilespmem:s10+$0x730];
	_ =	sdelay $0x4  }
0xc3: {  	[tilespmem:$0x1F460] =	vst v61;
	v61 =	vld [tilespmem:s10+$0x4730];
	_ =	sdelay $0x4  }
0xc4: {  	[tilespmem:$0x1F470] =	vst v61;
	v61 =	vld [tilespmem:s10+$0x740];
	_ =	sdelay $0x4  }
0xc5: {  	[tilespmem:$0x1F500] =	vst v61;
	v61 =	vld [tilespmem:s10+$0x4740];
	_ =	sdelay $0x4  }
0xc6: {  	[tilespmem:$0x1F510] =	vst v61;
	v61 =	vld [tilespmem:s10+$0x750];
	_ =	sdelay $0x4  }
0xc7: {  	[tilespmem:$0x1F580] =	vst v61;
	v61 =	vld [tilespmem:s10+$0x4750];
	_ =	sdelay $0x4  }
0xc8: {  	[tilespmem:$0x1F590] =	vst v61;
	v61 =	vld [tilespmem:s10+$0x760];
	_ =	sdelay $0x4  }
0xc9: {  	[tilespmem:$0x1F5A0] =	vst v61;
	v61 =	vld [tilespmem:s10+$0x4760];
	_ =	sdelay $0x4  }
0xca: {  	[tilespmem:$0x1F5B0] =	vst v61;
	v61 =	vld [tilespmem:s10+$0x770];
	_ =	sdelay $0x4  }
0xcb: {  	[tilespmem:$0x1F720] =	vst v61;
	v61 =	vld [tilespmem:s10+$0x4770];
	_ =	sdelay $0x4  }
0xcc: {  	[tilespmem:$0x1F730] =	vst v61;
	v61 =	vld [tilespmem:s10+$0x380];
	_ =	sdelay $0x4  }
0xcd: {  	[tilespmem:$0x1F220] =	vst v61;
	v61 =	vld [tilespmem:s10+$0x4380];
	_ =	sdelay $0x4  }
0xce: {  	[tilespmem:$0x1F230] =	vst v61;
	v61 =	vld [tilespmem:s10+$0x390];
	_ =	sdelay $0x4  }
0xcf: {  	[tilespmem:$0x1F240] =	vst v61;
	v61 =	vld [tilespmem:s10+$0x4390];
	_ =	sdelay $0x4  }
0xd0: {  	[tilespmem:$0x1F250] =	vst v61;
	v61 =	vld [tilespmem:s10+$0x3A0];
	_ =	sdelay $0x4  }
0xd1: {  	[tilespmem:$0x1F2A0] =	vst v61;
	v61 =	vld [tilespmem:s10+$0x43A0];
	_ =	sdelay $0x4  }
0xd2: {  	[tilespmem:$0x1F2B0] =	vst v61;
	v61 =	vld [tilespmem:s10+$0x3B0];
	_ =	sdelay $0x4  }
0xd3: {  	[tilespmem:$0x1F2E0] =	vst v61;
	v61 =	vld [tilespmem:s10+$0x43B0];
	_ =	sdelay $0x4  }
0xd4: {  	[tilespmem:$0x1F2F0] =	vst v61;
	v61 =	vld [tilespmem:s10+$0x3C0];
	_ =	sdelay $0x4  }
0xd5: {  	[tilespmem:$0x1F360] =	vst v61;
	v61 =	vld [tilespmem:s10+$0x43C0];
	_ =	sdelay $0x4  }
0xd6: {  	[tilespmem:$0x1F370] =	vst v61;
	v61 =	vld [tilespmem:s10+$0x3D0];
	_ =	sdelay $0x4  }
0xd7: {  	[tilespmem:$0x1F3C0] =	vst v61;
	v61 =	vld [tilespmem:s10+$0x43D0];
	_ =	sdelay $0x4  }
0xd8: {  	[tilespmem:$0x1F3D0] =	vst v61;
	v61 =	vld [tilespmem:s10+$0x3E0];
	_ =	sdelay $0x4  }
0xd9: {  	[tilespmem:$0x1F400] =	vst v61;
	v61 =	vld [tilespmem:s10+$0x43E0];
	_ =	sdelay $0x4  }
0xda: {  	[tilespmem:$0x1F410] =	vst v61;
	v61 =	vld [tilespmem:s10+$0x3F0];
	_ =	sdelay $0x4  }
0xdb: {  	[tilespmem:$0x1F480] =	vst v61;
	v61 =	vld [tilespmem:s10+$0x43F0];
	_ =	sdelay $0x4  }
0xdc: {  	[tilespmem:$0x1F490] =	vst v61;
	v61 =	vld [tilespmem:s10+$0x780];
	_ =	sdelay $0x4  }
0xdd: {  	[tilespmem:$0x1F4E0] =	vst v61;
	v61 =	vld [tilespmem:s10+$0x4780];
	_ =	sdelay $0x4  }
0xde: {  	[tilespmem:$0x1F4F0] =	vst v61;
	v61 =	vld [tilespmem:s10+$0x790];
	_ =	sdelay $0x4  }
0xdf: {  	[tilespmem:$0x1F540] =	vst v61;
	v61 =	vld [tilespmem:s10+$0x4790];
	_ =	sdelay $0x4  }
0xe0: {  	[tilespmem:$0x1F550] =	vst v61;
	v61 =	vld [tilespmem:s10+$0x7A0];
	_ =	sdelay $0x4  }
0xe1: {  	[tilespmem:$0x1F5C0] =	vst v61;
	v61 =	vld [tilespmem:s10+$0x47A0];
	_ =	sdelay $0x4  }
0xe2: {  	[tilespmem:$0x1F5D0] =	vst v61;
	v61 =	vld [tilespmem:s10+$0x7B0];
	_ =	sdelay $0x4  }
0xe3: {  	[tilespmem:$0x1F660] =	vst v61;
	v61 =	vld [tilespmem:s10+$0x47B0];
	_ =	sdelay $0x4  }
0xe4: {  	[tilespmem:$0x1F670] =	vst v61;
	v61 =	vld [tilespmem:s10+$0x7C0];
	_ =	sdelay $0x4  }
0xe5: {  	[tilespmem:$0x1F6E0] =	vst v61;
	v61 =	vld [tilespmem:s10+$0x47C0];
	_ =	sdelay $0x4  }
0xe6: {  	[tilespmem:$0x1F6F0] =	vst v61;
	v61 =	vld [tilespmem:s10+$0x7D0];
	_ =	sdelay $0x4  }
0xe7: {  	[tilespmem:$0x1F780] =	vst v61;
	v61 =	vld [tilespmem:s10+$0x47D0];
	_ =	sdelay $0x4  }
0xe8: {  	[tilespmem:$0x1F790] =	vst v61;
	v61 =	vld [tilespmem:s10+$0x7E0];
	_ =	sdelay $0x4  }
0xe9: {  	[tilespmem:$0x1F800] =	vst v61;
	v61 =	vld [tilespmem:s10+$0x47E0];
	_ =	sdelay $0x4  }
0xea: {  	[tilespmem:$0x1F810] =	vst v61;
	v61 =	vld [tilespmem:s10+$0x7F0];
	_ =	sdelay $0x4  }
0xeb: {  	[tilespmem:$0x1F820] =	vst v61;
	v61 =	vld [tilespmem:s10+$0x47F0];
	_ =	sdelay $0x4  }
0xec: {  	[tilespmem:$0x1F830] =	vst v61;
	v61 =	vld [tilespmem:s10+$0x800];
	_ =	sdelay $0x4  }
0xed: {  	[tilespmem:$0x1F420] =	vst v61;
	v61 =	vld [tilespmem:s10+$0x4800];
	_ =	sdelay $0x4  }
0xee: {  	[tilespmem:$0x1F430] =	vst v61;
	v61 =	vld [tilespmem:s10+$0x810];
	_ =	sdelay $0x4  }
0xef: {  	[tilespmem:$0x1F440] =	vst v61;
	v61 =	vld [tilespmem:s10+$0x4810];
	_ =	sdelay $0x4  }
0xf0: {  	[tilespmem:$0x1F450] =	vst v61;
	v61 =	vld [tilespmem:s10+$0x820];
	_ =	sdelay $0x4  }
0xf1: {  	[tilespmem:$0x1F4C0] =	vst v61;
	v61 =	vld [tilespmem:s10+$0x4820];
	_ =	sdelay $0x4  }
0xf2: {  	[tilespmem:$0x1F4D0] =	vst v61;
	v61 =	vld [tilespmem:s10+$0x830];
	_ =	sdelay $0x4  }
0xf3: {  	[tilespmem:$0x1F520] =	vst v61;
	v61 =	vld [tilespmem:s10+$0x4830];
	_ =	sdelay $0x4  }
0xf4: {  	[tilespmem:$0x1F530] =	vst v61;
	v61 =	vld [tilespmem:s10+$0x840];
	_ =	sdelay $0x4  }
0xf5: {  	[tilespmem:$0x1F560] =	vst v61;
	v61 =	vld [tilespmem:s10+$0x4840];
	_ =	sdelay $0x4  }
0xf6: {  	[tilespmem:$0x1F570] =	vst v61;
	v61 =	vld [tilespmem:s10+$0x850];
	_ =	sdelay $0x4  }
0xf7: {  	[tilespmem:$0x1F5E0] =	vst v61;
	v61 =	vld [tilespmem:s10+$0x4850];
	_ =	sdelay $0x4  }
0xf8: {  	[tilespmem:$0x1F5F0] =	vst v61;
	v61 =	vld [tilespmem:s10+$0x860];
	_ =	sdelay $0x4  }
0xf9: {  	[tilespmem:$0x1F640] =	vst v61;
	v61 =	vld [tilespmem:s10+$0x4860];
	_ =	sdelay $0x4  }
0xfa: {  	[tilespmem:$0x1F650] =	vst v61;
	v61 =	vld [tilespmem:s10+$0x870];
	_ =	sdelay $0x4  }
0xfb: {  	[tilespmem:$0x1F6A0] =	vst v61;
	v61 =	vld [tilespmem:s10+$0x4870];
	_ =	sdelay $0x4  }
0xfc: {  	[tilespmem:$0x1F6B0] =	vst v61;
	v61 =	vld [tilespmem:s10+$0xC00];
	_ =	sdelay $0x4  }
0xfd: {  	[tilespmem:$0x1F700] =	vst v61;
	v61 =	vld [tilespmem:s10+$0x4C00];
	_ =	sdelay $0x4  }
0xfe: {  	[tilespmem:$0x1F710] =	vst v61;
	v61 =	vld [tilespmem:s10+$0xC10];
	_ =	sdelay $0x4  }
0xff: {  	[tilespmem:$0x1F760] =	vst v61;
	v61 =	vld [tilespmem:s10+$0x4C10];
	_ =	sdelay $0x4  }
0x100: {  	[tilespmem:$0x1F770] =	vst v61;
	v61 =	vld [tilespmem:s10+$0xC20];
	_ =	sdelay $0x4  }
0x101: {  	[tilespmem:$0x1F7C0] =	vst v61;
	v61 =	vld [tilespmem:s10+$0x4C20];
	_ =	sdelay $0x4  }
0x102: {  	[tilespmem:$0x1F7D0] =	vst v61;
	v61 =	vld [tilespmem:s10+$0xC30];
	_ =	sdelay $0x4  }
0x103: {  	[tilespmem:$0x1F840] =	vst v61;
	v61 =	vld [tilespmem:s10+$0x4C30];
	_ =	sdelay $0x4  }
0x104: {  	[tilespmem:$0x1F850] =	vst v61;
	v61 =	vld [tilespmem:s10+$0xC40];
	_ =	sdelay $0x4  }
0x105: {  	[tilespmem:$0x1F8E0] =	vst v61;
	v61 =	vld [tilespmem:s10+$0x4C40];
	_ =	sdelay $0x4  }
0x106: {  	[tilespmem:$0x1F8F0] =	vst v61;
	v61 =	vld [tilespmem:s10+$0xC50];
	_ =	sdelay $0x4  }
0x107: {  	[tilespmem:$0x1F960] =	vst v61;
	v61 =	vld [tilespmem:s10+$0x4C50];
	_ =	sdelay $0x4  }
0x108: {  	[tilespmem:$0x1F970] =	vst v61;
	v61 =	vld [tilespmem:s10+$0xC60];
	_ =	sdelay $0x4  }
0x109: {  	[tilespmem:$0x1F980] =	vst v61;
	v61 =	vld [tilespmem:s10+$0x4C60];
	_ =	sdelay $0x4  }
0x10a: {  	[tilespmem:$0x1F990] =	vst v61;
	v61 =	vld [tilespmem:s10+$0xC70];
	_ =	sdelay $0x4  }
0x10b: {  	[tilespmem:$0x1FAD0] =	vst v61;
	v61 =	vld [tilespmem:s10+$0x4C70];
	_ =	sdelay $0x4  }
0x10c: {  	[tilespmem:$0x1FAE0] =	vst v61;
	v61 =	vld [tilespmem:s10+$0x880];
	_ =	sdelay $0x4  }
0x10d: {  	[tilespmem:$0x1F600] =	vst v61;
	v61 =	vld [tilespmem:s10+$0x4880];
	_ =	sdelay $0x4  }
0x10e: {  	[tilespmem:$0x1F610] =	vst v61;
	v61 =	vld [tilespmem:s10+$0x890];
	_ =	sdelay $0x4  }
0x10f: {  	[tilespmem:$0x1F620] =	vst v61;
	v61 =	vld [tilespmem:s10+$0x4890];
	_ =	sdelay $0x4  }
0x110: {  	[tilespmem:$0x1F630] =	vst v61;
	v61 =	vld [tilespmem:s10+$0x8A0];
	_ =	sdelay $0x4  }
0x111: {  	[tilespmem:$0x1F680] =	vst v61;
	v61 =	vld [tilespmem:s10+$0x48A0];
	_ =	sdelay $0x4  }
0x112: {  	[tilespmem:$0x1F690] =	vst v61;
	v61 =	vld [tilespmem:s10+$0x8B0];
	_ =	sdelay $0x4  }
0x113: {  	[tilespmem:$0x1F6C0] =	vst v61;
	v61 =	vld [tilespmem:s10+$0x48B0];
	_ =	sdelay $0x4  }
0x114: {  	[tilespmem:$0x1F6D0] =	vst v61;
	v61 =	vld [tilespmem:s10+$0x8C0];
	_ =	sdelay $0x4  }
0x115: {  	[tilespmem:$0x1F740] =	vst v61;
	v61 =	vld [tilespmem:s10+$0x48C0];
	_ =	sdelay $0x4  }
0x116: {  	[tilespmem:$0x1F750] =	vst v61;
	v61 =	vld [tilespmem:s10+$0x8D0];
	_ =	sdelay $0x4  }
0x117: {  	[tilespmem:$0x1F7A0] =	vst v61;
	v61 =	vld [tilespmem:s10+$0x48D0];
	_ =	sdelay $0x4  }
0x118: {  	[tilespmem:$0x1F7B0] =	vst v61;
	v61 =	vld [tilespmem:s10+$0x8E0];
	_ =	sdelay $0x4  }
0x119: {  	[tilespmem:$0x1F7E0] =	vst v61;
	v61 =	vld [tilespmem:s10+$0x48E0];
	_ =	sdelay $0x4  }
0x11a: {  	[tilespmem:$0x1F7F0] =	vst v61;
	v61 =	vld [tilespmem:s10+$0x8F0];
	_ =	sdelay $0x4  }
0x11b: {  	[tilespmem:$0x1F860] =	vst v61;
	v61 =	vld [tilespmem:s10+$0x48F0];
	_ =	sdelay $0x4  }
0x11c: {  	[tilespmem:$0x1F870] =	vst v61;
	v61 =	vld [tilespmem:s10+$0xC80];
	_ =	sdelay $0x4  }
0x11d: {  	[tilespmem:$0x1F8C0] =	vst v61;
	v61 =	vld [tilespmem:s10+$0x4C80];
	_ =	sdelay $0x4  }
0x11e: {  	[tilespmem:$0x1F8D0] =	vst v61;
	v61 =	vld [tilespmem:s10+$0xC90];
	_ =	sdelay $0x4  }
0x11f: {  	[tilespmem:$0x1F920] =	vst v61;
	v61 =	vld [tilespmem:s10+$0x4C90];
	_ =	sdelay $0x4  }
0x120: {  	[tilespmem:$0x1F930] =	vst v61;
	v61 =	vld [tilespmem:s10+$0xCA0];
	_ =	sdelay $0x4  }
0x121: {  	[tilespmem:$0x1F9A0] =	vst v61;
	v61 =	vld [tilespmem:s10+$0x4CA0];
	_ =	sdelay $0x4  }
0x122: {  	[tilespmem:$0x1F9B0] =	vst v61;
	v61 =	vld [tilespmem:s10+$0xCB0];
	_ =	sdelay $0x4  }
0x123: {  	[tilespmem:$0x1FA40] =	vst v61;
	v61 =	vld [tilespmem:s10+$0x4CB0];
	_ =	sdelay $0x4  }
0x124: {  	[tilespmem:$0x1FA50] =	vst v61;
	v61 =	vld [tilespmem:s10+$0x9B0];
	_ =	sdelay $0x4  }
0x125: {  	[tilespmem:$0x1FA80] =	vst v61;
	v61 =	vld [tilespmem:s10+$0xCC0];
	_ =	sdelay $0x4  }
0x126: {  	[tilespmem:$0x1FA90] =	vst v61;
	v61 =	vld [tilespmem:s10+$0x4CC0];
	_ =	sdelay $0x4  }
0x127: {  	[tilespmem:$0x1FAA0] =	vst v61;
	v61 =	vld [tilespmem:s10+$0xCD0];
	_ =	sdelay $0x4  }
0x128: {  	[tilespmem:$0x1FB30] =	vst v61;
	v61 =	vld [tilespmem:s10+$0xD40];
	_ =	sdelay $0x4  }
0x129: {  	[tilespmem:$0x1FC50] =	vst v61;
	v61 =	vld [tilespmem:s10+$0x4CD0];
	_ =	sdelay $0x4  }
0x12a: {  	[tilespmem:$0x1FB40] =	vst v61;
	v61 =	vld [tilespmem:s10+$0xCE0];
	_ =	sdelay $0x4  }
0x12b: {  	[tilespmem:$0x1FBA0] =	vst v61;
	v61 =	vld [tilespmem:s10+$0x4CE0];
	_ =	sdelay $0x4  }
0x12c: {  	[tilespmem:$0x1FBB0] =	vst v61;
	v61 =	vld [tilespmem:s10+$0xCF0];
	_ =	sdelay $0x4  }
0x12d: {  	[tilespmem:$0x1FC80] =	vst v61;
	v61 =	vld [tilespmem:s10+$0x4D50];
	_ =	sdelay $0x4  }
0x12e: {  	[tilespmem:$0x1FCD0] =	vst v61;
	v61 =	vld [tilespmem:s10+$0x4CF0];
	_ =	sdelay $0x4  }
0x12f: {  	[tilespmem:$0x1FC90] =	vst v61;
	v61 =	vld [tilespmem:s10+$0xD50];
	_ =	sdelay $0x4  }
0x130: {  	[tilespmem:$0x1FCE0] =	vst v61;
	v61 =	vld [tilespmem:s10+$0x900];
	_ =	sdelay $0x4  }
0x131: {  	[tilespmem:$0x1F880] =	vst v61;
	v61 =	vld [tilespmem:s10+$0x4900];
	_ =	sdelay $0x4  }
0x132: {  	[tilespmem:$0x1F890] =	vst v61;
	v61 =	vld [tilespmem:s10+$0x910];
	_ =	sdelay $0x4  }
0x133: {  	[tilespmem:$0x1F8A0] =	vst v61;
	v61 =	vld [tilespmem:s10+$0x4D90];
	_ =	sdelay $0x4  }
0x134: {  	[tilespmem:$0x1FC60] =	vst v61;
	v61 =	vld [tilespmem:s10+$0x4910];
	_ =	sdelay $0x4  }
0x135: {  	[tilespmem:$0x1F8B0] =	vst v61;
	v61 =	vld [tilespmem:s10+$0x920];
	_ =	sdelay $0x4  }
0x136: {  	[tilespmem:$0x1F900] =	vst v61;
	v61 =	vld [tilespmem:s10+$0x4920];
	_ =	sdelay $0x4  }
0x137: {  	[tilespmem:$0x1F910] =	vst v61;
	v61 =	vld [tilespmem:s10+$0x930];
	_ =	sdelay $0x4  }
0x138: {  	[tilespmem:$0x1F940] =	vst v61;
	v61 =	vld [tilespmem:s10+$0xD60];
	_ =	sdelay $0x4  }
0x139: {  	[tilespmem:$0x1FD20] =	vst v61;
	v61 =	vld [tilespmem:s10+$0x4930];
	_ =	sdelay $0x4  }
0x13a: {  	[tilespmem:$0x1F950] =	vst v61;
	v61 =	vld [tilespmem:s10+$0x940];
	_ =	sdelay $0x4  }
0x13b: {  	[tilespmem:$0x1F9C0] =	vst v61;
	v61 =	vld [tilespmem:s10+$0x4940];
	_ =	sdelay $0x4  }
0x13c: {  	[tilespmem:$0x1F9D0] =	vst v61;
	v61 =	vld [tilespmem:s10+$0x9F0];
	_ =	sdelay $0x4  }
0x13d: {  	[tilespmem:$0x1FBF0] =	vst v61;
	v61 =	vld [tilespmem:s10+$0x4D20];
	_ =	sdelay $0x4  }
0x13e: {  	[tilespmem:$0x1FBC0] =	vst v61;
	v61 =	vld [tilespmem:s10+$0x950];
	_ =	sdelay $0x4  }
0x13f: {  	[tilespmem:$0x1FA20] =	vst v61;
	v61 =	vld [tilespmem:s10+$0x9E0]  }
0x140: {  	v46 =	vld [tilespmem:s10+$0x4220]  }
0x141: {  	v58 =	vld [tilespmem:s10+$0x230]  }
0x142: {  	v56 =	vld [tilespmem:s10+$0x4230]  }
0x143: {  	v63 =	vld [tilespmem:s10+$0x240]  }
0x144: {  	[tilespmem:$0x1FB80] =	vst v61;
	v61 =	vld [tilespmem:s10+$0x4950]  }
0x145: {  	v16 =	vld [tilespmem:s10+$0x4240]  }
0x146: {  	v17 =	vld [tilespmem:s10+$0x250]  }
0x147: {  	v20 =	vld [tilespmem:s10+$0x4250]  }
0x148: {  	v35 =	vld [tilespmem:s10+$0x260]  }
0x149: {  	[tilespmem:$0x1FA30] =	vst v61;
	v61 =	vld [tilespmem:s10+$0x960]  }
0x14a: {  	v36 =	vld [tilespmem:s10+$0x4260]  }
0x14b: {  	v49 =	vld [tilespmem:s10+$0x270]  }
0x14c: {  	v50 =	vld [tilespmem:s10+$0x4270]  }
0x14d: {  	v60 =	vld [tilespmem:s10+$0x600]  }
0x14e: {  	[tilespmem:$0x1FA60] =	vst v61;
	v61 =	vld [tilespmem:s10+$0xD10]  }
0x14f: {  	v14 =	vld [tilespmem:s10+$0x4290]  }
0x150: {  	v21 =	vmul.f32 v21, v25;
	v19 =	vmul.f32 v19, v22;
	v25 =	vld [tilespmem:s10+$0xD20]  }
0x151: {  	v37 =	vmul.f32 v37, v41;
	v41 =	vld [tilespmem:s10+$0x4D70]  }
0x152: {  	v19 =	vadd.f32 v19, v21;
	v21 =	vld [tilespmem:s10+$0x49A0]  }
0x153: {  	[tilespmem:$0x1FB60] =	vst v61;
	v61 =	vld [tilespmem:s10+$0x4960]  }
0x154: {  	v22 =	vld [tilespmem:s10+$0x49B0]  }
0x155: {  	v15 =	vmul.f32 v15, v18;
	v18 =	vld [tilespmem:s10+$0x49C0]  }
0x156: {  	[tilespmem:$0x1EE40] =	vst v63;
	v63 =	vld [tilespmem:s10+$0x610]  }
0x157: {  	[tilespmem:$0x1EE50] =	vst v16;
	v16 =	vld [tilespmem:s10+$0x4610]  }
0x158: {  	[tilespmem:$0x1FA70] =	vst v61;
	v61 =	vld [tilespmem:s10+$0x49D0]  }
0x159: {  	[tilespmem:$0x1EE80] =	vst v17;
	v17 =	vld [tilespmem:s10+$0x620]  }
0x15a: {  	[tilespmem:$0x1EE90] =	vst v20;
	v20 =	vld [tilespmem:s10+$0x4620]  }
0x15b: {  	[tilespmem:$0x1EEC0] =	vst v35;
	v35 =	vld [tilespmem:s10+$0x630]  }
0x15c: {  	[tilespmem:$0x1EED0] =	vst v36;
	v36 =	vld [tilespmem:s10+$0x4630]  }
0x15d: {  	[tilespmem:$0x1FB50] =	vst v61;
	v61 =	vld [tilespmem:s10+$0x970]  }
0x15e: {  	[tilespmem:$0x1EF00] =	vst v49;
	v49 =	vld [tilespmem:s10+$0x640]  }
0x15f: {  	[tilespmem:$0x1EF10] =	vst v50;
	v50 =	vld [tilespmem:s10+$0x4640]  }
0x160: {  	[tilespmem:$0x1EF40] =	vst v60;
	v60 =	vld [tilespmem:s10+$0x650]  }
0x161: {  	[tilespmem:$0x1FBD0] =	vst v25;
	v25 =	vld [tilespmem:s10+$0xD30]  }
0x162: {  	[tilespmem:$0x1FAB0] =	vst v61;
	v61 =	vld [tilespmem:s10+$0x4970]  }
0x163: {  	[tilespmem:$0x1FE10] =	vst v41;
	v41 =	vld [tilespmem:s10+$0x4990]  }
0x164: {  	[tilespmem:$0x1FB00] =	vst v18;
	v18 =	vmul.f32 v5, v9;
	v9 =	vld [tilespmem:s10+$0xDD0]  }
0x165: {  	[tilespmem:$0x1EFA0] =	vst v63;
	v63 =	vld [tilespmem:s10+$0x660]  }
0x166: {  	[tilespmem:$0x1EFB0] =	vst v16;
	v16 =	vld [tilespmem:s10+$0x4660]  }
0x167: {  	[tilespmem:$0x1FAC0] =	vst v61;
	v61 =	vld [tilespmem:s10+$0xD00]  }
0x168: {  	[tilespmem:$0x1F000] =	vst v17;
	v17 =	vld [tilespmem:s10+$0x670]  }
0x169: {  	[tilespmem:$0x1F010] =	vst v20;
	v20 =	vld [tilespmem:s10+$0x4670]  }
0x16a: {  	[tilespmem:$0x1F090] =	vst v36;
	v36 =	vld [tilespmem:s10+$0x2A0]  }
0x16b: {  	[tilespmem:$0x1F080] =	vst v35;
	v35 =	vld [tilespmem:s10+$0x42A0]  }
0x16c: {  	[tilespmem:$0x1FB10] =	vst v61;
	v61 =	vld [tilespmem:s10+$0x4D00]  }
0x16d: {  	[tilespmem:$0x1F130] =	vst v50;
	v50 =	vld [tilespmem:s10+$0x2B0]  }
0x16e: {  	[tilespmem:$0x1F120] =	vst v49;
	v49 =	vld [tilespmem:s10+$0x42B0]  }
0x16f: {  	[tilespmem:$0x1F1A0] =	vst v60;
	v60 =	vld [tilespmem:s10+$0x42C0]  }
0x170: {  	[tilespmem:$0x1FA10] =	vst v41;
	v41 =	vld [tilespmem:$0x1EC30]  }
0x171: {  	[tilespmem:$0x1FB20] =	vst v61;
	v61 =	vld [tilespmem:s10+$0x4D10]  }
0x172: {  	[tilespmem:$0x1F350] =	vst v20;
	v20 =	vld [tilespmem:s10+$0x280]  }
0x173: {  	[tilespmem:$0x1F1D0] =	vst v16;
	v16 =	vld [tilespmem:s10+$0x4280]  }
0x174: {  	[tilespmem:$0x1F340] =	vst v17;
	v17 =	vld [tilespmem:s10+$0x290]  }
0x175: {  	[tilespmem:$0x1F1C0] =	vst v63;
	v63 =	vld [tilespmem:s10+$0x2C0]  }
0x176: {  	[tilespmem:$0x1FB70] =	vst v61;
	v61 =	vmul.f32 v26, v30;
	v30 =	vld [tilespmem:s10+$0x4D30]  }
0x177: {  	v26 =	vld [tilespmem:s10+$0x9A0]  }
0x178: {  	v19 =	vadd.f32 v61, v19;
	v61 =	vmul.f32 v34, v38;
	v38 =	vld [tilespmem:s10+$0xD70]  }
0x179: {  	v34 =	vld [tilespmem:s10+$0x4D40]  }
0x17a: {  	v19 =	vadd.f32 v61, v19;
	v61 =	vmul.f32 v39, v42;
	v39 =	vld [tilespmem:s10+$0x990]  }
0x17b: {  	[tilespmem:$0x1FBE0] =	vst v30;
	v30 =	vld [tilespmem:s10+$0x4D60]  }
0x17c: {  	v19 =	vadd.f32 v37, v19;
	v37 =	vld [tilespmem:s10+$0x4980]  }
0x17d: {  	[tilespmem:$0x1FE00] =	vst v38;
	v38 =	vmul.f32 v48, v59;
	v48 =	vmul.f32 v54, v57;
	v57 =	vld [tilespmem:$0x1EBF0]  }
0x17e: {  	v4 =	vmul.f32 v4, v7;
	v6 =	vmul.f32 v6, v8;
	v59 =	vld [tilespmem:$0x1EC00]  }
0x17f: {  	v54 =	vmul.f32 v10, v11;
	v11 =	vmul.f32 v51, v52;
	v51 =	vld [tilespmem:s10+$0xDC0]  }
0x180: {  	v52 =	vld [tilespmem:$0x1ECC0]  }
0x181: {  	v4 =	vadd.f32 v4, v6;
	v19 =	vadd.f32 v61, v19;
	v61 =	vld [tilespmem:s10+$0x9C0]  }
0x182: {  	[tilespmem:$0x1FA00] =	vst v39;
	v39 =	vld [tilespmem:s10+$0x49E0]  }
0x183: {  	v4 =	vadd.f32 v54, v4;
	v54 =	vmul.f32 v40, v43;
	v40 =	vld [tilespmem:s10+$0xDB0]  }
0x184: {  	v43 =	vld [tilespmem:s10+$0x4DB0]  }
0x185: {  	[tilespmem:$0x1FD30] =	vst v30;
	v30 =	vld [tilespmem:s10+$0x980]  }
0x186: {  	v42 =	vadd.f32 v38, v19;
	v19 =	vld [tilespmem:$0x1EC10]  }
0x187: {  	v38 =	vld [tilespmem:s10+$0x9D0]  }
0x188: {  	v4 =	vadd.f32 v15, v4;
	v15 =	vld [tilespmem:s10+$0xD90]  }
0x189: {  	[tilespmem:$0x1F9F0] =	vst v37;
	v37 =	vmul.f32 v27, v31;
	v27 =	vld [tilespmem:$0x1EC70]  }
0x18a: {  	v31 =	vld [tilespmem:$0x1EC80]  }
0x18b: {  	v7 =	vadd.f32 v48, v42;
	v42 =	vld [tilespmem:$0x1EC40]  }
0x18c: {  	v48 =	vld [tilespmem:s10+$0x49F0]  }
0x18d: {  	v8 =	vmul.f32 v59, v57;
	v57 =	vld [tilespmem:s10+$0xD80]  }
0x18e: {  	[tilespmem:$0x1F9E0] =	vst v30;
	v30 =	vld [tilespmem:$0x1EC20]  }
0x18f: {  	v59 =	vld [tilespmem:s10+$0x4D80]  }
0x190: {  	[tilespmem:$0x1FAF0] =	vst v61;
	v61 =	vld [tilespmem:$0x1EC50]  }
0x191: {  	v4 =	vadd.f32 v37, v4;
	v37 =	vld [tilespmem:$0x1EC90]  }
0x192: {  	[tilespmem:$0x1FB90] =	vst v39;
	v39 =	vmul.f32 v12, v13;
	v12 =	vld [tilespmem:s10+$0x4DD0]  }
0x193: {  	v7 =	vadd.f32 v8, v7;
	v13 =	vld [tilespmem:$0x1ED20];
	v8 =	vmul.f32 v30, v19  }
0x194: {  	v10 =	vadd.f32 v54, v4;
	v54 =	vld [tilespmem:$0x1ECD0]  }
0x195: {  	[tilespmem:$0x1FC70] =	vst v15;
	v15 =	vld [tilespmem:$0x1ED30];
	v7 =	vadd.f32 v8, v7;
	v8 =	vmul.f32 v42, v41  }
0x196: {  	[tilespmem:$0x1FD60] =	vst v9;
	v19 =	vld [tilespmem:s10+$0xDA0]  }
0x197: {  	[tilespmem:$0x1FD40] =	vst v51;
	v7 =	vadd.f32 v8, v7;
	v8 =	vld [tilespmem:$0x1EC60]  }
0x198: {  	[tilespmem:$0x1FC30] =	vst v57;
	v57 =	vld [tilespmem:$0x1ECE0]  }
0x199: {  	[tilespmem:$0x1FC40] =	vst v59;
	v59 =	vld [tilespmem:$0x1ECF0]  }
0x19a: {  	[tilespmem:$0x1FCF0] =	vst v40;
	v30 =	vld [tilespmem:s10+$0x4DA0]  }
0x19b: {  	[tilespmem:$0x1FCB0] =	vst v19;
	v19 =	vld [tilespmem:s10+$0xDE0]  }
0x19c: {  	v0 =	vmul.f32 v0, v1;
	[tilespmem:$0x1FD00] =	vst v43;
	v1 =	vmul.f32 v8, v61;
	v61 =	vld [tilespmem:s10+$0x4DC0]  }
0x19d: {  	v2 =	vmul.f32 v2, v3;
	[tilespmem:$0x1FC00] =	vst v48;
	v3 =	vadd.f32 v11, v10;
	v10 =	vld [tilespmem:$0x1ED00]  }
0x19e: {  	v11 =	vld [tilespmem:$0x1ED10];
	[tilespmem:$0x1FD70] =	vst v12  }
0x19f: {  	v48 =	vmul.f32 v23, v32;
	v23 =	vld [tilespmem:$0x1ED40];
	[tilespmem:$0x1FCC0] =	vst v30  }
0x1a0: {  	v41 =	vld [tilespmem:$0x1ECA0];
	[tilespmem:$0x1FDC0] =	vst v19  }
0x1a1: {  	v42 =	vld [tilespmem:$0x1ECB0];
	[tilespmem:$0x1FD50] =	vst v61  }
0x1a2: {  	v6 =	vld [tilespmem:$0x1ED50]  }
0x1a3: {  	v0 =	vadd.f32 v0, v2;
	v4 =	vmul.f32 v62, v27;
	v27 =	vld [tilespmem:s10+$0x4DE0]  }
0x1a4: {  	v30 =	vld [tilespmem:$0x1ED60]  }
0x1a5: {  	v0 =	vadd.f32 v18, v0;
	v5 =	vmul.f32 v37, v31;
	v31 =	vld [tilespmem:$0x1ED70]  }
0x1a6: {  	v32 =	vld [tilespmem:s10+$0xDF0]  }
0x1a7: {  	v0 =	vadd.f32 v39, v0;
	v39 =	vld [tilespmem:s10+$0x4DF0]  }
0x1a8: {  	v40 =	vld [tilespmem:$0x1ED80]  }
0x1a9: {  	v3 =	vadd.f32 v4, v3;
	v4 =	vmul.f32 v42, v41;
	v41 =	vld [tilespmem:$0x1ED90]  }
0x1aa: {  	v42 =	vld [tilespmem:$0x1EDA0]  }
0x1ab: {  	v43 =	vld [tilespmem:$0x1EDB0]  }
0x1ac: {  	v62 =	vmul.f32 v44, v45;
	v44 =	vld [tilespmem:s10+$0xA00]  }
0x1ad: {  	v1 =	vadd.f32 v1, v7;
	v45 =	vld [tilespmem:$0x1EDC0]  }
0x1ae: {  	v0 =	vadd.f32 v48, v0;
	v48 =	vld [tilespmem:$0x1EDD0]  }
0x1af: {  	v1 =	vadd.f32 v5, v1;
	v5 =	vmul.f32 v54, v52;
	v52 =	vld [tilespmem:s10+$0x4A00]  }
0x1b0: {  	v18 =	vmul.f32 v53, v55;
	v0 =	vadd.f32 v62, v0;
	v53 =	vld [tilespmem:$0x1EDE0]  }
0x1b1: {  	v54 =	vld [tilespmem:$0x1EDF0]  }
0x1b2: {  	v0 =	vadd.f32 v18, v0;
	v18 =	vld [tilespmem:s10+$0xA10]  }
0x1b3: {  	v55 =	vld [tilespmem:$0x1EE00]  }
0x1b4: {  	v3 =	vadd.f32 v4, v3;
	v4 =	vmul.f32 v59, v57;
	v57 =	vld [tilespmem:$0x1EE10]  }
0x1b5: {  	v37 =	vmul.f32 v24, v29;
	v29 =	vld [tilespmem:s10+$0x4A10]  }
0x1b6: {  	v59 =	vld [tilespmem:$0x1EE20]  }
0x1b7: {  	v61 =	vld [tilespmem:$0x1EE30]  }
0x1b8: {  	v8 =	vld [tilespmem:s10+$0xA20]  }
0x1b9: {  	v3 =	vadd.f32 v4, v3;
	v4 =	vmul.f32 v11, v10;
	v11 =	vld [tilespmem:$0x1EE40]  }
0x1ba: {  	v12 =	vld [tilespmem:$0x1EE50]  }
0x1bb: {  	v1 =	vadd.f32 v5, v1;
	v5 =	vmul.f32 v15, v13;
	v13 =	vmul.f32 v16, v20;
	v16 =	vld [tilespmem:s10+$0xA30]  }
0x1bc: {  	v15 =	vmul.f32 v14, v17;
	v17 =	vld [tilespmem:$0x1EE60]  }
0x1bd: {  	v19 =	vld [tilespmem:$0x1EE70]  }
0x1be: {  	v20 =	vld [tilespmem:$0x1EE80]  }
0x1bf: {  	v24 =	vld [tilespmem:$0x1EEA0]  }
0x1c0: {  	v33 =	vmul.f32 v28, v33;
	v28 =	vmul.f32 v35, v36;
	v36 =	vld [tilespmem:s10+$0xA40]  }
0x1c1: {  	v51 =	vmul.f32 v46, v47;
	v46 =	vld [tilespmem:$0x1EF10]  }
0x1c2: {  	v58 =	vmul.f32 v56, v58;
	v56 =	vld [tilespmem:$0x1EF80]  }
0x1c3: {  	v47 =	vmul.f32 v60, v63;
	v60 =	vld [tilespmem:$0x1EFB0]  }
0x1c4: {  	v63 =	vld [tilespmem:$0x1EFD0]  }
0x1c5: {  	v14 =	vld [tilespmem:s10+$0xE00]  }
0x1c6: {  	v35 =	vld [tilespmem:$0x1F060]  }
0x1c7: {  	v9 =	vld [tilespmem:s10+$0x4E40]  }
0x1c8: {  	v2 =	vmul.f32 v31, v30;
	v30 =	vld [tilespmem:s10+$0x4A20]  }
0x1c9: {  	v3 =	vadd.f32 v4, v3;
	v4 =	vmul.f32 v6, v23;
	v23 =	vld [tilespmem:$0x1EE90]  }
0x1ca: {  	v31 =	vld [tilespmem:s10+$0x4A30]  }
0x1cb: {  	[tilespmem:$0x1FDD0] =	vst v27;
	v27 =	vld [tilespmem:$0x1EEB0]  }
0x1cc: {  	[tilespmem:$0x1FE50] =	vst v39;
	v39 =	vld [tilespmem:$0x1EEC0]  }
0x1cd: {  	v6 =	vmul.f32 v41, v40;
	v40 =	vld [tilespmem:$0x1EED0]  }
0x1ce: {  	[tilespmem:$0x1FE40] =	vst v32;
	v32 =	vld [tilespmem:s10+$0x4A40]  }
0x1cf: {  	v41 =	vld [tilespmem:$0x1EEE0]  }
0x1d0: {  	[tilespmem:$0x1FC10] =	vst v44;
	v44 =	vld [tilespmem:s10+$0xA50]  }
0x1d1: {  	v7 =	vmul.f32 v48, v45;
	v45 =	vld [tilespmem:$0x1EF00]  }
0x1d2: {  	v48 =	vld [tilespmem:s10+$0xA60]  }
0x1d3: {  	[tilespmem:$0x1FC20] =	vst v52;
	v52 =	vld [tilespmem:$0x1EF50]  }
0x1d4: {  	[tilespmem:$0x1FCA0] =	vst v16;
	v16 =	vld [tilespmem:$0x1F000]  }
0x1d5: {  	[tilespmem:$0x1FDE0] =	vst v14;
	v14 =	vld [tilespmem:s10+$0xE50]  }
0x1d6: {  	[tilespmem:$0x1FEB0] =	vst v9;
	v9 =	vld [tilespmem:$0x1F540]  }
0x1d7: {  	v18 =	vmul.f32 v29, v18;
	v29 =	vld [tilespmem:$0x1FC50]  }
0x1d8: {  	v0 =	vadd.f32 v2, v0;
	v2 =	vmul.f32 v43, v42;
	v42 =	vld [tilespmem:$0x1EEF0]  }
0x1d9: {  	v3 =	vadd.f32 v4, v3;
	v4 =	vadd.f32 v37, v33;
	v33 =	vld [tilespmem:s10+$0x4A50]  }
0x1da: {  	v43 =	vmul.f32 v49, v50;
	v49 =	vld [tilespmem:$0x1EF20]  }
0x1db: {  	v50 =	vld [tilespmem:$0x1EF30]  }
0x1dc: {  	v37 =	vld [tilespmem:$0x1F070]  }
0x1dd: {  	v4 =	vadd.f32 v51, v4;
	v51 =	vld [tilespmem:$0x1EF40]  }
0x1de: {  	v1 =	vadd.f32 v5, v1;
	v0 =	vadd.f32 v2, v0;
	v2 =	vmul.f32 v54, v53;
	v53 =	vld [tilespmem:s10+$0x4A60]  }
0x1df: {  	v54 =	vld [tilespmem:$0x1EF60]  }
0x1e0: {  	v1 =	vadd.f32 v7, v1;
	v3 =	vadd.f32 v6, v3;
	v6 =	vmul.f32 v57, v55;
	v55 =	vld [tilespmem:$0x1EF70]  }
0x1e1: {  	v57 =	vld [tilespmem:$0x1EF90]  }
0x1e2: {  	[tilespmem:$0x1FEE0] =	vst v1;
	v1 =	vmul.f32 v61, v59;
	v59 =	vld [tilespmem:$0x1EFA0]  }
0x1e3: {  	v61 =	vld [tilespmem:s10+$0x4A70]  }
0x1e4: {  	v7 =	vmul.f32 v27, v24;
	v24 =	vld [tilespmem:s10+$0xE10]  }
0x1e5: {  	v27 =	vld [tilespmem:$0x1F040]  }
0x1e6: {  	[tilespmem:$0x1FD10] =	vst v44;
	v44 =	vld [tilespmem:s10+$0xE20]  }
0x1e7: {  	[tilespmem:$0x1FD80] =	vst v48;
	v48 =	vld [tilespmem:$0x1F0F0]  }
0x1e8: {  	[tilespmem:$0x1FEC0] =	vst v14;
	v14 =	vld [tilespmem:$0x1F3A0]  }
0x1e9: {  	v10 =	vadd.f32 v58, v4;
	v58 =	vld [tilespmem:s10+$0xA70]  }
0x1ea: {  	v4 =	vmul.f32 v12, v11;
	v12 =	vld [tilespmem:$0x1EFE0]  }
0x1eb: {  	v62 =	vadd.f32 v6, v3;
	v6 =	vmul.f32 v19, v17;
	v17 =	vld [tilespmem:$0x1F010]  }
0x1ec: {  	v19 =	vld [tilespmem:s10+$0x4E00]  }
0x1ed: {  	v0 =	vadd.f32 v2, v0;
	v11 =	vld [tilespmem:$0x1F1B0]  }
0x1ee: {  	v2 =	vadd.f32 v7, v62;
	v62 =	vld [tilespmem:$0x1EFC0]  }
0x1ef: {  	v0 =	vadd.f32 v1, v0;
	v1 =	vadd.f32 v15, v13;
	v13 =	vld [tilespmem:$0x1EFF0]  }
0x1f0: {  	v3 =	vadd.f32 v4, v10;
	v4 =	vmul.f32 v23, v20;
	v20 =	vld [tilespmem:$0x1F020]  }
0x1f1: {  	v23 =	vld [tilespmem:$0x1F030]  }
0x1f2: {  	v10 =	vld [tilespmem:$0x1F1A0]  }
0x1f3: {  	[tilespmem:$0x1FD90] =	vst v53;
	v53 =	vld [tilespmem:$0x1F120]  }
0x1f4: {  	v7 =	vmul.f32 v55, v54;
	v54 =	vld [tilespmem:$0x1F130]  }
0x1f5: {  	v55 =	vld [tilespmem:$0x1F140]  }
0x1f6: {  	v5 =	vmul.f32 v57, v56;
	v56 =	vld [tilespmem:$0x1F150]  }
0x1f7: {  	v57 =	vld [tilespmem:s10+$0x4E30]  }
0x1f8: {  	[tilespmem:$0x1FDB0] =	vst v61;
	v61 =	vld [tilespmem:s10+$0xE40]  }
0x1f9: {  	v1 =	vadd.f32 v28, v1;
	v28 =	vld [tilespmem:$0x1F050]  }
0x1fa: {  	v3 =	vadd.f32 v4, v3;
	v4 =	vmul.f32 v40, v39;
	v39 =	vld [tilespmem:s10+$0x4E10]  }
0x1fb: {  	v40 =	vld [tilespmem:$0x1F080]  }
0x1fc: {  	v0 =	vadd.f32 v6, v0;
	v6 =	vmul.f32 v42, v41;
	v41 =	vld [tilespmem:$0x1F090]  }
0x1fd: {  	v42 =	vld [tilespmem:$0x1F0A0]  }
0x1fe: {  	[tilespmem:$0x1FE20] =	vst v24;
	v24 =	vld [tilespmem:$0x1F230]  }
0x1ff: {  	[tilespmem:$0x1FE60] =	vst v44;
	v44 =	vld [tilespmem:$0x1F2A0]  }
0x200: {  	[tilespmem:$0x1FDF0] =	vst v19;
	v19 =	vld [tilespmem:$0x1F210]  }
0x201: {  	v1 =	vadd.f32 v43, v1;
	v43 =	vld [tilespmem:$0x1F0B0]  }
0x202: {  	v3 =	vadd.f32 v4, v3;
	v4 =	vmul.f32 v46, v45;
	v45 =	vld [tilespmem:$0x1F0C0]  }
0x203: {  	v46 =	vld [tilespmem:$0x1F0D0]  }
0x204: {  	v0 =	vadd.f32 v6, v0;
	v6 =	vmul.f32 v50, v49;
	v49 =	vld [tilespmem:s10+$0x4E20]  }
0x205: {  	v50 =	vld [tilespmem:$0x1F100]  }
0x206: {  	v1 =	vadd.f32 v47, v1;
	v47 =	vld [tilespmem:$0x1F0E0]  }
0x207: {  	v3 =	vadd.f32 v4, v3;
	v4 =	vmul.f32 v52, v51;
	v51 =	vld [tilespmem:$0x1F110]  }
0x208: {  	v52 =	vld [tilespmem:s10+$0xE30]  }
0x209: {  	v0 =	vadd.f32 v6, v0;
	v6 =	vmul.f32 v63, v62;
	v62 =	vld [tilespmem:$0x1F180]  }
0x20a: {  	v63 =	vld [tilespmem:$0x1F190]  }
0x20b: {  	[tilespmem:$0x1FE90] =	vst v57;
	v57 =	vld [tilespmem:$0x1F310]  }
0x20c: {  	[tilespmem:$0x1FEA0] =	vst v61;
	v61 =	vld [tilespmem:$0x1F350]  }
0x20d: {  	[tilespmem:$0x1FE30] =	vst v39;
	v39 =	vld [tilespmem:$0x1F260]  }
0x20e: {  	v3 =	vadd.f32 v4, v3;
	v4 =	vmul.f32 v60, v59;
	v59 =	vld [tilespmem:$0x1F160]  }
0x20f: {  	v60 =	vld [tilespmem:$0x1F170]  }
0x210: {  	v1 =	vadd.f32 v5, v1;
	v5 =	vmul.f32 v13, v12;
	v12 =	vld [tilespmem:$0x1F1C0]  }
0x211: {  	v13 =	vld [tilespmem:$0x1F1D0]  }
0x212: {  	v0 =	vadd.f32 v6, v0;
	v6 =	vmul.f32 v41, v40;
	v40 =	vld [tilespmem:$0x1F270]  }
0x213: {  	v41 =	vld [tilespmem:s10+$0x4E60]  }
0x214: {  	v2 =	vadd.f32 v7, v2;
	v7 =	vmul.f32 v46, v45;
	v45 =	vld [tilespmem:$0x1F2B0]  }
0x215: {  	v46 =	vld [tilespmem:s10+$0xE70]  }
0x216: {  	[tilespmem:$0x1FE70] =	vst v49;
	v49 =	vld [tilespmem:s10+$0x4E70]  }
0x217: {  	v15 =	vadd.f32 v4, v3;
	v3 =	vmul.f32 v17, v16;
	v16 =	vld [tilespmem:$0x1F1F0]  }
0x218: {  	v17 =	vld [tilespmem:$0x1F200]  }
0x219: {  	v4 =	vmul.f32 v23, v20;
	v20 =	vld [tilespmem:s10+$0x4E50]  }
0x21a: {  	v23 =	vld [tilespmem:$0x1F220]  }
0x21b: {  	v1 =	vadd.f32 v5, v1;
	v5 =	vmul.f32 v37, v35;
	v35 =	vld [tilespmem:s10+$0xE60]  }
0x21c: {  	[tilespmem:$0x1FE80] =	vst v52;
	v52 =	vld [tilespmem:s10+$0xA80]  }
0x21d: {  	[tilespmem:$0x1FF10] =	vst v2;
	v2 =	vadd.f32 v3, v15;
	v15 =	vld [tilespmem:$0x1F1E0]  }
0x21e: {  	v3 =	vmul.f32 v28, v27;
	v27 =	vld [tilespmem:$0x1F240]  }
0x21f: {  	v28 =	vld [tilespmem:$0x1F250]  }
0x220: {  	v1 =	vadd.f32 v4, v1;
	v4 =	vmul.f32 v43, v42;
	v42 =	vld [tilespmem:$0x1F280]  }
0x221: {  	v43 =	vld [tilespmem:$0x1F290]  }
0x222: {  	[tilespmem:$0x1FF00] =	vst v41;
	v41 =	vld [tilespmem:$0x1F450]  }
0x223: {  	v3 =	vadd.f32 v5, v3;
	v5 =	vmul.f32 v48, v47;
	v47 =	vld [tilespmem:$0x1F2C0]  }
0x224: {  	v48 =	vld [tilespmem:$0x1F2D0]  }
0x225: {  	v2 =	vadd.f32 v6, v2;
	v6 =	vmul.f32 v54, v53;
	v54 =	vld [tilespmem:$0x1F2E0]  }
0x226: {  	[tilespmem:$0x1FFA0] =	vst v46;
	v46 =	vld [tilespmem:$0x1F4A0]  }
0x227: {  	[tilespmem:$0x1FFB0] =	vst v49;
	v49 =	vld [tilespmem:$0x1F4D0]  }
0x228: {  	v1 =	vadd.f32 v4, v1;
	v4 =	vmul.f32 v51, v50;
	v51 =	vld [tilespmem:$0x1F4F0]  }
0x229: {  	v53 =	vld [tilespmem:$0x1F500]  }
0x22a: {  	[tilespmem:$0x1FED0] =	vst v20;
	v20 =	vld [tilespmem:$0x1F3F0]  }
0x22b: {  	[tilespmem:$0x1FEF0] =	vst v35;
	v35 =	vld [tilespmem:$0x1F430]  }
0x22c: {  	v3 =	vadd.f32 v5, v3;
	v5 =	vmul.f32 v56, v55;
	v55 =	vld [tilespmem:$0x1F2F0]  }
0x22d: {  	v56 =	vld [tilespmem:$0x1F300]  }
0x22e: {  	[tilespmem:$0x1FDA0] =	vst v58;
	v58 =	vadd.f32 v4, v1;
	v1 =	vmul.f32 v60, v59;
	v59 =	vld [tilespmem:$0x1F330]  }
0x22f: {  	v60 =	vld [tilespmem:$0x1F340]  }
0x230: {  	v4 =	vmul.f32 v63, v62;
	v62 =	vld [tilespmem:$0x1F360]  }
0x231: {  	v63 =	vld [tilespmem:$0x1F370]  }
0x232: {  	v2 =	vadd.f32 v6, v2;
	v6 =	vmul.f32 v13, v12;
	v12 =	vld [tilespmem:$0x1F380]  }
0x233: {  	v13 =	vld [tilespmem:$0x1F390]  }
0x234: {  	v0 =	vadd.f32 v7, v0;
	v7 =	vmul.f32 v28, v27;
	v27 =	vld [tilespmem:$0x1F410]  }
0x235: {  	v28 =	vld [tilespmem:$0x1F420]  }
0x236: {  	[tilespmem:$0x1FF20] =	vst v0;
	v0 =	vadd.f32 v1, v58;
	v58 =	vld [tilespmem:$0x1F320]  }
0x237: {  	v1 =	vmul.f32 v16, v15;
	v15 =	vld [tilespmem:$0x1F3B0]  }
0x238: {  	v16 =	vld [tilespmem:$0x1F3C0]  }
0x239: {  	v3 =	vadd.f32 v5, v3;
	v5 =	vmul.f32 v11, v10;
	v10 =	vld [tilespmem:$0x1F550]  }
0x23a: {  	v11 =	vld [tilespmem:$0x1F560]  }
0x23b: {  	v3 =	vadd.f32 v4, v3;
	v4 =	vmul.f32 v19, v17;
	v17 =	vld [tilespmem:$0x1F3D0]  }
0x23c: {  	v19 =	vld [tilespmem:$0x1F3E0]  }
0x23d: {  	v2 =	vadd.f32 v5, v2;
	v5 =	vmul.f32 v24, v23;
	v24 =	vld [tilespmem:$0x1F400]  }
0x23e: {  	v37 =	vadd.f32 v4, v3;
	v3 =	vmul.f32 v40, v39;
	v40 =	vld [tilespmem:$0x1F440]  }
0x23f: {  	v4 =	vmul.f32 v43, v42;
	v42 =	vld [tilespmem:$0x1F460]  }
0x240: {  	v43 =	vld [tilespmem:$0x1F470]  }
0x241: {  	v5 =	vadd.f32 v7, v5;
	v7 =	vmul.f32 v45, v44;
	v44 =	vld [tilespmem:$0x1F480]  }
0x242: {  	v45 =	vld [tilespmem:$0x1F490]  }
0x243: {  	v2 =	vadd.f32 v6, v2;
	v6 =	vmul.f32 v57, v56;
	v56 =	vld [tilespmem:$0x1F520]  }
0x244: {  	v57 =	vld [tilespmem:$0x1F530]  }
0x245: {  	v0 =	vadd.f32 v1, v0;
	v1 =	vadd.f32 v3, v37;
	v3 =	vmul.f32 v48, v47;
	v47 =	vld [tilespmem:$0x1F4B0]  }
0x246: {  	v50 =	vadd.f32 v7, v5;
	v5 =	vmul.f32 v55, v54;
	v48 =	vld [tilespmem:$0x1F4C0]  }
0x247: {  	v0 =	vadd.f32 v4, v0;
	v54 =	vld [tilespmem:$0x1F510]  }
0x248: {  	v1 =	vadd.f32 v3, v1;
	v4 =	vadd.f32 v5, v50;
	v50 =	vld [tilespmem:$0x1F4E0]  }
0x249: {  	v3 =	vmul.f32 v59, v58;
	v0 =	vadd.f32 v6, v0;
	v6 =	vmul.f32 v15, v14;
	v14 =	vld [tilespmem:$0x1F590]  }
0x24a: {  	v7 =	vmul.f32 v61, v60;
	v15 =	vld [tilespmem:$0x1F5A0]  }
0x24b: {  	v5 =	vmul.f32 v63, v62;
	v1 =	vadd.f32 v3, v1;
	v3 =	vmul.f32 v13, v12;
	v12 =	vld [tilespmem:$0x1F570]  }
0x24c: {  	v13 =	vld [tilespmem:$0x1F580]  }
0x24d: {  	v2 =	vadd.f32 v7, v2;
	v4 =	vadd.f32 v5, v4;
	v5 =	vmul.f32 v17, v16;
	v16 =	vld [tilespmem:$0x1F5B0]  }
0x24e: {  	v17 =	vld [tilespmem:$0x1F5C0]  }
0x24f: {  	[tilespmem:$0x1FF40] =	vst v2;
	v2 =	vmul.f32 v20, v19;
	v19 =	vld [tilespmem:$0x1F5D0]  }
0x250: {  	v20 =	vld [tilespmem:$0x1F5E0]  }
0x251: {  	v7 =	vmul.f32 v47, v46;
	v47 =	vld [tilespmem:$0x1F640]  }
0x252: {  	v23 =	vadd.f32 v5, v4;
	v4 =	vmul.f32 v27, v24;
	v24 =	vld [tilespmem:$0x1F600]  }
0x253: {  	v1 =	vadd.f32 v3, v1;
	v27 =	vld [tilespmem:$0x1F610]  }
0x254: {  	v3 =	vadd.f32 v4, v23;
	v23 =	vld [tilespmem:$0x1F5F0]  }
0x255: {  	v5 =	vmul.f32 v41, v40;
	v1 =	vadd.f32 v2, v1;
	v2 =	vmul.f32 v35, v28;
	v35 =	vld [tilespmem:$0x1F620]  }
0x256: {  	v4 =	vmul.f32 v45, v44;
	v45 =	vld [tilespmem:$0x1F630]  }
0x257: {  	v2 =	vadd.f32 v5, v2;
	v5 =	vmul.f32 v49, v48;
	v48 =	vld [tilespmem:$0x1F650]  }
0x258: {  	v0 =	vadd.f32 v6, v0;
	v49 =	vld [tilespmem:$0x1F660]  }
0x259: {  	v6 =	vmul.f32 v43, v42;
	v3 =	vadd.f32 v4, v3;
	v4 =	vmul.f32 v51, v50;
	v50 =	vld [tilespmem:$0x1F670]  }
0x25a: {  	v51 =	vld [tilespmem:$0x1F680]  }
0x25b: {  	v1 =	vadd.f32 v6, v1;
	v6 =	vmul.f32 v54, v53;
	v53 =	vld [tilespmem:$0x1F690]  }
0x25c: {  	v54 =	vld [tilespmem:$0x1F6A0]  }
0x25d: {  	v2 =	vadd.f32 v5, v2;
	v5 =	vmul.f32 v57, v56;
	v57 =	vld [tilespmem:$0x1F6B0]  }
0x25e: {  	v59 =	vadd.f32 v4, v3;
	v4 =	vmul.f32 v12, v11;
	v11 =	vld [tilespmem:$0x1F6C0]  }
0x25f: {  	v12 =	vld [tilespmem:$0x1F6D0]  }
0x260: {  	v1 =	vadd.f32 v6, v1;
	v6 =	vmul.f32 v16, v15;
	v15 =	vld [tilespmem:$0x1F700]  }
0x261: {  	v16 =	vld [tilespmem:$0x1F710]  }
0x262: {  	v3 =	vmul.f32 v10, v9;
	v10 =	vld [tilespmem:$0x1F7C0]  }
0x263: {  	v0 =	vadd.f32 v7, v0;
	v7 =	vmul.f32 v45, v35;
	v35 =	vld [tilespmem:$0x1F780]  }
0x264: {  	v2 =	vadd.f32 v5, v2;
	v5 =	vmul.f32 v14, v13;
	v13 =	vld [tilespmem:$0x1F6E0]  }
0x265: {  	v14 =	vld [tilespmem:$0x1F6F0]  }
0x266: {  	[tilespmem:$0x1FF50] =	vst v0;
	v0 =	vadd.f32 v3, v59;
	v3 =	vmul.f32 v19, v17;
	v17 =	vld [tilespmem:$0x1F720]  }
0x267: {  	v19 =	vld [tilespmem:$0x1F730]  }
0x268: {  	v2 =	vadd.f32 v4, v2;
	v4 =	vmul.f32 v23, v20;
	v20 =	vld [tilespmem:$0x1F740]  }
0x269: {  	v23 =	vld [tilespmem:$0x1F750]  }
0x26a: {  	v1 =	vadd.f32 v5, v1;
	v5 =	vmul.f32 v27, v24;
	v24 =	vld [tilespmem:$0x1F760]  }
0x26b: {  	v27 =	vld [tilespmem:$0x1F770]  }
0x26c: {  	v0 =	vadd.f32 v3, v0;
	v3 =	vmul.f32 v48, v47;
	v47 =	vld [tilespmem:$0x1F790]  }
0x26d: {  	v2 =	vadd.f32 v4, v2;
	v4 =	vmul.f32 v50, v49;
	v5 =	vadd.f32 v7, v5;
	v49 =	vld [tilespmem:$0x1F7A0]  }
0x26e: {  	v7 =	vmul.f32 v53, v51;
	v1 =	vadd.f32 v6, v1;
	v6 =	vmul.f32 v14, v13;
	v13 =	vld [tilespmem:$0x1F7E0]  }
0x26f: {  	v14 =	vld [tilespmem:$0x1F7F0]  }
0x270: {  	v59 =	vadd.f32 v7, v5;
	v5 =	vmul.f32 v12, v11;
	v11 =	vld [tilespmem:$0x1F7D0]  }
0x271: {  	v7 =	vmul.f32 v19, v17;
	v17 =	vld [tilespmem:$0x1F810]  }
0x272: {  	v2 =	vadd.f32 v3, v2;
	v3 =	vmul.f32 v57, v54;
	v19 =	vld [tilespmem:$0x1F820]  }
0x273: {  	v0 =	vadd.f32 v4, v0;
	v4 =	vadd.f32 v5, v59;
	v59 =	vld [tilespmem:$0x1F7B0]  }
0x274: {  	v2 =	vadd.f32 v3, v2;
	v3 =	vmul.f32 v16, v15;
	v15 =	vld [tilespmem:s10+$0xED0]  }
0x275: {  	v16 =	vld [tilespmem:$0x1F800]  }
0x276: {  	v5 =	vmul.f32 v23, v20;
	v20 =	vld [tilespmem:$0x1F830]  }
0x277: {  	v23 =	vld [tilespmem:$0x1F840]  }
0x278: {  	v0 =	vadd.f32 v6, v0;
	v6 =	vmul.f32 v47, v35;
	v35 =	vld [tilespmem:$0x1F870]  }
0x279: {  	v2 =	vadd.f32 v3, v2;
	v3 =	vmul.f32 v27, v24;
	v24 =	vld [tilespmem:$0x1F850]  }
0x27a: {  	v27 =	vld [tilespmem:$0x1F860]  }
0x27b: {  	v9 =	vadd.f32 v3, v2;
	v2 =	vmul.f32 v11, v10;
	v10 =	vld [tilespmem:$0x1F880]  }
0x27c: {  	v11 =	vld [tilespmem:$0x1F890]  }
0x27d: {  	v1 =	vadd.f32 v7, v1;
	v0 =	vadd.f32 v6, v0;
	v6 =	vmul.f32 v20, v19;
	v19 =	vld [tilespmem:s10+$0xEF0]  }
0x27e: {  	v4 =	vadd.f32 v5, v4;
	v5 =	vmul.f32 v59, v49;
	v20 =	vld [tilespmem:$0x1F8E0]  }
0x27f: {  	[tilespmem:$0x1FF60] =	vst v1;
	v1 =	vadd.f32 v2, v9;
	v9 =	vld [tilespmem:s10+$0xEE0]  }
0x280: {  	v12 =	vadd.f32 v5, v4;
	v4 =	vmul.f32 v14, v13;
	v13 =	vld [tilespmem:$0x1F8B0]  }
0x281: {  	v14 =	vld [tilespmem:s10+$0x4EE0]  }
0x282: {  	v5 =	vmul.f32 v17, v16;
	v16 =	vld [tilespmem:$0x1F8C0]  }
0x283: {  	v17 =	vld [tilespmem:$0x1F8D0]  }
0x284: {  	v2 =	vmul.f32 v24, v23;
	v23 =	vld [tilespmem:$0x1F8F0]  }
0x285: {  	v24 =	vld [tilespmem:$0x1F900]  }
0x286: {  	v3 =	vadd.f32 v4, v12;
	v12 =	vld [tilespmem:$0x1F8A0]  }
0x287: {  	v4 =	vmul.f32 v35, v27;
	v27 =	vld [tilespmem:$0x1F910]  }
0x288: {  	v0 =	vadd.f32 v5, v0;
	v5 =	vmul.f32 v11, v10;
	v10 =	vld [tilespmem:$0x1F9A0]  }
0x289: {  	[tilespmem:$0x1FFC0] =	vst v19;
	v19 =	vld [tilespmem:$0x1F950]  }
0x28a: {  	[tilespmem:$0x1FF70] =	vst v9;
	v9 =	vld [tilespmem:$0x1F990]  }
0x28b: {  	[tilespmem:$0x1FF30] =	vst v15;
	v15 =	vadd.f32 v4, v3;
	v3 =	vmul.f32 v17, v16;
	v17 =	vld [tilespmem:$0x1F940]  }
0x28c: {  	v4 =	vmul.f32 v23, v20;
	v20 =	vld [tilespmem:$0x1F960]  }
0x28d: {  	v23 =	vld [tilespmem:$0x1F970]  }
0x28e: {  	v7 =	vmul.f32 v13, v12;
	v12 =	vld [tilespmem:$0x1F920]  }
0x28f: {  	v13 =	vld [tilespmem:$0x1F930]  }
0x290: {  	v1 =	vadd.f32 v2, v1;
	v16 =	vld [tilespmem:$0x1FA00]  }
0x291: {  	v11 =	vadd.f32 v3, v15;
	v15 =	vld [tilespmem:$0x1F9F0];
	v5 =	vadd.f32 v7, v5;
	v7 =	vmul.f32 v27, v24  }
0x292: {  	v24 =	vld [tilespmem:$0x1F980]  }
0x293: {  	[tilespmem:$0x1FF80] =	vst v14;
	v1 =	vadd.f32 v4, v1;
	v4 =	vmul.f32 v19, v17;
	v19 =	vld [tilespmem:$0x1FA10];
	v14 =	vadd.f32 v7, v5  }
0x294: {  	v2 =	vmul.f32 v13, v12;
	v12 =	vld [tilespmem:$0x1F9C0]  }
0x295: {  	v3 =	vadd.f32 v4, v14;
	v14 =	vld [tilespmem:$0x1F9E0]  }
0x296: {  	v2 =	vadd.f32 v2, v11;
	v11 =	vld [tilespmem:$0x1F9B0]  }
0x297: {  	v13 =	vld [tilespmem:$0x1F9D0]  }
0x298: {  	v5 =	vmul.f32 v23, v20;
	v20 =	vld [tilespmem:$0x1FA20]  }
0x299: {  	v23 =	vld [tilespmem:$0x1FA30]  }
0x29a: {  	v0 =	vadd.f32 v6, v0;
	v6 =	vmul.f32 v9, v24;
	v9 =	vmul.f32 v15, v14;
	v14 =	vld [tilespmem:$0x1FA50]  }
0x29b: {  	v7 =	vmul.f32 v11, v10;
	v11 =	vld [tilespmem:$0x1FA40]  }
0x29c: {  	v39 =	vld [tilespmem:s10+$0x4A90];
	v4 =	vmul.f32 v13, v12  }
0x29d: {  	v55 =	vld [tilespmem:s10+$0x4A80]  }
0x29e: {  	v60 =	vld [tilespmem:s10+$0xAA0];
	v24 =	vmul.f32 v23, v20;
	v7 =	vadd.f32 v7, v2;
	v2 =	vadd.f32 v4, v3  }
0x29f: {  	v23 =	vld [tilespmem:$0x1FA60];
	v10 =	vmul.f32 v19, v16  }
0x2a0: {  	v3 =	vadd.f32 v24, v2;
	v24 =	vld [tilespmem:$0x1FA70];
	v15 =	vmul.f32 v14, v11  }
0x2a1: {  	v16 =	vmul.f32 v21, v26;
	v9 =	vadd.f32 v10, v9;
	v14 =	vld [tilespmem:$0x1FA80]  }
0x2a2: {  	v4 =	vadd.f32 v15, v7;
	v15 =	vld [tilespmem:$0x1FA90]  }
0x2a3: {  	v7 =	vadd.f32 v16, v9;
	v16 =	vld [tilespmem:$0x1FAA0]  }
0x2a4: {  	v20 =	vld [tilespmem:$0x1FAB0]  }
0x2a5: {  	v5 =	vadd.f32 v5, v1;
	v26 =	vmul.f32 v24, v23;
	v23 =	vld [tilespmem:$0x1FAC0]  }
0x2a6: {  	v37 =	vld [tilespmem:s10+$0x4AA0]  }
0x2a7: {  	v5 =	vadd.f32 v6, v5;
	v6 =	vadd.f32 v26, v3;
	v26 =	vld [tilespmem:$0x1FAD0]  }
0x2a8: {  	v9 =	vmul.f32 v22, v14;
	v14 =	vmul.f32 v16, v15;
	v16 =	vld [tilespmem:$0x1FAE0]  }
0x2a9: {  	v61 =	vld [tilespmem:s10+$0xAB0]  }
0x2aa: {  	v24 =	vmul.f32 v23, v20;
	v20 =	vld [tilespmem:$0x1FAF0]  }
0x2ab: {  	v23 =	vld [tilespmem:$0x1FB00]  }
0x2ac: {  	v6 =	vadd.f32 v24, v6;
	v24 =	vld [tilespmem:$0x1FB10]  }
0x2ad: {  	v16 =	vmul.f32 v16, v26;
	v26 =	vld [tilespmem:$0x1FB20]  }
0x2ae: {  	v58 =	vld [tilespmem:s10+$0xA90]  }
0x2af: {  	v62 =	vld [tilespmem:s10+$0xAC0]  }
0x2b0: {  	v63 =	vld [tilespmem:s10+$0xAD0]  }
0x2b1: {  	v7 =	vadd.f32 v9, v7;
	v9 =	vmul.f32 v23, v20;
	v23 =	vadd.f32 v14, v4;
	v4 =	vld [tilespmem:$0x1FB30]  }
0x2b2: {  	v15 =	vmul.f32 v26, v24;
	v24 =	vld [tilespmem:$0x1FB40]  }
0x2b3: {  	v26 =	vld [tilespmem:$0x1FB50]  }
0x2b4: {  	v43 =	vld [tilespmem:s10+$0x4AC0]  }
0x2b5: {  	v42 =	vld [tilespmem:s10+$0x4AE0]  }
0x2b6: {  	v46 =	vld [tilespmem:s10+$0xAE0]  }
0x2b7: {  	v6 =	vadd.f32 v15, v6;
	v15 =	vld [tilespmem:$0x1FB90]  }
0x2b8: {  	[tilespmem:$0x1FF90] =	vst v0;
	v7 =	vadd.f32 v9, v7;
	v0 =	vmul.f32 v24, v4;
	v9 =	vmul.f32 v26, v38;
	v4 =	vld [tilespmem:$0x1FB60]  }
0x2b9: {  	v38 =	vadd.f32 v16, v5;
	v5 =	vld [tilespmem:$0x1FB70]  }
0x2ba: {  	v7 =	vadd.f32 v9, v7;
	v9 =	vld [tilespmem:$0x1FB80]  }
0x2bb: {  	v55 =	vmul.f32 v55, v52;
	v52 =	vld [tilespmem:s10+$0xF60]  }
0x2bc: {  	v41 =	vld [tilespmem:s10+$0xAF0]  }
0x2bd: {  	v40 =	vld [tilespmem:s10+$0x4AF0]  }
0x2be: {  	v16 =	vmul.f32 v5, v4;
	v4 =	vadd.f32 v0, v23;
	v23 =	vld [tilespmem:$0x1FBA0]  }
0x2bf: {  	v9 =	vmul.f32 v15, v9;
	v15 =	vld [tilespmem:$0x1FBB0]  }
0x2c0: {  	v39 =	vmul.f32 v39, v58;
	v58 =	vld [tilespmem:$0x1FDB0]  }
0x2c1: {  	v28 =	vld [tilespmem:s10+$0x4AB0]  }
0x2c2: {  	v1 =	vadd.f32 v16, v6;
	v16 =	vld [tilespmem:$0x1FBC0]  }
0x2c3: {  	v6 =	vld [tilespmem:$0x1FBD0]  }
0x2c4: {  	v23 =	vmul.f32 v15, v23;
	v15 =	vld [tilespmem:$0x1FBE0]  }
0x2c5: {  	v44 =	vld [tilespmem:s10+$0x4AD0]  }
0x2c6: {  	v43 =	vmul.f32 v43, v62;
	v62 =	vld [tilespmem:$0x1FE70]  }
0x2c7: {  	v40 =	vmul.f32 v40, v41;
	v41 =	vld [tilespmem:$0x1FEA0]  }
0x2c8: {  	v0 =	vmul.f32 v16, v6;
	v16 =	vld [tilespmem:$0x1FBF0]  }
0x2c9: {  	v3 =	vmul.f32 v15, v25;
	v25 =	vld [tilespmem:$0x1FC00]  }
0x2ca: {  	v56 =	vld [tilespmem:s10+$0xE80]  }
0x2cb: {  	v45 =	vld [tilespmem:s10+$0x4E80]  }
0x2cc: {  	v28 =	vmul.f32 v28, v61;
	v61 =	vld [tilespmem:$0x1FE30]  }
0x2cd: {  	v15 =	vld [tilespmem:$0x1FC10]  }
0x2ce: {  	v2 =	vmul.f32 v25, v16;
	v25 =	vld [tilespmem:$0x1FC20]  }
0x2cf: {  	v63 =	vmul.f32 v44, v63;
	v44 =	vld [tilespmem:s10+$0xBB0]  }
0x2d0: {  	v48 =	vld [tilespmem:s10+$0xEB0];
	v0 =	vadd.f32 v0, v1  }
0x2d1: {  	v53 =	vld [tilespmem:s10+$0xE90]  }
0x2d2: {  	v0 =	vadd.f32 v3, v0;
	v3 =	vmul.f32 v30, v8;
	v30 =	vld [tilespmem:$0x1FC60]  }
0x2d3: {  	v1 =	vmul.f32 v25, v15;
	v15 =	vld [tilespmem:$0x1FC30]  }
0x2d4: {  	v25 =	vld [tilespmem:$0x1FC40]  }
0x2d5: {  	v1 =	vadd.f32 v18, v1;
	v18 =	vmul.f32 v34, v29;
	v34 =	vld [tilespmem:$0x1FC70]  }
0x2d6: {  	v50 =	vld [tilespmem:s10+$0xEA0]  }
0x2d7: {  	v51 =	vld [tilespmem:s10+$0x4EB0];
	v9 =	vadd.f32 v9, v7  }
0x2d8: {  	v57 =	vld [tilespmem:s10+$0x4E90]  }
0x2d9: {  	v2 =	vadd.f32 v2, v9;
	v9 =	vmul.f32 v25, v15;
	v15 =	vld [tilespmem:$0x1FC80]  }
0x2da: {  	v29 =	vmul.f32 v30, v34;
	v34 =	vld [tilespmem:$0x1FC90]  }
0x2db: {  	v54 =	vld [tilespmem:s10+$0x4EA0]  }
0x2dc: {  	v35 =	vld [tilespmem:s10+$0x4EF0]  }
0x2dd: {  	v47 =	vld [tilespmem:s10+$0xEC0]  }
0x2de: {  	v49 =	vld [tilespmem:s10+$0x4EC0]  }
0x2df: {  	v23 =	vadd.f32 v23, v4;
	v4 =	vmul.f32 v34, v15;
	v15 =	vld [tilespmem:$0x1FCA0]  }
0x2e0: {  	v59 =	vld [tilespmem:s10+$0x4ED0]  }
0x2e1: {  	[tilespmem:$0x1FFD0] =	vst v35;
	v35 =	vld [tilespmem:s10+$0xB00]  }
0x2e2: {  	v27 =	vld [tilespmem:s10+$0x4B00]  }
0x2e3: {  	v2 =	vadd.f32 v9, v2;
	v34 =	vld [tilespmem:$0x1FCE0]  }
0x2e4: {  	v1 =	vadd.f32 v3, v1;
	v3 =	vmul.f32 v31, v15;
	v15 =	vld [tilespmem:$0x1FCD0]  }
0x2e5: {  	v2 =	vadd.f32 v29, v2;
	v29 =	vld [tilespmem:$0x1FCB0]  }
0x2e6: {  	v31 =	vld [tilespmem:$0x1FCC0]  }
0x2e7: {  	v17 =	vld [tilespmem:s10+$0xB10]  }
0x2e8: {  	v12 =	vld [tilespmem:s10+$0x4B10]  }
0x2e9: {  	v13 =	vld [tilespmem:s10+$0x4B20];
	v0 =	vadd.f32 v18, v0;
	v18 =	vmul.f32 v15, v34  }
0x2ea: {  	v32 =	vmul.f32 v32, v36;
	v19 =	vld [tilespmem:s10+$0xB20]  }
0x2eb: {  	v36 =	vadd.f32 v4, v23;
	v31 =	vmul.f32 v31, v29;
	v4 =	vadd.f32 v18, v0;
	v18 =	vld [tilespmem:$0x1FD10]  }
0x2ec: {  	v34 =	vld [tilespmem:$0x1FD00]  }
0x2ed: {  	v2 =	vadd.f32 v31, v2;
	v31 =	vld [tilespmem:$0x1FCF0]  }
0x2ee: {  	v21 =	vld [tilespmem:s10+$0xB30]  }
0x2ef: {  	v23 =	vld [tilespmem:$0x1FD20]  }
0x2f0: {  	v18 =	vmul.f32 v33, v18;
	v33 =	vld [tilespmem:$0x1FD30]  }
0x2f1: {  	v10 =	vld [tilespmem:s10+$0x4B30]  }
0x2f2: {  	v12 =	vmul.f32 v12, v17;
	v17 =	vld [tilespmem:s10+$0x4BA0];
	v31 =	vmul.f32 v34, v31  }
0x2f3: {  	v11 =	vld [tilespmem:s10+$0x4B40]  }
0x2f4: {  	v2 =	vadd.f32 v31, v2;
	v31 =	vld [tilespmem:$0x1FD50]  }
0x2f5: {  	v33 =	vmul.f32 v33, v23;
	v23 =	vld [tilespmem:$0x1FD40]  }
0x2f6: {  	v10 =	vmul.f32 v10, v21;
	v21 =	vld [tilespmem:$0x1FF70]  }
0x2f7: {  	v22 =	vld [tilespmem:s10+$0xB40]  }
0x2f8: {  	v20 =	vld [tilespmem:s10+$0xB50]  }
0x2f9: {  	v1 =	vadd.f32 v3, v1;
	v3 =	vld [tilespmem:$0x1FD60]  }
0x2fa: {  	v0 =	vmul.f32 v31, v23;
	v23 =	vld [tilespmem:$0x1FD70]  }
0x2fb: {  	v14 =	vld [tilespmem:s10+$0x4B50]  }
0x2fc: {  	v24 =	vld [tilespmem:s10+$0xB60];
	v1 =	vadd.f32 v32, v1  }
0x2fd: {  	v5 =	vld [tilespmem:s10+$0x4B60]  }
0x2fe: {  	v18 =	vadd.f32 v18, v1;
	v1 =	vld [tilespmem:$0x1FD80]  }
0x2ff: {  	v3 =	vmul.f32 v23, v3;
	v23 =	vld [tilespmem:$0x1FD90]  }
0x300: {  	v26 =	vld [tilespmem:s10+$0xB70]  }
0x301: {  	v4 =	vadd.f32 v33, v4;
	v33 =	vld [tilespmem:$0x1FDA0]  }
0x302: {  	v7 =	vld [tilespmem:s10+$0x4F00]  }
0x303: {  	v5 =	vmul.f32 v5, v24;
	v24 =	vld [tilespmem:s10+$0xF90]  }
0x304: {  	v6 =	vld [tilespmem:s10+$0x4B70];
	v1 =	vmul.f32 v23, v1  }
0x305: {  	v8 =	vld [tilespmem:s10+$0x4F10]  }
0x306: {  	v1 =	vadd.f32 v1, v18;
	v18 =	vmul.f32 v58, v33;
	v33 =	vmul.f32 v37, v60;
	v60 =	vld [tilespmem:$0x1FDC0]  }
0x307: {  	v58 =	vld [tilespmem:$0x1FDD0]  }
0x308: {  	v16 =	vld [tilespmem:s10+$0xF00]  }
0x309: {  	v25 =	vld [tilespmem:s10+$0xF10]  }
0x30a: {  	v30 =	vld [tilespmem:s10+$0xF20];
	v2 =	vadd.f32 v0, v2  }
0x30b: {  	v9 =	vld [tilespmem:s10+$0x4F20]  }
0x30c: {  	v2 =	vadd.f32 v3, v2;
	v3 =	vadd.f32 v39, v55;
	v55 =	vmul.f32 v58, v60;
	v60 =	vld [tilespmem:$0x1FDE0]  }
0x30d: {  	v58 =	vld [tilespmem:$0x1FDF0]  }
0x30e: {  	v32 =	vld [tilespmem:s10+$0x4F40]  }
0x30f: {  	v29 =	vld [tilespmem:s10+$0xF30]  }
0x310: {  	v15 =	vld [tilespmem:s10+$0x4F30]  }
0x311: {  	v34 =	vld [tilespmem:s10+$0xF40]  }
0x312: {  	v1 =	vadd.f32 v18, v1;
	v18 =	vmul.f32 v58, v60;
	v58 =	vld [tilespmem:$0x1FE00]  }
0x313: {  	v60 =	vld [tilespmem:$0x1FE10]  }
0x314: {  	v31 =	vld [tilespmem:s10+$0xF50]  }
0x315: {  	v0 =	vld [tilespmem:s10+$0x4F60]  }
0x316: {  	v39 =	vld [tilespmem:s10+$0xF70]  }
0x317: {  	v23 =	vld [tilespmem:s10+$0x4F50]  }
0x318: {  	v58 =	vmul.f32 v60, v58;
	v60 =	vld [tilespmem:$0x1FE20]  }
0x319: {  	v37 =	vld [tilespmem:s10+$0x4F70]  }
0x31a: {  	v3 =	vadd.f32 v33, v3;
	v33 =	vld [tilespmem:s10+$0xB80]  }
0x31b: {  	v2 =	vadd.f32 v55, v2;
	v55 =	vld [tilespmem:s10+$0x4B80]  }
0x31c: {  	v4 =	vadd.f32 v58, v4;
	v58 =	vld [tilespmem:$0x1FE60]  }
0x31d: {  	v1 =	vadd.f32 v18, v1;
	v18 =	vmul.f32 v61, v60;
	v60 =	vld [tilespmem:$0x1FE40]  }
0x31e: {  	v61 =	vld [tilespmem:$0x1FE50]  }
0x31f: {  	v23 =	vmul.f32 v23, v31;
	v31 =	vld [tilespmem:s10+$0x4FF0]  }
0x320: {  	v55 =	vmul.f32 v55, v33;
	v33 =	vmul.f32 v51, v48;
	v48 =	vld [tilespmem:$0x1FF00]  }
0x321: {  	v1 =	vadd.f32 v18, v1;
	v18 =	vmul.f32 v62, v58;
	v58 =	vld [tilespmem:s10+$0x4B90]  }
0x322: {  	v3 =	vadd.f32 v28, v3;
	v62 =	vld [tilespmem:$0x1FE90]  }
0x323: {  	v1 =	vadd.f32 v18, v1;
	v18 =	vmul.f32 v27, v35;
	v35 =	vld [tilespmem:s10+$0xFA0];
	v60 =	vmul.f32 v61, v60  }
0x324: {  	v61 =	vld [tilespmem:s10+$0xB90]  }
0x325: {  	v28 =	vadd.f32 v60, v2;
	v2 =	vadd.f32 v43, v3;
	v43 =	vld [tilespmem:s10+$0xBA0]  }
0x326: {  	v60 =	vld [tilespmem:$0x1FE80]  }
0x327: {  	v2 =	vadd.f32 v63, v2;
	v63 =	vmul.f32 v42, v46;
	v46 =	vld [tilespmem:s10+$0x4BB0]  }
0x328: {  	v42 =	vld [tilespmem:$0x1FEB0]  }
0x329: {  	v58 =	vmul.f32 v58, v61;
	v61 =	vld [tilespmem:s10+$0x4BC0]  }
0x32a: {  	v2 =	vadd.f32 v63, v2;
	v63 =	vmul.f32 v45, v56;
	v56 =	vld [tilespmem:s10+$0xBF0]  }
0x32b: {  	v27 =	vmul.f32 v62, v60;
	v60 =	vld [tilespmem:s10+$0xBC0]  }
0x32c: {  	v62 =	vld [tilespmem:s10+$0xBD0]  }
0x32d: {  	v3 =	vadd.f32 v58, v55;
	v55 =	vmul.f32 v57, v53;
	v57 =	vld [tilespmem:s10+$0x4BF0]  }
0x32e: {  	v13 =	vmul.f32 v13, v19;
	v12 =	vadd.f32 v12, v18;
	v58 =	vld [tilespmem:s10+$0xF80]  }
0x32f: {  	v53 =	vld [tilespmem:s10+$0x4FC0]  }
0x330: {  	v12 =	vadd.f32 v13, v12;
	v2 =	vadd.f32 v40, v2;
	v40 =	vld [tilespmem:s10+$0x4BD0]  }
0x331: {  	v17 =	vmul.f32 v17, v43;
	v43 =	vmul.f32 v46, v44;
	v44 =	vld [tilespmem:s10+$0xBE0]  }
0x332: {  	v11 =	vmul.f32 v11, v22;
	v10 =	vadd.f32 v10, v12;
	v46 =	vld [tilespmem:s10+$0x4BE0]  }
0x333: {  	v1 =	vadd.f32 v27, v1;
	v27 =	vld [tilespmem:s10+$0x4F90]  }
0x334: {  	v45 =	vmul.f32 v14, v20;
	v10 =	vadd.f32 v11, v10;
	v22 =	vmul.f32 v42, v41;
	v41 =	vld [tilespmem:s10+$0x4FA0]  }
0x335: {  	v42 =	vld [tilespmem:s10+$0xFB0]  }
0x336: {  	v3 =	vadd.f32 v17, v3;
	v10 =	vadd.f32 v45, v10;
	v45 =	vld [tilespmem:s10+$0x4FB0]  }
0x337: {  	v2 =	vadd.f32 v63, v2;
	v63 =	vld [tilespmem:$0x1FED0]  }
0x338: {  	v3 =	vadd.f32 v43, v3;
	v43 =	vmul.f32 v49, v47;
	v47 =	vld [tilespmem:$0x1FEF0]  }
0x339: {  	v49 =	vld [tilespmem:s10+$0xFC0]  }
0x33a: {  	v13 =	vmul.f32 v61, v60;
	v61 =	vld [tilespmem:s10+$0x4F80]  }
0x33b: {  	v60 =	vmul.f32 v54, v50;
	v50 =	vld [tilespmem:$0x1FF10]  }
0x33c: {  	v54 =	vld [tilespmem:$0x1FF20]  }
0x33d: {  	v2 =	vadd.f32 v55, v2;
	v55 =	vld [tilespmem:$0x1FF30]  }
0x33e: {  	v11 =	vmul.f32 v57, v56;
	v57 =	vld [tilespmem:s10+$0xFD0]  }
0x33f: {  	v12 =	vmul.f32 v40, v62;
	v62 =	vld [tilespmem:$0x1FEC0];
	v3 =	vadd.f32 v13, v3  }
0x340: {  	v6 =	vmul.f32 v6, v26;
	v5 =	vadd.f32 v5, v10;
	v40 =	vmul.f32 v8, v25;
	v25 =	vld [tilespmem:$0x1FF90]  }
0x341: {  	v1 =	vadd.f32 v22, v1;
	v22 =	vmul.f32 v46, v44;
	v46 =	vld [tilespmem:$0x1FEE0];
	v3 =	vadd.f32 v12, v3  }
0x342: {  	v26 =	vmul.f32 v7, v16;
	v5 =	vadd.f32 v6, v5;
	v2 =	vadd.f32 v60, v2;
	v60 =	vld [tilespmem:s10+$0x4FD0]  }
0x343: {  	v7 =	vmul.f32 v27, v24;
	v27 =	vld [tilespmem:$0x1FFB0];
	v3 =	vadd.f32 v22, v3  }
0x344: {  	v5 =	vadd.f32 v26, v5;
	v26 =	vld [tilespmem:$0x1FFA0]  }
0x345: {  	v10 =	vmul.f32 v61, v58;
	v58 =	vld [tilespmem:$0x1FF40];
	v20 =	vmul.f32 v63, v62;
	v3 =	vadd.f32 v11, v3  }
0x346: {  	v0 =	vmul.f32 v0, v52;
	v44 =	vmul.f32 v9, v30;
	v5 =	vadd.f32 v40, v5;
	v61 =	vld [tilespmem:$0x1FF50]  }
0x347: {  	v51 =	vmul.f32 v15, v29;
	(xrf2) =	vadd.scan.msk.f32 $0xffff, v46;
	v1 =	vadd.f32 v20, v1;
	v20 =	vld [tilespmem:$0x1FF60];
	v3 =	vadd.f32 v10, v3  }
0x348: {  	v56 =	vmul.f32 v41, v35;
	v35 =	vmul.f32 v37, v39;
	v22 =	vld [tilespmem:$0x1FF80];
	v5 =	vadd.f32 v44, v5;
	(xrf2) =	vadd.scan.msk.f32 $0xffff, v50  }
0x349: {  	v2 =	vadd.f32 v33, v2;
	v16 =	vmul.f32 v48, v47;
	v33 =	vld [tilespmem:$0x1FFD0];
	(xrf2) =	vadd.scan.msk.f32 $0xffff, v54;
	v3 =	vadd.f32 v7, v3  }
0x34a: {  	v14 =	vmul.f32 v59, v55;
	v59 =	vmul.f32 v32, v34;
	v32 =	vld [tilespmem:$0x1FFC0];
	v5 =	vadd.f32 v51, v5;
	(xrf2) =	vadd.scan.msk.f32 $0xffff, v58  }
0x34b: {  	v24 =	vld [tilespmem:s10+$0x4FE0];
	v2 =	vadd.f32 v43, v2;
	v62 =	vmul.f32 v45, v42;
	(xrf2) =	vadd.scan.msk.f32 $0xffff, v61;
	v3 =	vadd.f32 v56, v3  }
0x34c: {  	v29 =	vmul.f32 v53, v49;
	v63 =	vld [tilespmem:s10+$0xFE0];
	v34 =	vmul.f32 v60, v57;
	v5 =	vadd.f32 v59, v5;
	(xrf2) =	vadd.scan.msk.f32 $0xffff, v20  }
0x34d: {  	v39 =	vld [tilespmem:$0x1FFE0];
	v2 =	vadd.f32 v14, v2;
	v11 =	vmul.f32 v22, v21;
	(xrf2) =	vadd.scan.msk.f32 $0xffff, v25;
	v3 =	vadd.f32 v62, v3  }
0x34e: {  	v30 =	vld [tilespmem:s10+$0xFF0];
	v15 =	vmul.f32 v27, v26;
	v1 =	vadd.f32 v16, v1;
	v5 =	vadd.f32 v23, v5;
	(xrf2) =	vadd.scan.msk.f32 $0xffff, v38  }
0x34f: {  	v2 =	vadd.f32 v11, v2;
	v11 =	vmul.f32 v33, v32;
	(xrf2) =	vadd.scan.msk.f32 $0xffff, v36;
	v3 =	vadd.f32 v29, v3  }
0x350: {  	v1 =	vadd.f32 v15, v1;
	v0 =	vadd.f32 v0, v5;
	(xrf2) =	vadd.scan.msk.f32 $0xffff, v4  }
0x351: {  	v37 =	vmul.f32 v24, v63;
	v2 =	vadd.f32 v11, v2;
	v36, _, _ =	vpop (xrf2);
	(xrf2) =	vadd.scan.msk.f32 $0xffff, v28;
	v3 =	vadd.f32 v34, v3  }
0x352: {  	v0 =	vadd.f32 v35, v0;
	v38, _, _ =	vpop (xrf2);
	v5 =	vbroadcast v36, $0xF;
	(xrf2) =	vadd.scan.msk.f32 $0xffff, v1;
	v1 =	vbroadcast v39, $0xF  }
0x353: {  	v42 =	vmul.f32 v31, v30;
	v40, _, _ =	vpop (xrf2);
	v43 =	vbroadcast v38, $0xF;
	(xrf2) =	vadd.scan.msk.f32 $0xffff, v2;
	v41 =	vadd.f32 v37, v3  }
0x354: {  	v4 =	vbroadcast v40, $0xF;
	v44, _, _ =	vpop (xrf2);
	v1 =	vsel vm0, v1, v5;
	(xrf2) =	vadd.scan.msk.f32 $0xffff, v0  }
0x355: {  	v45, _, _ =	vpop (xrf2);
	v5 =	vbroadcast v44, $0xF;
	v1 =	vsel vm1, v1, v43;
	v2 =	vadd.f32 v42, v41  }
0x356: {  	v0 =	vbroadcast v45, $0xF;
	v46, _, _ =	vpop (xrf2);
	v1 =	vsel vm2, v1, v4  }
0x357: {  	v1 =	vsel vm3, v1, v5;
	v3 =	vbroadcast v46, $0xF;
	v47, _, _ =	vpop (xrf2);
	(xrf2) =	vadd.scan.msk.f32 $0xffff, v2  }
0x358: {  	v48, _, _ =	vpop (xrf2);
	v0 =	vsel vm4, v1, v0;
	v49 =	vbroadcast v47, $0xF  }
0x359: {  	v50, _, _ =	vpop (xrf2);
	v0 =	vsel vm5, v0, v3;
	v2 =	vbroadcast v48, $0xF  }
0x35a: {  	v51, _, _ =	vpop (xrf2);
	v0 =	vsel vm6, v0, v49;
	v52 =	vbroadcast v50, $0xF  }
0x35b: {  	v63 =	vld [tilespmem:$0x1FFF0];
	v53, _, _ =	vpop (xrf2);
	v0 =	vsel vm7, v0, v2;
	v54 =	vbroadcast v51, $0xF  }
0x35c: {  	v55, _, _ =	vpop (xrf2);
	v0 =	vsel vm8, v0, v52;
	v56 =	vbroadcast v53, $0xF  }
0x35d: {  	v57, _, _ =	vpop (xrf2);
	v0 =	vsel vm9, v0, v54;
	v58 =	vbroadcast v55, $0xF  }
0x35e: {  	p0 =	sne.s32 s9, $0x3;
	v59, _, _ =	vpop (xrf2);
	v0 =	vsel vm10, v0, v56;
	v60 =	vbroadcast v57, $0xF  }
.Ltmp0:
0x35f: {  	v0 =	vsel vm11, v0, v58;
	v61 =	vbroadcast v59, $0xF;
	(pc) =	sbr.rel @p0 .LBB2_3-.Ltmp0, $4  }
0x360: {  	v0 =	vsel vm12, v0, v60  }
0x361: {  	s31 =	sshll.u32 s9, $0x4;
	v0 =	vsel vm13, v0, v61;
	v62, _, _ =	vpop (xrf2)  }
0x362: {  	s10 =	sand.u32 $0x3FFFFFF0, s31;
	v0 =	vsel vm14, v0, v62  }
0x363: {  	s9 =	sadd.s32 $0x1, s9;
	[tilespmem:v63+s10+$0x0 ss:$0x1] =	vst.idx.msk $0xffff, v0  }
0x364: {  	s8 =	sadd.s32 $0x1, s8  }
0x365: {  	p0 =	sne.s32 s8, $0x4F  }
.Ltmp1:
0x366: {  	_ = 	snop;
	(pc) =	sbr.rel @p0 .LBB2_2-.Ltmp1, $1  }
0x367: {  	_ =	sdelay $0x3  }
0x368: {  	s7 =	sadd.s32 $0x1, s7  }
0x369: {  	p0 =	sne.s32 s7, s4  }
.Ltmp2:
0x36a: {  	_ = 	snop;
	(pc) =	sbr.rel @p0 .LBB2_1-.Ltmp2, $4  }
0x36b: {  	[hbm4b:s3+s2] =	stream.linear.scatter [tilespmem:s5], [sflag:$0x1], $0x13C0, $0x38;
	[tilespmem:$0x9400] =	vst v63  }
0x36c: {  	_ =	swait.ge [sflag:s6], $0x13C0  }
0x36d: {  	[sflag:s6] =	ssyncset.done $0x0  }
0x36e: {  	[sflag:s6] =	ssyncadd.s32 $0xFFFFEC40  }
0x36f: {  	_ =	sfence.sel $0x180000  }
0x370: {  	[bflag:$0x0] =	sbarrier.arrive $0xFFFF  }
0x371: {  	p0 =	sne.s32 s0, $0x0;
	_ =	strace $0x90000047  }
0x372: {  	s0 =	sadd.s32 @!p0 $0x100000, s1;
	[bflag:$0x2] =	sbarrier.arrive $0xFFFF  }
0x373: {  	[sflag:s0] =	ssyncadd.tile.s32 @!p0 $0x1;
	_ =	shalt  }
.Lfunc_end2:
_tile_overlayer_lowered:
.L_overlay_start_2:
0x374: {  	(tag) =	ssettag $0x2  }
0x375: {  	s0 =	rddreg [dreg:$0x0];
	s2 =	stileid.u32  }
0x376: {  	s1 =	rddreg [dreg:$0x1];
	p0 =	sne.s32 s2, $0x0  }
0x377: {  	s3 =	rddreg [dreg:$0x2];
	[bflag:$0x3] =	sbarrier.arrive $0xFFFF;
	s2 =	simm.s32 @!p0 $0x1C01  }
0x378: {  	[timem:s3], [sflag:s2] =	dma.local @!p0 [hbm:s0], s1  }
0x379: {  	s0 =	simm.s32 @!p0 $0x1  }
0x37a: {  	_ =	swait.ge @!p0 [sflag:s0], s1  }
0x37b: {  	s1 =	ssub.s32 @!p0 $0x0, s1;
	[sflag:s0] =	ssyncset.done @!p0 $0x0  }
0x37c: {  	[sflag:s0] =	ssyncadd.s32 @!p0 s1  }
0x37d: {  	[bflag:$0x3] =	sbarrier.arrive $0xFFFF  }
0x37e: {  	_ =	shalt  }

</sc_bundles>
